<compile_context>
chip_gen: v7x
topology: tpu7x:2x2x1
jax: 0.10.2.dev20260603
libtpu: 0.0.44.dev20260713+nightly
codegen_flags: <defaults>
</compile_context>

<pallas_src>
import functools

import jax
import jax.numpy as jnp
from jax import lax
from jax.experimental import pallas as pl
from jax.experimental.pallas import tpu as pltpu
from jax.experimental.pallas import tpu_sc as plsc

BATCH = 16384
HIST = 20
SKU_DIM = 64
CAT_DIM = 16
PRICE_DIM = 16
WORD_DIM = 64
ITEM_DIM = 128
CONCAT_DIM = SKU_DIM + CAT_DIM + PRICE_DIM + WORD_DIM

NUM_CORES = 2
NUM_SUBCORES = 16
NW = NUM_CORES * NUM_SUBCORES
BPW = BATCH // NW
IDX_CHUNK = 128
WCHUNK = 16
WROWS = WCHUNK * HIST
NWCHUNK = BPW // WCHUNK
WSPLIT = ((0, 128), (128, 128), (256, 64))


def _sc_scp(sku_id, cat_id, price_id, sku_table, cat_table, price_table):
    mesh = plsc.VectorSubcoreMesh(core_axis_name="c", subcore_axis_name="s")
    f32 = jnp.float32

    @functools.partial(
        pl.kernel,
        out_type=[
            jax.ShapeDtypeStruct((BATCH, SKU_DIM), f32),
            jax.ShapeDtypeStruct((BATCH, CAT_DIM), f32),
            jax.ShapeDtypeStruct((BATCH, PRICE_DIM), f32),
        ],
        mesh=mesh,
        compiler_params=pltpu.CompilerParams(use_tc_tiling_on_sc=False),
        scratch_types=[
            pltpu.VMEM((BPW,), jnp.int32),
            pltpu.VMEM((BPW,), jnp.int32),
            pltpu.VMEM((BPW,), jnp.int32),
            pltpu.VMEM((BPW, SKU_DIM), f32),
            pltpu.VMEM((BPW, CAT_DIM), f32),
            pltpu.VMEM((BPW, PRICE_DIM), f32),
            pltpu.SemaphoreType.DMA,
            pltpu.SemaphoreType.DMA,
            pltpu.SemaphoreType.DMA,
        ],
    )
    def k(sku_id_h, cat_id_h, price_id_h,
          sku_t_h, cat_t_h, price_t_h,
          sku_o, cat_o, price_o,
          idx_s, idx_c, idx_p, sku_rows, cat_rows, price_rows,
          sem_i, sem_g, sem_o):
        wid = lax.axis_index("s") * NUM_CORES + lax.axis_index("c")
        base = wid * BPW

        ic = [
            pltpu.async_copy(sku_id_h.at[pl.ds(base, BPW)], idx_s, sem_i),
            pltpu.async_copy(cat_id_h.at[pl.ds(base, BPW)], idx_c, sem_i),
            pltpu.async_copy(price_id_h.at[pl.ds(base, BPW)], idx_p, sem_i),
        ]
        for c in ic:
            c.wait()

        for j in range(BPW // IDX_CHUNK):
            sl = pl.ds(j * IDX_CHUNK, IDX_CHUNK)
            pltpu.async_copy(sku_t_h.at[idx_s.at[sl]], sku_rows.at[sl], sem_g)
            pltpu.async_copy(cat_t_h.at[idx_c.at[sl]], cat_rows.at[sl], sem_g)
            pltpu.async_copy(price_t_h.at[idx_p.at[sl]], price_rows.at[sl],
                             sem_g)
        for j in range(BPW // IDX_CHUNK):
            sl = pl.ds(j * IDX_CHUNK, IDX_CHUNK)
            pltpu.make_async_copy(sku_t_h.at[pl.ds(0, IDX_CHUNK)],
                                  sku_rows.at[sl], sem_g).wait()
            pltpu.make_async_copy(cat_t_h.at[pl.ds(0, IDX_CHUNK)],
                                  cat_rows.at[sl], sem_g).wait()
            pltpu.make_async_copy(price_t_h.at[pl.ds(0, IDX_CHUNK)],
                                  price_rows.at[sl], sem_g).wait()
        out_sl = pl.ds(base, BPW)
        oc = [
            pltpu.async_copy(sku_rows, sku_o.at[out_sl], sem_o),
            pltpu.async_copy(cat_rows, cat_o.at[out_sl], sem_o),
            pltpu.async_copy(price_rows, price_o.at[out_sl], sem_o),
        ]

        for c in oc:
            c.wait()

    return k(sku_id, cat_id, price_id, sku_table, cat_table, price_table)


def _sc_word(wids, word_table):
    mesh = plsc.VectorSubcoreMesh(core_axis_name="c", subcore_axis_name="s")
    f32 = jnp.float32

    @functools.partial(
        pl.kernel,
        out_type=[jax.ShapeDtypeStruct((BATCH, WORD_DIM), f32)],
        mesh=mesh,
        compiler_params=pltpu.CompilerParams(use_tc_tiling_on_sc=False),
        scratch_types=[
            pltpu.VMEM((BPW * HIST,), jnp.int32),
            pltpu.VMEM((2, WROWS, WORD_DIM), f32),
            pltpu.VMEM((2, WCHUNK, WORD_DIM), f32),
            pltpu.SemaphoreType.DMA,
            pltpu.SemaphoreType.DMA,
            pltpu.SemaphoreType.DMA,
            pltpu.SemaphoreType.DMA,
            pltpu.SemaphoreType.DMA,
        ],
    )
    def k(wids_h, word_t_h, word_o,
          idx_w, wbuf, mean_buf, sem_i, sem_w0, sem_w1, sem_m0, sem_m1):
        wid = lax.axis_index("s") * NUM_CORES + lax.axis_index("c")
        base = wid * BPW
        wbase = base * HIST
        sem_w = (sem_w0, sem_w1)
        sem_m = (sem_m0, sem_m1)

        pltpu.async_copy(wids_h.at[pl.ds(wbase, BPW * HIST)], idx_w,
                         sem_i).wait()

        def fire_wchunk(chunk, par):
            for off, n in WSPLIT:
                pltpu.async_copy(
                    word_t_h.at[idx_w.at[pl.ds(chunk * WROWS + off, n)]],
                    wbuf.at[par, pl.ds(off, n)], sem_w[par])

        def drain_wchunk(par):
            for off, n in WSPLIT:
                pltpu.make_async_copy(
                    word_t_h.at[pl.ds(0, n)],
                    wbuf.at[par, pl.ds(off, n)], sem_w[par]).wait()

        fire_wchunk(0, 0)
        fire_wchunk(1, 1)

        @pl.loop(0, NWCHUNK, step=2)
        def _c(c):
            for par in range(2):
                chunk = c + par
                drain_wchunk(par)

                @pl.when(chunk >= 2)
                def _():
                    pltpu.make_async_copy(
                        word_t_h.at[pl.ds(0, WCHUNK)],
                        mean_buf.at[par], sem_m[par]).wait()

                @pl.loop(0, WCHUNK)
                def _sample(s):
                    r0 = s * HIST
                    for d in range(WORD_DIM // 16):
                        sl = pl.ds(d * 16, 16)
                        acc = wbuf[par, r0, sl]
                        for h in range(1, HIST):
                            acc = acc + wbuf[par, r0 + h, sl]
                        mean_buf[par, s, sl] = acc * (1.0 / HIST)

                pltpu.async_copy(
                    mean_buf.at[par],
                    word_o.at[pl.ds(base + chunk * WCHUNK, WCHUNK)],
                    sem_m[par])

                @pl.when(chunk + 2 < NWCHUNK)
                def _():
                    fire_wchunk(chunk + 2, par)

        for par in range(2):
            pltpu.make_async_copy(word_t_h.at[pl.ds(0, WCHUNK)],
                                  mean_buf.at[par], sem_m[par]).wait()

    return k(wids, word_table)[0]


def _tc_dense(sku_emb, cat_emb, price_emb, word_emb, W, b):
    BM = 1024

    def body(s_ref, c_ref, p_ref, w_ref, W_ref, b_ref, o_ref):
        x = jnp.concatenate(
            [s_ref[...], c_ref[...], p_ref[...], w_ref[...]], axis=-1)
        acc = jnp.dot(x, W_ref[...], preferred_element_type=jnp.float32)
        o_ref[...] = jnp.maximum(acc + b_ref[...], 0.0)

    return pl.pallas_call(
        body,
        grid=(BATCH // BM,),
        in_specs=[
            pl.BlockSpec((BM, SKU_DIM), lambda i: (i, 0)),
            pl.BlockSpec((BM, CAT_DIM), lambda i: (i, 0)),
            pl.BlockSpec((BM, PRICE_DIM), lambda i: (i, 0)),
            pl.BlockSpec((BM, WORD_DIM), lambda i: (i, 0)),
            pl.BlockSpec((CONCAT_DIM, ITEM_DIM), lambda i: (0, 0)),
            pl.BlockSpec((1, ITEM_DIM), lambda i: (0, 0)),
        ],
        out_specs=pl.BlockSpec((BM, ITEM_DIM), lambda i: (i, 0)),
        out_shape=jax.ShapeDtypeStruct((BATCH, ITEM_DIM), jnp.float32),
    )(sku_emb, cat_emb, price_emb, word_emb, W, b)


def kernel(sku_id, cat_id, price_id, word_ids, sku_table, cat_table,
           price_table, word_table, W, b):
    sku_id = sku_id.astype(jnp.int32)
    cat_id = cat_id.astype(jnp.int32)
    price_id = price_id.astype(jnp.int32)
    wids = word_ids.astype(jnp.int32).reshape(-1)
    sku_emb, cat_emb, price_emb = _sc_scp(
        sku_id, cat_id, price_id, sku_table, cat_table, price_table)
    word_emb = _sc_word(wids, word_table)
    return _tc_dense(sku_emb, cat_emb, price_emb, word_emb,
                     W, b.reshape(1, ITEM_DIM))

# --- scband reference (transcript-rebuilt; emitter-appended) ---
"""Pipeline reference for scband-sku-embedding-38869454029702 (READ-ONLY COPY).

The authoritative reference and input builder live on the scoring server;
editing this copy changes nothing except your own understanding.
"""

import jax, jax.numpy as jnp
import numpy as np

NUM_SKU = 1000000
SKU_DIM = 64
NUM_CAT = 1000
CAT_DIM = 16
NUM_PRICE = 100
PRICE_DIM = 16
WORD_VOCAB = 100000
WORD_DIM = 64
ITEM_DIM = 128
BATCH = 16384
HIST = 20


def setup_inputs(seed: int = 0) -> dict:
    key = jax.random.key(seed)
    ks = jax.random.split(key, 10)
    sku_id = jax.random.randint(ks[0], (BATCH,), 0, NUM_SKU, dtype=jnp.int64 if jax.config.jax_enable_x64 else jnp.int32)
    cat_id = jax.random.randint(ks[1], (BATCH,), 0, NUM_CAT, dtype=jnp.int32)
    price_id = jax.random.randint(ks[2], (BATCH,), 0, NUM_PRICE, dtype=jnp.int32)
    word_ids = jax.random.randint(ks[3], (BATCH, HIST), 0, WORD_VOCAB, dtype=jnp.int32)
    sku_table = jax.random.normal(ks[4], (NUM_SKU, SKU_DIM), dtype=jnp.float32) * 0.02
    cat_table = jax.random.normal(ks[5], (NUM_CAT, CAT_DIM), dtype=jnp.float32) * 0.02
    price_table = jax.random.normal(ks[6], (NUM_PRICE, PRICE_DIM), dtype=jnp.float32) * 0.02
    word_table = jax.random.normal(ks[7], (WORD_VOCAB, WORD_DIM), dtype=jnp.float32) * 0.02
    # padding_idx=0 rows are zero in torch nn.Embedding
    sku_table = sku_table.at[0].set(0.0)
    cat_table = cat_table.at[0].set(0.0)
    price_table = price_table.at[0].set(0.0)
    concat_dim = SKU_DIM + CAT_DIM + PRICE_DIM + WORD_DIM
    W = jax.random.normal(ks[8], (concat_dim, ITEM_DIM), dtype=jnp.float32) * (1.0 / np.sqrt(concat_dim))
    b = jnp.zeros((ITEM_DIM,), dtype=jnp.float32)
    return {
        'sku_id': sku_id, 'cat_id': cat_id, 'price_id': price_id, 'word_ids': word_ids,
        'sku_table': sku_table, 'cat_table': cat_table, 'price_table': price_table,
        'word_table': word_table, 'W': W, 'b': b,
    }


def reference(sku_id, cat_id, price_id, word_ids, sku_table, cat_table, price_table, word_table, W, b):
    sku_emb = jnp.take(sku_table, sku_id, axis=0)                      # [B, 64]
    cat_emb = jnp.take(cat_table, cat_id, axis=0)                      # [B, 16]
    price_emb = jnp.take(price_table, price_id, axis=0)                # [B, 16]
    # nn.EmbeddingBag(mode='mean'): gather then mean over the bag (hist) dim
    word_emb = jnp.take(word_table, word_ids, axis=0).mean(axis=1)     # [B, 64]
    concat_emb = jnp.concatenate([sku_emb, cat_emb, price_emb, word_emb], axis=-1)
    item_emb = concat_emb @ W + b
    item_emb = jax.nn.relu(item_emb)
    return item_emb

if __name__ == "__main__":
    import jax
    _d = setup_inputs()
    print(jax.jit(kernel)(*tuple(_d.values())))

</pallas_src>

<mosaic_0001>
#map = affine_map<(d0, d1) -> (0)>
#map1 = affine_map<(d0, d1) -> (0, 0)>
module attributes {stable_mosaic.version = 14 : i64} {
  func.func @k(%arg0: i32, %arg1: i32, %arg2: memref<327680xi32, #tpu.memory_space<hbm>>, %arg3: memref<100000x64xf32, #tpu.memory_space<hbm>>, %arg4: memref<16384x64xf32, #tpu.memory_space<hbm>>, %arg5: memref<10240xi32, #tpu.memory_space<vmem>>, %arg6: memref<2x320x64xf32, #tpu.memory_space<vmem>>, %arg7: memref<2x16x64xf32, #tpu.memory_space<vmem>>, %arg8: memref<!tpu.dma_semaphore, #tpu.memory_space<semaphore_mem>>, %arg9: memref<!tpu.dma_semaphore, #tpu.memory_space<semaphore_mem>>, %arg10: memref<!tpu.dma_semaphore, #tpu.memory_space<semaphore_mem>>, %arg11: memref<!tpu.dma_semaphore, #tpu.memory_space<semaphore_mem>>, %arg12: memref<!tpu.dma_semaphore, #tpu.memory_space<semaphore_mem>>) attributes {dimension_semantics = [#tpu.dimension_semantics<core_parallel>, #tpu.dimension_semantics<subcore_parallel>], iteration_bounds = array<i64: 2, 16>, scalar_prefetch = 0 : i64, scratch_operands = 8 : i64, tpu.core_type = #tpu.core_type<sc_vector_subcore>, window_params = [{transform_indices = #map}, {transform_indices = #map1}, {transform_indices = #map1}]} {
    %mul3A = arith.constant 2 : i32
    %mul3A_0 = arith.muli %arg1, %mul3A : i32
    %add3A = arith.addi %mul3A_0, %arg0 : i32
    %mul3A_1 = arith.constant 512 : i32
    %mul3A_2 = arith.muli %add3A, %mul3A_1 : i32
    %mul3A_3 = arith.constant 20 : i32
    %mul3A_4 = arith.muli %mul3A_2, %mul3A_3 : i32
    %dma_start3A = tpu.memref_slice %arg2[%mul3A_4] : memref<327680xi32, #tpu.memory_space<hbm>> -> memref<10240xi32, #tpu.memory_space<hbm>>
    %dma_start3A_5 = tpu.memref_slice %arg2[%mul3A_4] : memref<327680xi32, #tpu.memory_space<hbm>> -> memref<10240xi32, #tpu.memory_space<hbm>>
    tpu.enqueue_dma source(%dma_start3A_5 : memref<10240xi32, #tpu.memory_space<hbm>>) target(%arg5 : memref<10240xi32, #tpu.memory_space<vmem>>) target_semaphore(%arg8 : memref<!tpu.dma_semaphore, #tpu.memory_space<semaphore_mem>>)
    %dma_wait3A = tpu.memref_slice %arg2[%mul3A_4] : memref<327680xi32, #tpu.memory_space<hbm>> -> memref<10240xi32, #tpu.memory_space<hbm>>
    %dma_wait3A_6 = tpu.memref_slice %arg2[%mul3A_4] : memref<327680xi32, #tpu.memory_space<hbm>> -> memref<10240xi32, #tpu.memory_space<hbm>>
    tpu.wait_dma2 semaphore(%arg8 : memref<!tpu.dma_semaphore, #tpu.memory_space<semaphore_mem>>) src(%dma_wait3A_6 : memref<10240xi32, #tpu.memory_space<hbm>>) dst(%arg5 : memref<10240xi32, #tpu.memory_space<vmem>>)
    %dma_start3A_7 = arith.constant 0 : i32
    %dma_start3A_8 = arith.constant 0 : i32
    %dma_start3A_9 = arith.constant 0 : i32
    %dma_start3A_10 = tpu.memref_slice %arg6[%dma_start3A_7, %dma_start3A_8, %dma_start3A_9] : memref<2x320x64xf32, #tpu.memory_space<vmem>> -> memref<1x128x64xf32, #tpu.memory_space<vmem>>
    %dma_start3A_11 = tpu.memref_squeeze %dma_start3A_10 : memref<1x128x64xf32, #tpu.memory_space<vmem>> -> memref<128x64xf32, #tpu.memory_space<vmem>>
    %dma_start3A_12 = arith.constant 0 : i32
    %dma_start3A_13 = tpu.memref_slice %arg5[%dma_start3A_12] : memref<10240xi32, #tpu.memory_space<vmem>> -> memref<128xi32, #tpu.memory_space<vmem>>
    %dma_start3A_14 = arith.constant 0 : i32
    %dma_start3A_15 = arith.constant 0 : i32
    %dma_start3A_16 = tpu.memref_slice %arg3[%dma_start3A_14, %dma_start3A_15] : memref<100000x64xf32, #tpu.memory_space<hbm>> -> memref<100000x64xf32, #tpu.memory_space<hbm>>
    tpu.enqueue_indirect_dma source(%dma_start3A_16 : memref<100000x64xf32, #tpu.memory_space<hbm>>) target(%dma_start3A_11 : memref<128x64xf32, #tpu.memory_space<vmem>>) offsets(%dma_start3A_13 : memref<128xi32, #tpu.memory_space<vmem>>) semaphore(%arg9 : memref<!tpu.dma_semaphore, #tpu.memory_space<semaphore_mem>>)
    %dma_start3A_17 = arith.constant 0 : i32
    %dma_start3A_18 = arith.constant 128 : i32
    %dma_start3A_19 = arith.constant 0 : i32
    %dma_start3A_20 = tpu.memref_slice %arg6[%dma_start3A_17, %dma_start3A_18, %dma_start3A_19] : memref<2x320x64xf32, #tpu.memory_space<vmem>> -> memref<1x128x64xf32, #tpu.memory_space<vmem>>
    %dma_start3A_21 = tpu.memref_squeeze %dma_start3A_20 : memref<1x128x64xf32, #tpu.memory_space<vmem>> -> memref<128x64xf32, #tpu.memory_space<vmem>>
    %dma_start3A_22 = arith.constant 128 : i32
    %dma_start3A_23 = tpu.memref_slice %arg5[%dma_start3A_22] : memref<10240xi32, #tpu.memory_space<vmem>> -> memref<128xi32, #tpu.memory_space<vmem>>
    %dma_start3A_24 = arith.constant 0 : i32
    %dma_start3A_25 = arith.constant 0 : i32
    %dma_start3A_26 = tpu.memref_slice %arg3[%dma_start3A_24, %dma_start3A_25] : memref<100000x64xf32, #tpu.memory_space<hbm>> -> memref<100000x64xf32, #tpu.memory_space<hbm>>
    tpu.enqueue_indirect_dma source(%dma_start3A_26 : memref<100000x64xf32, #tpu.memory_space<hbm>>) target(%dma_start3A_21 : memref<128x64xf32, #tpu.memory_space<vmem>>) offsets(%dma_start3A_23 : memref<128xi32, #tpu.memory_space<vmem>>) semaphore(%arg9 : memref<!tpu.dma_semaphore, #tpu.memory_space<semaphore_mem>>)
    %dma_start3A_27 = arith.constant 0 : i32
    %dma_start3A_28 = arith.constant 256 : i32
    %dma_start3A_29 = arith.constant 0 : i32
    %dma_start3A_30 = tpu.memref_slice %arg6[%dma_start3A_27, %dma_start3A_28, %dma_start3A_29] : memref<2x320x64xf32, #tpu.memory_space<vmem>> -> memref<1x64x64xf32, #tpu.memory_space<vmem>>
    %dma_start3A_31 = tpu.memref_squeeze %dma_start3A_30 : memref<1x64x64xf32, #tpu.memory_space<vmem>> -> memref<64x64xf32, #tpu.memory_space<vmem>>
    %dma_start3A_32 = arith.constant 256 : i32
    %dma_start3A_33 = tpu.memref_slice %arg5[%dma_start3A_32] : memref<10240xi32, #tpu.memory_space<vmem>> -> memref<64xi32, #tpu.memory_space<vmem>>
    %dma_start3A_34 = arith.constant 0 : i32
    %dma_start3A_35 = arith.constant 0 : i32
    %dma_start3A_36 = tpu.memref_slice %arg3[%dma_start3A_34, %dma_start3A_35] : memref<100000x64xf32, #tpu.memory_space<hbm>> -> memref<100000x64xf32, #tpu.memory_space<hbm>>
    tpu.enqueue_indirect_dma source(%dma_start3A_36 : memref<100000x64xf32, #tpu.memory_space<hbm>>) target(%dma_start3A_31 : memref<64x64xf32, #tpu.memory_space<vmem>>) offsets(%dma_start3A_33 : memref<64xi32, #tpu.memory_space<vmem>>) semaphore(%arg9 : memref<!tpu.dma_semaphore, #tpu.memory_space<semaphore_mem>>)
    %dma_start3A_37 = arith.constant 1 : i32
    %dma_start3A_38 = arith.constant 0 : i32
    %dma_start3A_39 = arith.constant 0 : i32
    %dma_start3A_40 = tpu.memref_slice %arg6[%dma_start3A_37, %dma_start3A_38, %dma_start3A_39] : memref<2x320x64xf32, #tpu.memory_space<vmem>> -> memref<1x128x64xf32, #tpu.memory_space<vmem>>
    %dma_start3A_41 = tpu.memref_squeeze %dma_start3A_40 : memref<1x128x64xf32, #tpu.memory_space<vmem>> -> memref<128x64xf32, #tpu.memory_space<vmem>>
    %dma_start3A_42 = arith.constant 320 : i32
    %dma_start3A_43 = tpu.memref_slice %arg5[%dma_start3A_42] : memref<10240xi32, #tpu.memory_space<vmem>> -> memref<128xi32, #tpu.memory_space<vmem>>
    %dma_start3A_44 = arith.constant 0 : i32
    %dma_start3A_45 = arith.constant 0 : i32
    %dma_start3A_46 = tpu.memref_slice %arg3[%dma_start3A_44, %dma_start3A_45] : memref<100000x64xf32, #tpu.memory_space<hbm>> -> memref<100000x64xf32, #tpu.memory_space<hbm>>
    tpu.enqueue_indirect_dma source(%dma_start3A_46 : memref<100000x64xf32, #tpu.memory_space<hbm>>) target(%dma_start3A_41 : memref<128x64xf32, #tpu.memory_space<vmem>>) offsets(%dma_start3A_43 : memref<128xi32, #tpu.memory_space<vmem>>) semaphore(%arg10 : memref<!tpu.dma_semaphore, #tpu.memory_space<semaphore_mem>>)
    %dma_start3A_47 = arith.constant 1 : i32
    %dma_start3A_48 = arith.constant 128 : i32
    %dma_start3A_49 = arith.constant 0 : i32
    %dma_start3A_50 = tpu.memref_slice %arg6[%dma_start3A_47, %dma_start3A_48, %dma_start3A_49] : memref<2x320x64xf32, #tpu.memory_space<vmem>> -> memref<1x128x64xf32, #tpu.memory_space<vmem>>
    %dma_start3A_51 = tpu.memref_squeeze %dma_start3A_50 : memref<1x128x64xf32, #tpu.memory_space<vmem>> -> memref<128x64xf32, #tpu.memory_space<vmem>>
    %dma_start3A_52 = arith.constant 448 : i32
    %dma_start3A_53 = tpu.memref_slice %arg5[%dma_start3A_52] : memref<10240xi32, #tpu.memory_space<vmem>> -> memref<128xi32, #tpu.memory_space<vmem>>
    %dma_start3A_54 = arith.constant 0 : i32
    %dma_start3A_55 = arith.constant 0 : i32
    %dma_start3A_56 = tpu.memref_slice %arg3[%dma_start3A_54, %dma_start3A_55] : memref<100000x64xf32, #tpu.memory_space<hbm>> -> memref<100000x64xf32, #tpu.memory_space<hbm>>
    tpu.enqueue_indirect_dma source(%dma_start3A_56 : memref<100000x64xf32, #tpu.memory_space<hbm>>) target(%dma_start3A_51 : memref<128x64xf32, #tpu.memory_space<vmem>>) offsets(%dma_start3A_53 : memref<128xi32, #tpu.memory_space<vmem>>) semaphore(%arg10 : memref<!tpu.dma_semaphore, #tpu.memory_space<semaphore_mem>>)
    %dma_start3A_57 = arith.constant 1 : i32
    %dma_start3A_58 = arith.constant 256 : i32
    %dma_start3A_59 = arith.constant 0 : i32
    %dma_start3A_60 = tpu.memref_slice %arg6[%dma_start3A_57, %dma_start3A_58, %dma_start3A_59] : memref<2x320x64xf32, #tpu.memory_space<vmem>> -> memref<1x64x64xf32, #tpu.memory_space<vmem>>
    %dma_start3A_61 = tpu.memref_squeeze %dma_start3A_60 : memref<1x64x64xf32, #tpu.memory_space<vmem>> -> memref<64x64xf32, #tpu.memory_space<vmem>>
    %dma_start3A_62 = arith.constant 576 : i32
    %dma_start3A_63 = tpu.memref_slice %arg5[%dma_start3A_62] : memref<10240xi32, #tpu.memory_space<vmem>> -> memref<64xi32, #tpu.memory_space<vmem>>
    %dma_start3A_64 = arith.constant 0 : i32
    %dma_start3A_65 = arith.constant 0 : i32
    %dma_start3A_66 = tpu.memref_slice %arg3[%dma_start3A_64, %dma_start3A_65] : memref<100000x64xf32, #tpu.memory_space<hbm>> -> memref<100000x64xf32, #tpu.memory_space<hbm>>
    tpu.enqueue_indirect_dma source(%dma_start3A_66 : memref<100000x64xf32, #tpu.memory_space<hbm>>) target(%dma_start3A_61 : memref<64x64xf32, #tpu.memory_space<vmem>>) offsets(%dma_start3A_63 : memref<64xi32, #tpu.memory_space<vmem>>) semaphore(%arg10 : memref<!tpu.dma_semaphore, #tpu.memory_space<semaphore_mem>>)
    %scan3A = arith.constant 0 : i32
    %scan3A_67 = arith.constant 16 : i32
    %scan3A_68 = arith.addi %scan3A, %scan3A_67 : i32
    %scan3A_69 = arith.constant 1 : i32
    scf.for %scan3A_101 = %scan3A to %scan3A_68 step %scan3A_69  : i32 {
      %mul3A_102 = arith.constant 2 : i32
      %mul3A_103 = arith.muli %scan3A_101, %mul3A_102 : i32
      %add3A_104 = arith.constant 0 : i32
      %add3A_105 = arith.addi %add3A_104, %mul3A_103 : i32
      %add3A_106 = arith.constant 0 : i32
      %add3A_107 = arith.addi %add3A_105, %add3A_106 : i32
      %dma_wait3A_108 = arith.constant 0 : i32
      %dma_wait3A_109 = arith.constant 0 : i32
      %dma_wait3A_110 = arith.constant 0 : i32
      %dma_wait3A_111 = tpu.memref_slice %arg6[%dma_wait3A_108, %dma_wait3A_109, %dma_wait3A_110] : memref<2x320x64xf32, #tpu.memory_space<vmem>> -> memref<1x128x64xf32, #tpu.memory_space<vmem>>
      %dma_wait3A_112 = tpu.memref_squeeze %dma_wait3A_111 : memref<1x128x64xf32, #tpu.memory_space<vmem>> -> memref<128x64xf32, #tpu.memory_space<vmem>>
      %dma_wait3A_113 = arith.constant 0 : i32
      %dma_wait3A_114 = arith.constant 0 : i32
      %dma_wait3A_115 = tpu.memref_slice %arg3[%dma_wait3A_113, %dma_wait3A_114] : memref<100000x64xf32, #tpu.memory_space<hbm>> -> memref<128x64xf32, #tpu.memory_space<hbm>>
      %dma_wait3A_116 = arith.constant 0 : i32
      %dma_wait3A_117 = arith.constant 0 : i32
      %dma_wait3A_118 = tpu.memref_slice %arg6[%dma_wait3A_108, %dma_wait3A_116, %dma_wait3A_117] : memref<2x320x64xf32, #tpu.memory_space<vmem>> -> memref<1x128x64xf32, #tpu.memory_space<vmem>>
      %dma_wait3A_119 = tpu.memref_squeeze %dma_wait3A_118 : memref<1x128x64xf32, #tpu.memory_space<vmem>> -> memref<128x64xf32, #tpu.memory_space<vmem>>
      %dma_wait3A_120 = arith.constant 0 : i32
      %dma_wait3A_121 = arith.constant 0 : i32
      %dma_wait3A_122 = tpu.memref_slice %arg3[%dma_wait3A_120, %dma_wait3A_121] : memref<100000x64xf32, #tpu.memory_space<hbm>> -> memref<128x64xf32, #tpu.memory_space<hbm>>
      tpu.wait_dma2 semaphore(%arg9 : memref<!tpu.dma_semaphore, #tpu.memory_space<semaphore_mem>>) src(%dma_wait3A_122 : memref<128x64xf32, #tpu.memory_space<hbm>>) dst(%dma_wait3A_119 : memref<128x64xf32, #tpu.memory_space<vmem>>)
      %dma_wait3A_123 = arith.constant 0 : i32
      %dma_wait3A_124 = arith.constant 128 : i32
      %dma_wait3A_125 = arith.constant 0 : i32
      %dma_wait3A_126 = tpu.memref_slice %arg6[%dma_wait3A_123, %dma_wait3A_124, %dma_wait3A_125] : memref<2x320x64xf32, #tpu.memory_space<vmem>> -> memref<1x128x64xf32, #tpu.memory_space<vmem>>
      %dma_wait3A_127 = tpu.memref_squeeze %dma_wait3A_126 : memref<1x128x64xf32, #tpu.memory_space<vmem>> -> memref<128x64xf32, #tpu.memory_space<vmem>>
      %dma_wait3A_128 = arith.constant 0 : i32
      %dma_wait3A_129 = arith.constant 0 : i32
      %dma_wait3A_130 = tpu.memref_slice %arg3[%dma_wait3A_128, %dma_wait3A_129] : memref<100000x64xf32, #tpu.memory_space<hbm>> -> memref<128x64xf32, #tpu.memory_space<hbm>>
      %dma_wait3A_131 = arith.constant 128 : i32
      %dma_wait3A_132 = arith.constant 0 : i32
      %dma_wait3A_133 = tpu.memref_slice %arg6[%dma_wait3A_123, %dma_wait3A_131, %dma_wait3A_132] : memref<2x320x64xf32, #tpu.memory_space<vmem>> -> memref<1x128x64xf32, #tpu.memory_space<vmem>>
      %dma_wait3A_134 = tpu.memref_squeeze %dma_wait3A_133 : memref<1x128x64xf32, #tpu.memory_space<vmem>> -> memref<128x64xf32, #tpu.memory_space<vmem>>
      %dma_wait3A_135 = arith.constant 0 : i32
      %dma_wait3A_136 = arith.constant 0 : i32
      %dma_wait3A_137 = tpu.memref_slice %arg3[%dma_wait3A_135, %dma_wait3A_136] : memref<100000x64xf32, #tpu.memory_space<hbm>> -> memref<128x64xf32, #tpu.memory_space<hbm>>
      tpu.wait_dma2 semaphore(%arg9 : memref<!tpu.dma_semaphore, #tpu.memory_space<semaphore_mem>>) src(%dma_wait3A_137 : memref<128x64xf32, #tpu.memory_space<hbm>>) dst(%dma_wait3A_134 : memref<128x64xf32, #tpu.memory_space<vmem>>)
      %dma_wait3A_138 = arith.constant 0 : i32
      %dma_wait3A_139 = arith.constant 256 : i32
      %dma_wait3A_140 = arith.constant 0 : i32
      %dma_wait3A_141 = tpu.memref_slice %arg6[%dma_wait3A_138, %dma_wait3A_139, %dma_wait3A_140] : memref<2x320x64xf32, #tpu.memory_space<vmem>> -> memref<1x64x64xf32, #tpu.memory_space<vmem>>
      %dma_wait3A_142 = tpu.memref_squeeze %dma_wait3A_141 : memref<1x64x64xf32, #tpu.memory_space<vmem>> -> memref<64x64xf32, #tpu.memory_space<vmem>>
      %dma_wait3A_143 = arith.constant 0 : i32
      %dma_wait3A_144 = arith.constant 0 : i32
      %dma_wait3A_145 = tpu.memref_slice %arg3[%dma_wait3A_143, %dma_wait3A_144] : memref<100000x64xf32, #tpu.memory_space<hbm>> -> memref<64x64xf32, #tpu.memory_space<hbm>>
      %dma_wait3A_146 = arith.constant 256 : i32
      %dma_wait3A_147 = arith.constant 0 : i32
      %dma_wait3A_148 = tpu.memref_slice %arg6[%dma_wait3A_138, %dma_wait3A_146, %dma_wait3A_147] : memref<2x320x64xf32, #tpu.memory_space<vmem>> -> memref<1x64x64xf32, #tpu.memory_space<vmem>>
      %dma_wait3A_149 = tpu.memref_squeeze %dma_wait3A_148 : memref<1x64x64xf32, #tpu.memory_space<vmem>> -> memref<64x64xf32, #tpu.memory_space<vmem>>
      %dma_wait3A_150 = arith.constant 0 : i32
      %dma_wait3A_151 = arith.constant 0 : i32
      %dma_wait3A_152 = tpu.memref_slice %arg3[%dma_wait3A_150, %dma_wait3A_151] : memref<100000x64xf32, #tpu.memory_space<hbm>> -> memref<64x64xf32, #tpu.memory_space<hbm>>
      tpu.wait_dma2 semaphore(%arg9 : memref<!tpu.dma_semaphore, #tpu.memory_space<semaphore_mem>>) src(%dma_wait3A_152 : memref<64x64xf32, #tpu.memory_space<hbm>>) dst(%dma_wait3A_149 : memref<64x64xf32, #tpu.memory_space<vmem>>)
      %ge3A = arith.constant 2 : i32
      %ge3A_153 = arith.cmpi sge, %add3A_107, %ge3A : i32
      %convert_element_type3A = arith.extui %ge3A_153 : i1 to i32
      %cond3A = arith.constant 0 : i32
      %cond3A_154 = arith.cmpi ne, %convert_element_type3A, %cond3A : i32
      scf.if %cond3A_154 {
        %dma_wait3A_262 = arith.constant 0 : i32
        %dma_wait3A_263 = arith.constant 0 : i32
        %dma_wait3A_264 = arith.constant 0 : i32
        %dma_wait3A_265 = tpu.memref_slice %arg7[%dma_wait3A_262, %dma_wait3A_263, %dma_wait3A_264] : memref<2x16x64xf32, #tpu.memory_space<vmem>> -> memref<1x16x64xf32, #tpu.memory_space<vmem>>
        %dma_wait3A_266 = tpu.memref_squeeze %dma_wait3A_265 : memref<1x16x64xf32, #tpu.memory_space<vmem>> -> memref<16x64xf32, #tpu.memory_space<vmem>>
        %dma_wait3A_267 = arith.constant 0 : i32
        %dma_wait3A_268 = arith.constant 0 : i32
        %dma_wait3A_269 = tpu.memref_slice %arg3[%dma_wait3A_267, %dma_wait3A_268] : memref<100000x64xf32, #tpu.memory_space<hbm>> -> memref<16x64xf32, #tpu.memory_space<hbm>>
        %dma_wait3A_270 = arith.constant 0 : i32
        %dma_wait3A_271 = arith.constant 0 : i32
        %dma_wait3A_272 = tpu.memref_slice %arg7[%dma_wait3A_262, %dma_wait3A_270, %dma_wait3A_271] : memref<2x16x64xf32, #tpu.memory_space<vmem>> -> memref<1x16x64xf32, #tpu.memory_space<vmem>>
        %dma_wait3A_273 = tpu.memref_squeeze %dma_wait3A_272 : memref<1x16x64xf32, #tpu.memory_space<vmem>> -> memref<16x64xf32, #tpu.memory_space<vmem>>
        %dma_wait3A_274 = arith.constant 0 : i32
        %dma_wait3A_275 = arith.constant 0 : i32
        %dma_wait3A_276 = tpu.memref_slice %arg3[%dma_wait3A_274, %dma_wait3A_275] : memref<100000x64xf32, #tpu.memory_space<hbm>> -> memref<16x64xf32, #tpu.memory_space<hbm>>
        tpu.wait_dma2 semaphore(%arg11 : memref<!tpu.dma_semaphore, #tpu.memory_space<semaphore_mem>>) src(%dma_wait3A_276 : memref<16x64xf32, #tpu.memory_space<hbm>>) dst(%dma_wait3A_273 : memref<16x64xf32, #tpu.memory_space<vmem>>)
      } else {
      }
      %scan3A_155 = arith.constant 0 : i32
      %scan3A_156 = arith.constant 16 : i32
      %scan3A_157 = arith.addi %scan3A_155, %scan3A_156 : i32
      %scan3A_158 = arith.constant 1 : i32
      scf.for %scan3A_262 = %scan3A_155 to %scan3A_157 step %scan3A_158  : i32 {
        %mul3A_263 = arith.constant 1 : i32
        %mul3A_264 = arith.muli %scan3A_262, %mul3A_263 : i32
        %add3A_265 = arith.constant 0 : i32
        %add3A_266 = arith.addi %add3A_265, %mul3A_264 : i32
        %mul3A_267 = arith.constant 20 : i32
        %mul3A_268 = arith.muli %add3A_266, %mul3A_267 : i32
        %get3A = arith.constant 0 : i32
        %get3A_269 = arith.index_cast %get3A : i32 to index
        %get3A_270 = arith.index_cast %mul3A_268 : i32 to index
        %get3A_271 = arith.constant 0 : index
        %get3A_272 = tpu.vector_load %arg6[%get3A_269, %get3A_270, %get3A_271] {strides = array<i32>} : memref<2x320x64xf32, #tpu.memory_space<vmem>>, vector<1x1x16xf32>,
        %get3A_273 = vector.shape_cast %get3A_272 : vector<1x1x16xf32> to vector<16xf32>
        %add3A_274 = arith.constant 1 : i32
        %add3A_275 = arith.addi %mul3A_268, %add3A_274 : i32
        %get3A_276 = arith.constant 0 : i32
        %get3A_277 = arith.index_cast %get3A_276 : i32 to index
        %get3A_278 = arith.index_cast %add3A_275 : i32 to index
        %get3A_279 = arith.constant 0 : index
        %get3A_280 = tpu.vector_load %arg6[%get3A_277, %get3A_278, %get3A_279] {strides = array<i32>} : memref<2x320x64xf32, #tpu.memory_space<vmem>>, vector<1x1x16xf32>,
        %get3A_281 = vector.shape_cast %get3A_280 : vector<1x1x16xf32> to vector<16xf32>
        %add3A_282 = arith.addf %get3A_273, %get3A_281 : vector<16xf32>
        %add3A_283 = arith.constant 2 : i32
        %add3A_284 = arith.addi %mul3A_268, %add3A_283 : i32
        %get3A_285 = arith.constant 0 : i32
        %get3A_286 = arith.index_cast %get3A_285 : i32 to index
        %get3A_287 = arith.index_cast %add3A_284 : i32 to index
        %get3A_288 = arith.constant 0 : index
        %get3A_289 = tpu.vector_load %arg6[%get3A_286, %get3A_287, %get3A_288] {strides = array<i32>} : memref<2x320x64xf32, #tpu.memory_space<vmem>>, vector<1x1x16xf32>,
        %get3A_290 = vector.shape_cast %get3A_289 : vector<1x1x16xf32> to vector<16xf32>
        %add3A_291 = arith.addf %add3A_282, %get3A_290 : vector<16xf32>
        %add3A_292 = arith.constant 3 : i32
        %add3A_293 = arith.addi %mul3A_268, %add3A_292 : i32
        %get3A_294 = arith.constant 0 : i32
        %get3A_295 = arith.index_cast %get3A_294 : i32 to index
        %get3A_296 = arith.index_cast %add3A_293 : i32 to index
        %get3A_297 = arith.constant 0 : index
        %get3A_298 = tpu.vector_load %arg6[%get3A_295, %get3A_296, %get3A_297] {strides = array<i32>} : memref<2x320x64xf32, #tpu.memory_space<vmem>>, vector<1x1x16xf32>,
        %get3A_299 = vector.shape_cast %get3A_298 : vector<1x1x16xf32> to vector<16xf32>
        %add3A_300 = arith.addf %add3A_291, %get3A_299 : vector<16xf32>
        %add3A_301 = arith.constant 4 : i32
        %add3A_302 = arith.addi %mul3A_268, %add3A_301 : i32
        %get3A_303 = arith.constant 0 : i32
        %get3A_304 = arith.index_cast %get3A_303 : i32 to index
        %get3A_305 = arith.index_cast %add3A_302 : i32 to index
        %get3A_306 = arith.constant 0 : index
        %get3A_307 = tpu.vector_load %arg6[%get3A_304, %get3A_305, %get3A_306] {strides = array<i32>} : memref<2x320x64xf32, #tpu.memory_space<vmem>>, vector<1x1x16xf32>,
        %get3A_308 = vector.shape_cast %get3A_307 : vector<1x1x16xf32> to vector<16xf32>
        %add3A_309 = arith.addf %add3A_300, %get3A_308 : vector<16xf32>
        %add3A_310 = arith.constant 5 : i32
        %add3A_311 = arith.addi %mul3A_268, %add3A_310 : i32
        %get3A_312 = arith.constant 0 : i32
        %get3A_313 = arith.index_cast %get3A_312 : i32 to index
        %get3A_314 = arith.index_cast %add3A_311 : i32 to index
        %get3A_315 = arith.constant 0 : index
        %get3A_316 = tpu.vector_load %arg6[%get3A_313, %get3A_314, %get3A_315] {strides = array<i32>} : memref<2x320x64xf32, #tpu.memory_space<vmem>>, vector<1x1x16xf32>,
        %get3A_317 = vector.shape_cast %get3A_316 : vector<1x1x16xf32> to vector<16xf32>
        %add3A_318 = arith.addf %add3A_309, %get3A_317 : vector<16xf32>
        %add3A_319 = arith.constant 6 : i32
        %add3A_320 = arith.addi %mul3A_268, %add3A_319 : i32
        %get3A_321 = arith.constant 0 : i32
        %get3A_322 = arith.index_cast %get3A_321 : i32 to index
        %get3A_323 = arith.index_cast %add3A_320 : i32 to index
        %get3A_324 = arith.constant 0 : index
        %get3A_325 = tpu.vector_load %arg6[%get3A_322, %get3A_323, %get3A_324] {strides = array<i32>} : memref<2x320x64xf32, #tpu.memory_space<vmem>>, vector<1x1x16xf32>,
        %get3A_326 = vector.shape_cast %get3A_325 : vector<1x1x16xf32> to vector<16xf32>
        %add3A_327 = arith.addf %add3A_318, %get3A_326 : vector<16xf32>
        %add3A_328 = arith.constant 7 : i32
        %add3A_329 = arith.addi %mul3A_268, %add3A_328 : i32
        %get3A_330 = arith.constant 0 : i32
        %get3A_331 = arith.index_cast %get3A_330 : i32 to index
        %get3A_332 = arith.index_cast %add3A_329 : i32 to index
        %get3A_333 = arith.constant 0 : index
        %get3A_334 = tpu.vector_load %arg6[%get3A_331, %get3A_332, %get3A_333] {strides = array<i32>} : memref<2x320x64xf32, #tpu.memory_space<vmem>>, vector<1x1x16xf32>,
        %get3A_335 = vector.shape_cast %get3A_334 : vector<1x1x16xf32> to vector<16xf32>
        %add3A_336 = arith.addf %add3A_327, %get3A_335 : vector<16xf32>
        %add3A_337 = arith.constant 8 : i32
        %add3A_338 = arith.addi %mul3A_268, %add3A_337 : i32
        %get3A_339 = arith.constant 0 : i32
        %get3A_340 = arith.index_cast %get3A_339 : i32 to index
        %get3A_341 = arith.index_cast %add3A_338 : i32 to index
        %get3A_342 = arith.constant 0 : index
        %get3A_343 = tpu.vector_load %arg6[%get3A_340, %get3A_341, %get3A_342] {strides = array<i32>} : memref<2x320x64xf32, #tpu.memory_space<vmem>>, vector<1x1x16xf32>,
        %get3A_344 = vector.shape_cast %get3A_343 : vector<1x1x16xf32> to vector<16xf32>
        %add3A_345 = arith.addf %add3A_336, %get3A_344 : vector<16xf32>
        %add3A_346 = arith.constant 9 : i32
        %add3A_347 = arith.addi %mul3A_268, %add3A_346 : i32
        %get3A_348 = arith.constant 0 : i32
        %get3A_349 = arith.index_cast %get3A_348 : i32 to index
        %get3A_350 = arith.index_cast %add3A_347 : i32 to index
        %get3A_351 = arith.constant 0 : index
        %get3A_352 = tpu.vector_load %arg6[%get3A_349, %get3A_350, %get3A_351] {strides = array<i32>} : memref<2x320x64xf32, #tpu.memory_space<vmem>>, vector<1x1x16xf32>,
        %get3A_353 = vector.shape_cast %get3A_352 : vector<1x1x16xf32> to vector<16xf32>
        %add3A_354 = arith.addf %add3A_345, %get3A_353 : vector<16xf32>
        %add3A_355 = arith.constant 10 : i32
        %add3A_356 = arith.addi %mul3A_268, %add3A_355 : i32
        %get3A_357 = arith.constant 0 : i32
        %get3A_358 = arith.index_cast %get3A_357 : i32 to index
        %get3A_359 = arith.index_cast %add3A_356 : i32 to index
        %get3A_360 = arith.constant 0 : index
        %get3A_361 = tpu.vector_load %arg6[%get3A_358, %get3A_359, %get3A_360] {strides = array<i32>} : memref<2x320x64xf32, #tpu.memory_space<vmem>>, vector<1x1x16xf32>,
        %get3A_362 = vector.shape_cast %get3A_361 : vector<1x1x16xf32> to vector<16xf32>
        %add3A_363 = arith.addf %add3A_354, %get3A_362 : vector<16xf32>
        %add3A_364 = arith.constant 11 : i32
        %add3A_365 = arith.addi %mul3A_268, %add3A_364 : i32
        %get3A_366 = arith.constant 0 : i32
        %get3A_367 = arith.index_cast %get3A_366 : i32 to index
        %get3A_368 = arith.index_cast %add3A_365 : i32 to index
        %get3A_369 = arith.constant 0 : index
        %get3A_370 = tpu.vector_load %arg6[%get3A_367, %get3A_368, %get3A_369] {strides = array<i32>} : memref<2x320x64xf32, #tpu.memory_space<vmem>>, vector<1x1x16xf32>,
        %get3A_371 = vector.shape_cast %get3A_370 : vector<1x1x16xf32> to vector<16xf32>
        %add3A_372 = arith.addf %add3A_363, %get3A_371 : vector<16xf32>
        %add3A_373 = arith.constant 12 : i32
        %add3A_374 = arith.addi %mul3A_268, %add3A_373 : i32
        %get3A_375 = arith.constant 0 : i32
        %get3A_376 = arith.index_cast %get3A_375 : i32 to index
        %get3A_377 = arith.index_cast %add3A_374 : i32 to index
        %get3A_378 = arith.constant 0 : index
        %get3A_379 = tpu.vector_load %arg6[%get3A_376, %get3A_377, %get3A_378] {strides = array<i32>} : memref<2x320x64xf32, #tpu.memory_space<vmem>>, vector<1x1x16xf32>,
        %get3A_380 = vector.shape_cast %get3A_379 : vector<1x1x16xf32> to vector<16xf32>
        %add3A_381 = arith.addf %add3A_372, %get3A_380 : vector<16xf32>
        %add3A_382 = arith.constant 13 : i32
        %add3A_383 = arith.addi %mul3A_268, %add3A_382 : i32
        %get3A_384 = arith.constant 0 : i32
        %get3A_385 = arith.index_cast %get3A_384 : i32 to index
        %get3A_386 = arith.index_cast %add3A_383 : i32 to index
        %get3A_387 = arith.constant 0 : index
        %get3A_388 = tpu.vector_load %arg6[%get3A_385, %get3A_386, %get3A_387] {strides = array<i32>} : memref<2x320x64xf32, #tpu.memory_space<vmem>>, vector<1x1x16xf32>,
        %get3A_389 = vector.shape_cast %get3A_388 : vector<1x1x16xf32> to vector<16xf32>
        %add3A_390 = arith.addf %add3A_381, %get3A_389 : vector<16xf32>
        %add3A_391 = arith.constant 14 : i32
        %add3A_392 = arith.addi %mul3A_268, %add3A_391 : i32
        %get3A_393 = arith.constant 0 : i32
        %get3A_394 = arith.index_cast %get3A_393 : i32 to index
        %get3A_395 = arith.index_cast %add3A_392 : i32 to index
        %get3A_396 = arith.constant 0 : index
        %get3A_397 = tpu.vector_load %arg6[%get3A_394, %get3A_395, %get3A_396] {strides = array<i32>} : memref<2x320x64xf32, #tpu.memory_space<vmem>>, vector<1x1x16xf32>,
        %get3A_398 = vector.shape_cast %get3A_397 : vector<1x1x16xf32> to vector<16xf32>
        %add3A_399 = arith.addf %add3A_390, %get3A_398 : vector<16xf32>
        %add3A_400 = arith.constant 15 : i32
        %add3A_401 = arith.addi %mul3A_268, %add3A_400 : i32
        %get3A_402 = arith.constant 0 : i32
        %get3A_403 = arith.index_cast %get3A_402 : i32 to index
        %get3A_404 = arith.index_cast %add3A_401 : i32 to index
        %get3A_405 = arith.constant 0 : index
        %get3A_406 = tpu.vector_load %arg6[%get3A_403, %get3A_404, %get3A_405] {strides = array<i32>} : memref<2x320x64xf32, #tpu.memory_space<vmem>>, vector<1x1x16xf32>,
        %get3A_407 = vector.shape_cast %get3A_406 : vector<1x1x16xf32> to vector<16xf32>
        %add3A_408 = arith.addf %add3A_399, %get3A_407 : vector<16xf32>
        %add3A_409 = arith.constant 16 : i32
        %add3A_410 = arith.addi %mul3A_268, %add3A_409 : i32
        %get3A_411 = arith.constant 0 : i32
        %get3A_412 = arith.index_cast %get3A_411 : i32 to index
        %get3A_413 = arith.index_cast %add3A_410 : i32 to index
        %get3A_414 = arith.constant 0 : index
        %get3A_415 = tpu.vector_load %arg6[%get3A_412, %get3A_413, %get3A_414] {strides = array<i32>} : memref<2x320x64xf32, #tpu.memory_space<vmem>>, vector<1x1x16xf32>,
        %get3A_416 = vector.shape_cast %get3A_415 : vector<1x1x16xf32> to vector<16xf32>
        %add3A_417 = arith.addf %add3A_408, %get3A_416 : vector<16xf32>
        %add3A_418 = arith.constant 17 : i32
        %add3A_419 = arith.addi %mul3A_268, %add3A_418 : i32
        %get3A_420 = arith.constant 0 : i32
        %get3A_421 = arith.index_cast %get3A_420 : i32 to index
        %get3A_422 = arith.index_cast %add3A_419 : i32 to index
        %get3A_423 = arith.constant 0 : index
        %get3A_424 = tpu.vector_load %arg6[%get3A_421, %get3A_422, %get3A_423] {strides = array<i32>} : memref<2x320x64xf32, #tpu.memory_space<vmem>>, vector<1x1x16xf32>,
        %get3A_425 = vector.shape_cast %get3A_424 : vector<1x1x16xf32> to vector<16xf32>
        %add3A_426 = arith.addf %add3A_417, %get3A_425 : vector<16xf32>
        %add3A_427 = arith.constant 18 : i32
        %add3A_428 = arith.addi %mul3A_268, %add3A_427 : i32
        %get3A_429 = arith.constant 0 : i32
        %get3A_430 = arith.index_cast %get3A_429 : i32 to index
        %get3A_431 = arith.index_cast %add3A_428 : i32 to index
        %get3A_432 = arith.constant 0 : index
        %get3A_433 = tpu.vector_load %arg6[%get3A_430, %get3A_431, %get3A_432] {strides = array<i32>} : memref<2x320x64xf32, #tpu.memory_space<vmem>>, vector<1x1x16xf32>,
        %get3A_434 = vector.shape_cast %get3A_433 : vector<1x1x16xf32> to vector<16xf32>
        %add3A_435 = arith.addf %add3A_426, %get3A_434 : vector<16xf32>
        %add3A_436 = arith.constant 19 : i32
        %add3A_437 = arith.addi %mul3A_268, %add3A_436 : i32
        %get3A_438 = arith.constant 0 : i32
        %get3A_439 = arith.index_cast %get3A_438 : i32 to index
        %get3A_440 = arith.index_cast %add3A_437 : i32 to index
        %get3A_441 = arith.constant 0 : index
        %get3A_442 = tpu.vector_load %arg6[%get3A_439, %get3A_440, %get3A_441] {strides = array<i32>} : memref<2x320x64xf32, #tpu.memory_space<vmem>>, vector<1x1x16xf32>,
        %get3A_443 = vector.shape_cast %get3A_442 : vector<1x1x16xf32> to vector<16xf32>
        %add3A_444 = arith.addf %add3A_435, %get3A_443 : vector<16xf32>
        %mul3A_445 = arith.constant 5.000000e-02 : f32
        %mul3A_446 = vector.broadcast %mul3A_445 : f32 to vector<16xf32>
        %mul3A_447 = arith.mulf %add3A_444, %mul3A_446 : vector<16xf32>
        %swap3A = arith.constant 0 : i32
        %swap3A_448 = arith.index_cast %swap3A : i32 to index
        %swap3A_449 = arith.index_cast %add3A_266 : i32 to index
        %swap3A_450 = arith.constant 0 : index
        %swap3A_451 = tpu.vector_load %arg7[%swap3A_448, %swap3A_449, %swap3A_450] {strides = array<i32>} : memref<2x16x64xf32, #tpu.memory_space<vmem>>, vector<1x1x16xf32>,
        %swap3A_452 = vector.shape_cast %swap3A_451 : vector<1x1x16xf32> to vector<16xf32>
        %swap3A_453 = vector.shape_cast %mul3A_447 : vector<16xf32> to vector<1x1x16xf32>
        tpu.vector_store %arg7[%swap3A_448, %swap3A_449, %swap3A_450], %swap3A_453 {strides = array<i32>} : memref<2x16x64xf32, #tpu.memory_space<vmem>>, vector<1x1x16xf32>,
        %get3A_454 = arith.constant 0 : i32
        %get3A_455 = arith.index_cast %get3A_454 : i32 to index
        %get3A_456 = arith.index_cast %mul3A_268 : i32 to index
        %get3A_457 = arith.constant 16 : index
        %get3A_458 = tpu.vector_load %arg6[%get3A_455, %get3A_456, %get3A_457] {strides = array<i32>} : memref<2x320x64xf32, #tpu.memory_space<vmem>>, vector<1x1x16xf32>,
        %get3A_459 = vector.shape_cast %get3A_458 : vector<1x1x16xf32> to vector<16xf32>
        %add3A_460 = arith.constant 1 : i32
        %add3A_461 = arith.addi %mul3A_268, %add3A_460 : i32
        %get3A_462 = arith.constant 0 : i32
        %get3A_463 = arith.index_cast %get3A_462 : i32 to index
        %get3A_464 = arith.index_cast %add3A_461 : i32 to index
        %get3A_465 = arith.constant 16 : index
        %get3A_466 = tpu.vector_load %arg6[%get3A_463, %get3A_464, %get3A_465] {strides = array<i32>} : memref<2x320x64xf32, #tpu.memory_space<vmem>>, vector<1x1x16xf32>,
        %get3A_467 = vector.shape_cast %get3A_466 : vector<1x1x16xf32> to vector<16xf32>
        %add3A_468 = arith.addf %get3A_459, %get3A_467 : vector<16xf32>
        %add3A_469 = arith.constant 2 : i32
        %add3A_470 = arith.addi %mul3A_268, %add3A_469 : i32
        %get3A_471 = arith.constant 0 : i32
        %get3A_472 = arith.index_cast %get3A_471 : i32 to index
        %get3A_473 = arith.index_cast %add3A_470 : i32 to index
        %get3A_474 = arith.constant 16 : index
        %get3A_475 = tpu.vector_load %arg6[%get3A_472, %get3A_473, %get3A_474] {strides = array<i32>} : memref<2x320x64xf32, #tpu.memory_space<vmem>>, vector<1x1x16xf32>,
        %get3A_476 = vector.shape_cast %get3A_475 : vector<1x1x16xf32> to vector<16xf32>
        %add3A_477 = arith.addf %add3A_468, %get3A_476 : vector<16xf32>
        %add3A_478 = arith.constant 3 : i32
        %add3A_479 = arith.addi %mul3A_268, %add3A_478 : i32
        %get3A_480 = arith.constant 0 : i32
        %get3A_481 = arith.index_cast %get3A_480 : i32 to index
        %get3A_482 = arith.index_cast %add3A_479 : i32 to index
        %get3A_483 = arith.constant 16 : index
        %get3A_484 = tpu.vector_load %arg6[%get3A_481, %get3A_482, %get3A_483] {strides = array<i32>} : memref<2x320x64xf32, #tpu.memory_space<vmem>>, vector<1x1x16xf32>,
        %get3A_485 = vector.shape_cast %get3A_484 : vector<1x1x16xf32> to vector<16xf32>
        %add3A_486 = arith.addf %add3A_477, %get3A_485 : vector<16xf32>
        %add3A_487 = arith.constant 4 : i32
        %add3A_488 = arith.addi %mul3A_268, %add3A_487 : i32
        %get3A_489 = arith.constant 0 : i32
        %get3A_490 = arith.index_cast %get3A_489 : i32 to index
        %get3A_491 = arith.index_cast %add3A_488 : i32 to index
        %get3A_492 = arith.constant 16 : index
        %get3A_493 = tpu.vector_load %arg6[%get3A_490, %get3A_491, %get3A_492] {strides = array<i32>} : memref<2x320x64xf32, #tpu.memory_space<vmem>>, vector<1x1x16xf32>,
        %get3A_494 = vector.shape_cast %get3A_493 : vector<1x1x16xf32> to vector<16xf32>
        %add3A_495 = arith.addf %add3A_486, %get3A_494 : vector<16xf32>
        %add3A_496 = arith.constant 5 : i32
        %add3A_497 = arith.addi %mul3A_268, %add3A_496 : i32
        %get3A_498 = arith.constant 0 : i32
        %get3A_499 = arith.index_cast %get3A_498 : i32 to index
        %get3A_500 = arith.index_cast %add3A_497 : i32 to index
        %get3A_501 = arith.constant 16 : index
        %get3A_502 = tpu.vector_load %arg6[%get3A_499, %get3A_500, %get3A_501] {strides = array<i32>} : memref<2x320x64xf32, #tpu.memory_space<vmem>>, vector<1x1x16xf32>,
        %get3A_503 = vector.shape_cast %get3A_502 : vector<1x1x16xf32> to vector<16xf32>
        %add3A_504 = arith.addf %add3A_495, %get3A_503 : vector<16xf32>
        %add3A_505 = arith.constant 6 : i32
        %add3A_506 = arith.addi %mul3A_268, %add3A_505 : i32
        %get3A_507 = arith.constant 0 : i32
        %get3A_508 = arith.index_cast %get3A_507 : i32 to index
        %get3A_509 = arith.index_cast %add3A_506 : i32 to index
        %get3A_510 = arith.constant 16 : index
        %get3A_511 = tpu.vector_load %arg6[%get3A_508, %get3A_509, %get3A_510] {strides = array<i32>} : memref<2x320x64xf32, #tpu.memory_space<vmem>>, vector<1x1x16xf32>,
        %get3A_512 = vector.shape_cast %get3A_511 : vector<1x1x16xf32> to vector<16xf32>
        %add3A_513 = arith.addf %add3A_504, %get3A_512 : vector<16xf32>
        %add3A_514 = arith.constant 7 : i32
        %add3A_515 = arith.addi %mul3A_268, %add3A_514 : i32
        %get3A_516 = arith.constant 0 : i32
        %get3A_517 = arith.index_cast %get3A_516 : i32 to index
        %get3A_518 = arith.index_cast %add3A_515 : i32 to index
        %get3A_519 = arith.constant 16 : index
        %get3A_520 = tpu.vector_load %arg6[%get3A_517, %get3A_518, %get3A_519] {strides = array<i32>} : memref<2x320x64xf32, #tpu.memory_space<vmem>>, vector<1x1x16xf32>,
        %get3A_521 = vector.shape_cast %get3A_520 : vector<1x1x16xf32> to vector<16xf32>
        %add3A_522 = arith.addf %add3A_513, %get3A_521 : vector<16xf32>
        %add3A_523 = arith.constant 8 : i32
        %add3A_524 = arith.addi %mul3A_268, %add3A_523 : i32
        %get3A_525 = arith.constant 0 : i32
        %get3A_526 = arith.index_cast %get3A_525 : i32 to index
        %get3A_527 = arith.index_cast %add3A_524 : i32 to index
        %get3A_528 = arith.constant 16 : index
        %get3A_529 = tpu.vector_load %arg6[%get3A_526, %get3A_527, %get3A_528] {strides = array<i32>} : memref<2x320x64xf32, #tpu.memory_space<vmem>>, vector<1x1x16xf32>,
        %get3A_530 = vector.shape_cast %get3A_529 : vector<1x1x16xf32> to vector<16xf32>
        %add3A_531 = arith.addf %add3A_522, %get3A_530 : vector<16xf32>
        %add3A_532 = arith.constant 9 : i32
        %add3A_533 = arith.addi %mul3A_268, %add3A_532 : i32
        %get3A_534 = arith.constant 0 : i32
        %get3A_535 = arith.index_cast %get3A_534 : i32 to index
        %get3A_536 = arith.index_cast %add3A_533 : i32 to index
        %get3A_537 = arith.constant 16 : index
        %get3A_538 = tpu.vector_load %arg6[%get3A_535, %get3A_536, %get3A_537] {strides = array<i32>} : memref<2x320x64xf32, #tpu.memory_space<vmem>>, vector<1x1x16xf32>,
        %get3A_539 = vector.shape_cast %get3A_538 : vector<1x1x16xf32> to vector<16xf32>
        %add3A_540 = arith.addf %add3A_531, %get3A_539 : vector<16xf32>
        %add3A_541 = arith.constant 10 : i32
        %add3A_542 = arith.addi %mul3A_268, %add3A_541 : i32
        %get3A_543 = arith.constant 0 : i32
        %get3A_544 = arith.index_cast %get3A_543 : i32 to index
        %get3A_545 = arith.index_cast %add3A_542 : i32 to index
        %get3A_546 = arith.constant 16 : index
        %get3A_547 = tpu.vector_load %arg6[%get3A_544, %get3A_545, %get3A_546] {strides = array<i32>} : memref<2x320x64xf32, #tpu.memory_space<vmem>>, vector<1x1x16xf32>,
        %get3A_548 = vector.shape_cast %get3A_547 : vector<1x1x16xf32> to vector<16xf32>
        %add3A_549 = arith.addf %add3A_540, %get3A_548 : vector<16xf32>
        %add3A_550 = arith.constant 11 : i32
        %add3A_551 = arith.addi %mul3A_268, %add3A_550 : i32
        %get3A_552 = arith.constant 0 : i32
        %get3A_553 = arith.index_cast %get3A_552 : i32 to index
        %get3A_554 = arith.index_cast %add3A_551 : i32 to index
        %get3A_555 = arith.constant 16 : index
        %get3A_556 = tpu.vector_load %arg6[%get3A_553, %get3A_554, %get3A_555] {strides = array<i32>} : memref<2x320x64xf32, #tpu.memory_space<vmem>>, vector<1x1x16xf32>,
        %get3A_557 = vector.shape_cast %get3A_556 : vector<1x1x16xf32> to vector<16xf32>
        %add3A_558 = arith.addf %add3A_549, %get3A_557 : vector<16xf32>
        %add3A_559 = arith.constant 12 : i32
        %add3A_560 = arith.addi %mul3A_268, %add3A_559 : i32
        %get3A_561 = arith.constant 0 : i32
        %get3A_562 = arith.index_cast %get3A_561 : i32 to index
        %get3A_563 = arith.index_cast %add3A_560 : i32 to index
        %get3A_564 = arith.constant 16 : index
        %get3A_565 = tpu.vector_load %arg6[%get3A_562, %get3A_563, %get3A_564] {strides = array<i32>} : memref<2x320x64xf32, #tpu.memory_space<vmem>>, vector<1x1x16xf32>,
        %get3A_566 = vector.shape_cast %get3A_565 : vector<1x1x16xf32> to vector<16xf32>
        %add3A_567 = arith.addf %add3A_558, %get3A_566 : vector<16xf32>
        %add3A_568 = arith.constant 13 : i32
        %add3A_569 = arith.addi %mul3A_268, %add3A_568 : i32
        %get3A_570 = arith.constant 0 : i32
        %get3A_571 = arith.index_cast %get3A_570 : i32 to index
        %get3A_572 = arith.index_cast %add3A_569 : i32 to index
        %get3A_573 = arith.constant 16 : index
        %get3A_574 = tpu.vector_load %arg6[%get3A_571, %get3A_572, %get3A_573] {strides = array<i32>} : memref<2x320x64xf32, #tpu.memory_space<vmem>>, vector<1x1x16xf32>,
        %get3A_575 = vector.shape_cast %get3A_574 : vector<1x1x16xf32> to vector<16xf32>
        %add3A_576 = arith.addf %add3A_567, %get3A_575 : vector<16xf32>
        %add3A_577 = arith.constant 14 : i32
        %add3A_578 = arith.addi %mul3A_268, %add3A_577 : i32
        %get3A_579 = arith.constant 0 : i32
        %get3A_580 = arith.index_cast %get3A_579 : i32 to index
        %get3A_581 = arith.index_cast %add3A_578 : i32 to index
        %get3A_582 = arith.constant 16 : index
        %get3A_583 = tpu.vector_load %arg6[%get3A_580, %get3A_581, %get3A_582] {strides = array<i32>} : memref<2x320x64xf32, #tpu.memory_space<vmem>>, vector<1x1x16xf32>,
        %get3A_584 = vector.shape_cast %get3A_583 : vector<1x1x16xf32> to vector<16xf32>
        %add3A_585 = arith.addf %add3A_576, %get3A_584 : vector<16xf32>
        %add3A_586 = arith.constant 15 : i32
        %add3A_587 = arith.addi %mul3A_268, %add3A_586 : i32
        %get3A_588 = arith.constant 0 : i32
        %get3A_589 = arith.index_cast %get3A_588 : i32 to index
        %get3A_590 = arith.index_cast %add3A_587 : i32 to index
        %get3A_591 = arith.constant 16 : index
        %get3A_592 = tpu.vector_load %arg6[%get3A_589, %get3A_590, %get3A_591] {strides = array<i32>} : memref<2x320x64xf32, #tpu.memory_space<vmem>>, vector<1x1x16xf32>,
        %get3A_593 = vector.shape_cast %get3A_592 : vector<1x1x16xf32> to vector<16xf32>
        %add3A_594 = arith.addf %add3A_585, %get3A_593 : vector<16xf32>
        %add3A_595 = arith.constant 16 : i32
        %add3A_596 = arith.addi %mul3A_268, %add3A_595 : i32
        %get3A_597 = arith.constant 0 : i32
        %get3A_598 = arith.index_cast %get3A_597 : i32 to index
        %get3A_599 = arith.index_cast %add3A_596 : i32 to index
        %get3A_600 = arith.constant 16 : index
        %get3A_601 = tpu.vector_load %arg6[%get3A_598, %get3A_599, %get3A_600] {strides = array<i32>} : memref<2x320x64xf32, #tpu.memory_space<vmem>>, vector<1x1x16xf32>,
        %get3A_602 = vector.shape_cast %get3A_601 : vector<1x1x16xf32> to vector<16xf32>
        %add3A_603 = arith.addf %add3A_594, %get3A_602 : vector<16xf32>
        %add3A_604 = arith.constant 17 : i32
        %add3A_605 = arith.addi %mul3A_268, %add3A_604 : i32
        %get3A_606 = arith.constant 0 : i32
        %get3A_607 = arith.index_cast %get3A_606 : i32 to index
        %get3A_608 = arith.index_cast %add3A_605 : i32 to index
        %get3A_609 = arith.constant 16 : index
        %get3A_610 = tpu.vector_load %arg6[%get3A_607, %get3A_608, %get3A_609] {strides = array<i32>} : memref<2x320x64xf32, #tpu.memory_space<vmem>>, vector<1x1x16xf32>,
        %get3A_611 = vector.shape_cast %get3A_610 : vector<1x1x16xf32> to vector<16xf32>
        %add3A_612 = arith.addf %add3A_603, %get3A_611 : vector<16xf32>
        %add3A_613 = arith.constant 18 : i32
        %add3A_614 = arith.addi %mul3A_268, %add3A_613 : i32
        %get3A_615 = arith.constant 0 : i32
        %get3A_616 = arith.index_cast %get3A_615 : i32 to index
        %get3A_617 = arith.index_cast %add3A_614 : i32 to index
        %get3A_618 = arith.constant 16 : index
        %get3A_619 = tpu.vector_load %arg6[%get3A_616, %get3A_617, %get3A_618] {strides = array<i32>} : memref<2x320x64xf32, #tpu.memory_space<vmem>>, vector<1x1x16xf32>,
        %get3A_620 = vector.shape_cast %get3A_619 : vector<1x1x16xf32> to vector<16xf32>
        %add3A_621 = arith.addf %add3A_612, %get3A_620 : vector<16xf32>
        %add3A_622 = arith.constant 19 : i32
        %add3A_623 = arith.addi %mul3A_268, %add3A_622 : i32
        %get3A_624 = arith.constant 0 : i32
        %get3A_625 = arith.index_cast %get3A_624 : i32 to index
        %get3A_626 = arith.index_cast %add3A_623 : i32 to index
        %get3A_627 = arith.constant 16 : index
        %get3A_628 = tpu.vector_load %arg6[%get3A_625, %get3A_626, %get3A_627] {strides = array<i32>} : memref<2x320x64xf32, #tpu.memory_space<vmem>>, vector<1x1x16xf32>,
        %get3A_629 = vector.shape_cast %get3A_628 : vector<1x1x16xf32> to vector<16xf32>
        %add3A_630 = arith.addf %add3A_621, %get3A_629 : vector<16xf32>
        %mul3A_631 = arith.constant 5.000000e-02 : f32
        %mul3A_632 = vector.broadcast %mul3A_631 : f32 to vector<16xf32>
        %mul3A_633 = arith.mulf %add3A_630, %mul3A_632 : vector<16xf32>
        %swap3A_634 = arith.constant 0 : i32
        %swap3A_635 = arith.index_cast %swap3A_634 : i32 to index
        %swap3A_636 = arith.index_cast %add3A_266 : i32 to index
        %swap3A_637 = arith.constant 16 : index
        %swap3A_638 = tpu.vector_load %arg7[%swap3A_635, %swap3A_636, %swap3A_637] {strides = array<i32>} : memref<2x16x64xf32, #tpu.memory_space<vmem>>, vector<1x1x16xf32>,
        %swap3A_639 = vector.shape_cast %swap3A_638 : vector<1x1x16xf32> to vector<16xf32>
        %swap3A_640 = vector.shape_cast %mul3A_633 : vector<16xf32> to vector<1x1x16xf32>
        tpu.vector_store %arg7[%swap3A_635, %swap3A_636, %swap3A_637], %swap3A_640 {strides = array<i32>} : memref<2x16x64xf32, #tpu.memory_space<vmem>>, vector<1x1x16xf32>,
        %get3A_641 = arith.constant 0 : i32
        %get3A_642 = arith.index_cast %get3A_641 : i32 to index
        %get3A_643 = arith.index_cast %mul3A_268 : i32 to index
        %get3A_644 = arith.constant 32 : index
        %get3A_645 = tpu.vector_load %arg6[%get3A_642, %get3A_643, %get3A_644] {strides = array<i32>} : memref<2x320x64xf32, #tpu.memory_space<vmem>>, vector<1x1x16xf32>,
        %get3A_646 = vector.shape_cast %get3A_645 : vector<1x1x16xf32> to vector<16xf32>
        %add3A_647 = arith.constant 1 : i32
        %add3A_648 = arith.addi %mul3A_268, %add3A_647 : i32
        %get3A_649 = arith.constant 0 : i32
        %get3A_650 = arith.index_cast %get3A_649 : i32 to index
        %get3A_651 = arith.index_cast %add3A_648 : i32 to index
        %get3A_652 = arith.constant 32 : index
        %get3A_653 = tpu.vector_load %arg6[%get3A_650, %get3A_651, %get3A_652] {strides = array<i32>} : memref<2x320x64xf32, #tpu.memory_space<vmem>>, vector<1x1x16xf32>,
        %get3A_654 = vector.shape_cast %get3A_653 : vector<1x1x16xf32> to vector<16xf32>
        %add3A_655 = arith.addf %get3A_646, %get3A_654 : vector<16xf32>
        %add3A_656 = arith.constant 2 : i32
        %add3A_657 = arith.addi %mul3A_268, %add3A_656 : i32
        %get3A_658 = arith.constant 0 : i32
        %get3A_659 = arith.index_cast %get3A_658 : i32 to index
        %get3A_660 = arith.index_cast %add3A_657 : i32 to index
        %get3A_661 = arith.constant 32 : index
        %get3A_662 = tpu.vector_load %arg6[%get3A_659, %get3A_660, %get3A_661] {strides = array<i32>} : memref<2x320x64xf32, #tpu.memory_space<vmem>>, vector<1x1x16xf32>,
        %get3A_663 = vector.shape_cast %get3A_662 : vector<1x1x16xf32> to vector<16xf32>
        %add3A_664 = arith.addf %add3A_655, %get3A_663 : vector<16xf32>
        %add3A_665 = arith.constant 3 : i32
        %add3A_666 = arith.addi %mul3A_268, %add3A_665 : i32
        %get3A_667 = arith.constant 0 : i32
        %get3A_668 = arith.index_cast %get3A_667 : i32 to index
        %get3A_669 = arith.index_cast %add3A_666 : i32 to index
        %get3A_670 = arith.constant 32 : index
        %get3A_671 = tpu.vector_load %arg6[%get3A_668, %get3A_669, %get3A_670] {strides = array<i32>} : memref<2x320x64xf32, #tpu.memory_space<vmem>>, vector<1x1x16xf32>,
        %get3A_672 = vector.shape_cast %get3A_671 : vector<1x1x16xf32> to vector<16xf32>
        %add3A_673 = arith.addf %add3A_664, %get3A_672 : vector<16xf32>
        %add3A_674 = arith.constant 4 : i32
        %add3A_675 = arith.addi %mul3A_268, %add3A_674 : i32
        %get3A_676 = arith.constant 0 : i32
        %get3A_677 = arith.index_cast %get3A_676 : i32 to index
        %get3A_678 = arith.index_cast %add3A_675 : i32 to index
        %get3A_679 = arith.constant 32 : index
        %get3A_680 = tpu.vector_load %arg6[%get3A_677, %get3A_678, %get3A_679] {strides = array<i32>} : memref<2x320x64xf32, #tpu.memory_space<vmem>>, vector<1x1x16xf32>,
        %get3A_681 = vector.shape_cast %get3A_680 : vector<1x1x16xf32> to vector<16xf32>
        %add3A_682 = arith.addf %add3A_673, %get3A_681 : vector<16xf32>
        %add3A_683 = arith.constant 5 : i32
        %add3A_684 = arith.addi %mul3A_268, %add3A_683 : i32
        %get3A_685 = arith.constant 0 : i32
        %get3A_686 = arith.index_cast %get3A_685 : i32 to index
        %get3A_687 = arith.index_cast %add3A_684 : i32 to index
        %get3A_688 = arith.constant 32 : index
        %get3A_689 = tpu.vector_load %arg6[%get3A_686, %get3A_687, %get3A_688] {strides = array<i32>} : memref<2x320x64xf32, #tpu.memory_space<vmem>>, vector<1x1x16xf32>,
        %get3A_690 = vector.shape_cast %get3A_689 : vector<1x1x16xf32> to vector<16xf32>
        %add3A_691 = arith.addf %add3A_682, %get3A_690 : vector<16xf32>
        %add3A_692 = arith.constant 6 : i32
        %add3A_693 = arith.addi %mul3A_268, %add3A_692 : i32
        %get3A_694 = arith.constant 0 : i32
        %get3A_695 = arith.index_cast %get3A_694 : i32 to index
        %get3A_696 = arith.index_cast %add3A_693 : i32 to index
        %get3A_697 = arith.constant 32 : index
        %get3A_698 = tpu.vector_load %arg6[%get3A_695, %get3A_696, %get3A_697] {strides = array<i32>} : memref<2x320x64xf32, #tpu.memory_space<vmem>>, vector<1x1x16xf32>,
        %get3A_699 = vector.shape_cast %get3A_698 : vector<1x1x16xf32> to vector<16xf32>
        %add3A_700 = arith.addf %add3A_691, %get3A_699 : vector<16xf32>
        %add3A_701 = arith.constant 7 : i32
        %add3A_702 = arith.addi %mul3A_268, %add3A_701 : i32
        %get3A_703 = arith.constant 0 : i32
        %get3A_704 = arith.index_cast %get3A_703 : i32 to index
        %get3A_705 = arith.index_cast %add3A_702 : i32 to index
        %get3A_706 = arith.constant 32 : index
        %get3A_707 = tpu.vector_load %arg6[%get3A_704, %get3A_705, %get3A_706] {strides = array<i32>} : memref<2x320x64xf32, #tpu.memory_space<vmem>>, vector<1x1x16xf32>,
        %get3A_708 = vector.shape_cast %get3A_707 : vector<1x1x16xf32> to vector<16xf32>
        %add3A_709 = arith.addf %add3A_700, %get3A_708 : vector<16xf32>
        %add3A_710 = arith.constant 8 : i32
        %add3A_711 = arith.addi %mul3A_268, %add3A_710 : i32
        %get3A_712 = arith.constant 0 : i32
        %get3A_713 = arith.index_cast %get3A_712 : i32 to index
        %get3A_714 = arith.index_cast %add3A_711 : i32 to index
        %get3A_715 = arith.constant 32 : index
        %get3A_716 = tpu.vector_load %arg6[%get3A_713, %get3A_714, %get3A_715] {strides = array<i32>} : memref<2x320x64xf32, #tpu.memory_space<vmem>>, vector<1x1x16xf32>,
        %get3A_717 = vector.shape_cast %get3A_716 : vector<1x1x16xf32> to vector<16xf32>
        %add3A_718 = arith.addf %add3A_709, %get3A_717 : vector<16xf32>
        %add3A_719 = arith.constant 9 : i32
        %add3A_720 = arith.addi %mul3A_268, %add3A_719 : i32
        %get3A_721 = arith.constant 0 : i32
        %get3A_722 = arith.index_cast %get3A_721 : i32 to index
        %get3A_723 = arith.index_cast %add3A_720 : i32 to index
        %get3A_724 = arith.constant 32 : index
        %get3A_725 = tpu.vector_load %arg6[%get3A_722, %get3A_723, %get3A_724] {strides = array<i32>} : memref<2x320x64xf32, #tpu.memory_space<vmem>>, vector<1x1x16xf32>,
        %get3A_726 = vector.shape_cast %get3A_725 : vector<1x1x16xf32> to vector<16xf32>
        %add3A_727 = arith.addf %add3A_718, %get3A_726 : vector<16xf32>
        %add3A_728 = arith.constant 10 : i32
        %add3A_729 = arith.addi %mul3A_268, %add3A_728 : i32
        %get3A_730 = arith.constant 0 : i32
        %get3A_731 = arith.index_cast %get3A_730 : i32 to index
        %get3A_732 = arith.index_cast %add3A_729 : i32 to index
        %get3A_733 = arith.constant 32 : index
        %get3A_734 = tpu.vector_load %arg6[%get3A_731, %get3A_732, %get3A_733] {strides = array<i32>} : memref<2x320x64xf32, #tpu.memory_space<vmem>>, vector<1x1x16xf32>,
        %get3A_735 = vector.shape_cast %get3A_734 : vector<1x1x16xf32> to vector<16xf32>
        %add3A_736 = arith.addf %add3A_727, %get3A_735 : vector<16xf32>
        %add3A_737 = arith.constant 11 : i32
        %add3A_738 = arith.addi %mul3A_268, %add3A_737 : i32
        %get3A_739 = arith.constant 0 : i32
        %get3A_740 = arith.index_cast %get3A_739 : i32 to index
        %get3A_741 = arith.index_cast %add3A_738 : i32 to index
        %get3A_742 = arith.constant 32 : index
        %get3A_743 = tpu.vector_load %arg6[%get3A_740, %get3A_741, %get3A_742] {strides = array<i32>} : memref<2x320x64xf32, #tpu.memory_space<vmem>>, vector<1x1x16xf32>,
        %get3A_744 = vector.shape_cast %get3A_743 : vector<1x1x16xf32> to vector<16xf32>
        %add3A_745 = arith.addf %add3A_736, %get3A_744 : vector<16xf32>
        %add3A_746 = arith.constant 12 : i32
        %add3A_747 = arith.addi %mul3A_268, %add3A_746 : i32
        %get3A_748 = arith.constant 0 : i32
        %get3A_749 = arith.index_cast %get3A_748 : i32 to index
        %get3A_750 = arith.index_cast %add3A_747 : i32 to index
        %get3A_751 = arith.constant 32 : index
        %get3A_752 = tpu.vector_load %arg6[%get3A_749, %get3A_750, %get3A_751] {strides = array<i32>} : memref<2x320x64xf32, #tpu.memory_space<vmem>>, vector<1x1x16xf32>,
        %get3A_753 = vector.shape_cast %get3A_752 : vector<1x1x16xf32> to vector<16xf32>
        %add3A_754 = arith.addf %add3A_745, %get3A_753 : vector<16xf32>
        %add3A_755 = arith.constant 13 : i32
        %add3A_756 = arith.addi %mul3A_268, %add3A_755 : i32
        %get3A_757 = arith.constant 0 : i32
        %get3A_758 = arith.index_cast %get3A_757 : i32 to index
        %get3A_759 = arith.index_cast %add3A_756 : i32 to index
        %get3A_760 = arith.constant 32 : index
        %get3A_761 = tpu.vector_load %arg6[%get3A_758, %get3A_759, %get3A_760] {strides = array<i32>} : memref<2x320x64xf32, #tpu.memory_space<vmem>>, vector<1x1x16xf32>,
        %get3A_762 = vector.shape_cast %get3A_761 : vector<1x1x16xf32> to vector<16xf32>
        %add3A_763 = arith.addf %add3A_754, %get3A_762 : vector<16xf32>
        %add3A_764 = arith.constant 14 : i32
        %add3A_765 = arith.addi %mul3A_268, %add3A_764 : i32
        %get3A_766 = arith.constant 0 : i32
        %get3A_767 = arith.index_cast %get3A_766 : i32 to index
        %get3A_768 = arith.index_cast %add3A_765 : i32 to index
        %get3A_769 = arith.constant 32 : index
        %get3A_770 = tpu.vector_load %arg6[%get3A_767, %get3A_768, %get3A_769] {strides = array<i32>} : memref<2x320x64xf32, #tpu.memory_space<vmem>>, vector<1x1x16xf32>,
        %get3A_771 = vector.shape_cast %get3A_770 : vector<1x1x16xf32> to vector<16xf32>
        %add3A_772 = arith.addf %add3A_763, %get3A_771 : vector<16xf32>
        %add3A_773 = arith.constant 15 : i32
        %add3A_774 = arith.addi %mul3A_268, %add3A_773 : i32
        %get3A_775 = arith.constant 0 : i32
        %get3A_776 = arith.index_cast %get3A_775 : i32 to index
        %get3A_777 = arith.index_cast %add3A_774 : i32 to index
        %get3A_778 = arith.constant 32 : index
        %get3A_779 = tpu.vector_load %arg6[%get3A_776, %get3A_777, %get3A_778] {strides = array<i32>} : memref<2x320x64xf32, #tpu.memory_space<vmem>>, vector<1x1x16xf32>,
        %get3A_780 = vector.shape_cast %get3A_779 : vector<1x1x16xf32> to vector<16xf32>
        %add3A_781 = arith.addf %add3A_772, %get3A_780 : vector<16xf32>
        %add3A_782 = arith.constant 16 : i32
        %add3A_783 = arith.addi %mul3A_268, %add3A_782 : i32
        %get3A_784 = arith.constant 0 : i32
        %get3A_785 = arith.index_cast %get3A_784 : i32 to index
        %get3A_786 = arith.index_cast %add3A_783 : i32 to index
        %get3A_787 = arith.constant 32 : index
        %get3A_788 = tpu.vector_load %arg6[%get3A_785, %get3A_786, %get3A_787] {strides = array<i32>} : memref<2x320x64xf32, #tpu.memory_space<vmem>>, vector<1x1x16xf32>,
        %get3A_789 = vector.shape_cast %get3A_788 : vector<1x1x16xf32> to vector<16xf32>
        %add3A_790 = arith.addf %add3A_781, %get3A_789 : vector<16xf32>
        %add3A_791 = arith.constant 17 : i32
        %add3A_792 = arith.addi %mul3A_268, %add3A_791 : i32
        %get3A_793 = arith.constant 0 : i32
        %get3A_794 = arith.index_cast %get3A_793 : i32 to index
        %get3A_795 = arith.index_cast %add3A_792 : i32 to index
        %get3A_796 = arith.constant 32 : index
        %get3A_797 = tpu.vector_load %arg6[%get3A_794, %get3A_795, %get3A_796] {strides = array<i32>} : memref<2x320x64xf32, #tpu.memory_space<vmem>>, vector<1x1x16xf32>,
        %get3A_798 = vector.shape_cast %get3A_797 : vector<1x1x16xf32> to vector<16xf32>
        %add3A_799 = arith.addf %add3A_790, %get3A_798 : vector<16xf32>
        %add3A_800 = arith.constant 18 : i32
        %add3A_801 = arith.addi %mul3A_268, %add3A_800 : i32
        %get3A_802 = arith.constant 0 : i32
        %get3A_803 = arith.index_cast %get3A_802 : i32 to index
        %get3A_804 = arith.index_cast %add3A_801 : i32 to index
        %get3A_805 = arith.constant 32 : index
        %get3A_806 = tpu.vector_load %arg6[%get3A_803, %get3A_804, %get3A_805] {strides = array<i32>} : memref<2x320x64xf32, #tpu.memory_space<vmem>>, vector<1x1x16xf32>,
        %get3A_807 = vector.shape_cast %get3A_806 : vector<1x1x16xf32> to vector<16xf32>
        %add3A_808 = arith.addf %add3A_799, %get3A_807 : vector<16xf32>
        %add3A_809 = arith.constant 19 : i32
        %add3A_810 = arith.addi %mul3A_268, %add3A_809 : i32
        %get3A_811 = arith.constant 0 : i32
        %get3A_812 = arith.index_cast %get3A_811 : i32 to index
        %get3A_813 = arith.index_cast %add3A_810 : i32 to index
        %get3A_814 = arith.constant 32 : index
        %get3A_815 = tpu.vector_load %arg6[%get3A_812, %get3A_813, %get3A_814] {strides = array<i32>} : memref<2x320x64xf32, #tpu.memory_space<vmem>>, vector<1x1x16xf32>,
        %get3A_816 = vector.shape_cast %get3A_815 : vector<1x1x16xf32> to vector<16xf32>
        %add3A_817 = arith.addf %add3A_808, %get3A_816 : vector<16xf32>
        %mul3A_818 = arith.constant 5.000000e-02 : f32
        %mul3A_819 = vector.broadcast %mul3A_818 : f32 to vector<16xf32>
        %mul3A_820 = arith.mulf %add3A_817, %mul3A_819 : vector<16xf32>
        %swap3A_821 = arith.constant 0 : i32
        %swap3A_822 = arith.index_cast %swap3A_821 : i32 to index
        %swap3A_823 = arith.index_cast %add3A_266 : i32 to index
        %swap3A_824 = arith.constant 32 : index
        %swap3A_825 = tpu.vector_load %arg7[%swap3A_822, %swap3A_823, %swap3A_824] {strides = array<i32>} : memref<2x16x64xf32, #tpu.memory_space<vmem>>, vector<1x1x16xf32>,
        %swap3A_826 = vector.shape_cast %swap3A_825 : vector<1x1x16xf32> to vector<16xf32>
        %swap3A_827 = vector.shape_cast %mul3A_820 : vector<16xf32> to vector<1x1x16xf32>
        tpu.vector_store %arg7[%swap3A_822, %swap3A_823, %swap3A_824], %swap3A_827 {strides = array<i32>} : memref<2x16x64xf32, #tpu.memory_space<vmem>>, vector<1x1x16xf32>,
        %get3A_828 = arith.constant 0 : i32
        %get3A_829 = arith.index_cast %get3A_828 : i32 to index
        %get3A_830 = arith.index_cast %mul3A_268 : i32 to index
        %get3A_831 = arith.constant 48 : index
        %get3A_832 = tpu.vector_load %arg6[%get3A_829, %get3A_830, %get3A_831] {strides = array<i32>} : memref<2x320x64xf32, #tpu.memory_space<vmem>>, vector<1x1x16xf32>,
        %get3A_833 = vector.shape_cast %get3A_832 : vector<1x1x16xf32> to vector<16xf32>
        %add3A_834 = arith.constant 1 : i32
        %add3A_835 = arith.addi %mul3A_268, %add3A_834 : i32
        %get3A_836 = arith.constant 0 : i32
        %get3A_837 = arith.index_cast %get3A_836 : i32 to index
        %get3A_838 = arith.index_cast %add3A_835 : i32 to index
        %get3A_839 = arith.constant 48 : index
        %get3A_840 = tpu.vector_load %arg6[%get3A_837, %get3A_838, %get3A_839] {strides = array<i32>} : memref<2x320x64xf32, #tpu.memory_space<vmem>>, vector<1x1x16xf32>,
        %get3A_841 = vector.shape_cast %get3A_840 : vector<1x1x16xf32> to vector<16xf32>
        %add3A_842 = arith.addf %get3A_833, %get3A_841 : vector<16xf32>
        %add3A_843 = arith.constant 2 : i32
        %add3A_844 = arith.addi %mul3A_268, %add3A_843 : i32
        %get3A_845 = arith.constant 0 : i32
        %get3A_846 = arith.index_cast %get3A_845 : i32 to index
        %get3A_847 = arith.index_cast %add3A_844 : i32 to index
        %get3A_848 = arith.constant 48 : index
        %get3A_849 = tpu.vector_load %arg6[%get3A_846, %get3A_847, %get3A_848] {strides = array<i32>} : memref<2x320x64xf32, #tpu.memory_space<vmem>>, vector<1x1x16xf32>,
        %get3A_850 = vector.shape_cast %get3A_849 : vector<1x1x16xf32> to vector<16xf32>
        %add3A_851 = arith.addf %add3A_842, %get3A_850 : vector<16xf32>
        %add3A_852 = arith.constant 3 : i32
        %add3A_853 = arith.addi %mul3A_268, %add3A_852 : i32
        %get3A_854 = arith.constant 0 : i32
        %get3A_855 = arith.index_cast %get3A_854 : i32 to index
        %get3A_856 = arith.index_cast %add3A_853 : i32 to index
        %get3A_857 = arith.constant 48 : index
        %get3A_858 = tpu.vector_load %arg6[%get3A_855, %get3A_856, %get3A_857] {strides = array<i32>} : memref<2x320x64xf32, #tpu.memory_space<vmem>>, vector<1x1x16xf32>,
        %get3A_859 = vector.shape_cast %get3A_858 : vector<1x1x16xf32> to vector<16xf32>
        %add3A_860 = arith.addf %add3A_851, %get3A_859 : vector<16xf32>
        %add3A_861 = arith.constant 4 : i32
        %add3A_862 = arith.addi %mul3A_268, %add3A_861 : i32
        %get3A_863 = arith.constant 0 : i32
        %get3A_864 = arith.index_cast %get3A_863 : i32 to index
        %get3A_865 = arith.index_cast %add3A_862 : i32 to index
        %get3A_866 = arith.constant 48 : index
        %get3A_867 = tpu.vector_load %arg6[%get3A_864, %get3A_865, %get3A_866] {strides = array<i32>} : memref<2x320x64xf32, #tpu.memory_space<vmem>>, vector<1x1x16xf32>,
        %get3A_868 = vector.shape_cast %get3A_867 : vector<1x1x16xf32> to vector<16xf32>
        %add3A_869 = arith.addf %add3A_860, %get3A_868 : vector<16xf32>
        %add3A_870 = arith.constant 5 : i32
        %add3A_871 = arith.addi %mul3A_268, %add3A_870 : i32
        %get3A_872 = arith.constant 0 : i32
        %get3A_873 = arith.index_cast %get3A_872 : i32 to index
        %get3A_874 = arith.index_cast %add3A_871 : i32 to index
        %get3A_875 = arith.constant 48 : index
        %get3A_876 = tpu.vector_load %arg6[%get3A_873, %get3A_874, %get3A_875] {strides = array<i32>} : memref<2x320x64xf32, #tpu.memory_space<vmem>>, vector<1x1x16xf32>,
        %get3A_877 = vector.shape_cast %get3A_876 : vector<1x1x16xf32> to vector<16xf32>
        %add3A_878 = arith.addf %add3A_869, %get3A_877 : vector<16xf32>
        %add3A_879 = arith.constant 6 : i32
        %add3A_880 = arith.addi %mul3A_268, %add3A_879 : i32
        %get3A_881 = arith.constant 0 : i32
        %get3A_882 = arith.index_cast %get3A_881 : i32 to index
        %get3A_883 = arith.index_cast %add3A_880 : i32 to index
        %get3A_884 = arith.constant 48 : index
        %get3A_885 = tpu.vector_load %arg6[%get3A_882, %get3A_883, %get3A_884] {strides = array<i32>} : memref<2x320x64xf32, #tpu.memory_space<vmem>>, vector<1x1x16xf32>,
        %get3A_886 = vector.shape_cast %get3A_885 : vector<1x1x16xf32> to vector<16xf32>
        %add3A_887 = arith.addf %add3A_878, %get3A_886 : vector<16xf32>
        %add3A_888 = arith.constant 7 : i32
        %add3A_889 = arith.addi %mul3A_268, %add3A_888 : i32
        %get3A_890 = arith.constant 0 : i32
        %get3A_891 = arith.index_cast %get3A_890 : i32 to index
        %get3A_892 = arith.index_cast %add3A_889 : i32 to index
        %get3A_893 = arith.constant 48 : index
        %get3A_894 = tpu.vector_load %arg6[%get3A_891, %get3A_892, %get3A_893] {strides = array<i32>} : memref<2x320x64xf32, #tpu.memory_space<vmem>>, vector<1x1x16xf32>,
        %get3A_895 = vector.shape_cast %get3A_894 : vector<1x1x16xf32> to vector<16xf32>
        %add3A_896 = arith.addf %add3A_887, %get3A_895 : vector<16xf32>
        %add3A_897 = arith.constant 8 : i32
        %add3A_898 = arith.addi %mul3A_268, %add3A_897 : i32
        %get3A_899 = arith.constant 0 : i32
        %get3A_900 = arith.index_cast %get3A_899 : i32 to index
        %get3A_901 = arith.index_cast %add3A_898 : i32 to index
        %get3A_902 = arith.constant 48 : index
        %get3A_903 = tpu.vector_load %arg6[%get3A_900, %get3A_901, %get3A_902] {strides = array<i32>} : memref<2x320x64xf32, #tpu.memory_space<vmem>>, vector<1x1x16xf32>,
        %get3A_904 = vector.shape_cast %get3A_903 : vector<1x1x16xf32> to vector<16xf32>
        %add3A_905 = arith.addf %add3A_896, %get3A_904 : vector<16xf32>
        %add3A_906 = arith.constant 9 : i32
        %add3A_907 = arith.addi %mul3A_268, %add3A_906 : i32
        %get3A_908 = arith.constant 0 : i32
        %get3A_909 = arith.index_cast %get3A_908 : i32 to index
        %get3A_910 = arith.index_cast %add3A_907 : i32 to index
        %get3A_911 = arith.constant 48 : index
        %get3A_912 = tpu.vector_load %arg6[%get3A_909, %get3A_910, %get3A_911] {strides = array<i32>} : memref<2x320x64xf32, #tpu.memory_space<vmem>>, vector<1x1x16xf32>,
        %get3A_913 = vector.shape_cast %get3A_912 : vector<1x1x16xf32> to vector<16xf32>
        %add3A_914 = arith.addf %add3A_905, %get3A_913 : vector<16xf32>
        %add3A_915 = arith.constant 10 : i32
        %add3A_916 = arith.addi %mul3A_268, %add3A_915 : i32
        %get3A_917 = arith.constant 0 : i32
        %get3A_918 = arith.index_cast %get3A_917 : i32 to index
        %get3A_919 = arith.index_cast %add3A_916 : i32 to index
        %get3A_920 = arith.constant 48 : index
        %get3A_921 = tpu.vector_load %arg6[%get3A_918, %get3A_919, %get3A_920] {strides = array<i32>} : memref<2x320x64xf32, #tpu.memory_space<vmem>>, vector<1x1x16xf32>,
        %get3A_922 = vector.shape_cast %get3A_921 : vector<1x1x16xf32> to vector<16xf32>
        %add3A_923 = arith.addf %add3A_914, %get3A_922 : vector<16xf32>
        %add3A_924 = arith.constant 11 : i32
        %add3A_925 = arith.addi %mul3A_268, %add3A_924 : i32
        %get3A_926 = arith.constant 0 : i32
        %get3A_927 = arith.index_cast %get3A_926 : i32 to index
        %get3A_928 = arith.index_cast %add3A_925 : i32 to index
        %get3A_929 = arith.constant 48 : index
        %get3A_930 = tpu.vector_load %arg6[%get3A_927, %get3A_928, %get3A_929] {strides = array<i32>} : memref<2x320x64xf32, #tpu.memory_space<vmem>>, vector<1x1x16xf32>,
        %get3A_931 = vector.shape_cast %get3A_930 : vector<1x1x16xf32> to vector<16xf32>
        %add3A_932 = arith.addf %add3A_923, %get3A_931 : vector<16xf32>
        %add3A_933 = arith.constant 12 : i32
        %add3A_934 = arith.addi %mul3A_268, %add3A_933 : i32
        %get3A_935 = arith.constant 0 : i32
        %get3A_936 = arith.index_cast %get3A_935 : i32 to index
        %get3A_937 = arith.index_cast %add3A_934 : i32 to index
        %get3A_938 = arith.constant 48 : index
        %get3A_939 = tpu.vector_load %arg6[%get3A_936, %get3A_937, %get3A_938] {strides = array<i32>} : memref<2x320x64xf32, #tpu.memory_space<vmem>>, vector<1x1x16xf32>,
        %get3A_940 = vector.shape_cast %get3A_939 : vector<1x1x16xf32> to vector<16xf32>
        %add3A_941 = arith.addf %add3A_932, %get3A_940 : vector<16xf32>
        %add3A_942 = arith.constant 13 : i32
        %add3A_943 = arith.addi %mul3A_268, %add3A_942 : i32
        %get3A_944 = arith.constant 0 : i32
        %get3A_945 = arith.index_cast %get3A_944 : i32 to index
        %get3A_946 = arith.index_cast %add3A_943 : i32 to index
        %get3A_947 = arith.constant 48 : index
        %get3A_948 = tpu.vector_load %arg6[%get3A_945, %get3A_946, %get3A_947] {strides = array<i32>} : memref<2x320x64xf32, #tpu.memory_space<vmem>>, vector<1x1x16xf32>,
        %get3A_949 = vector.shape_cast %get3A_948 : vector<1x1x16xf32> to vector<16xf32>
        %add3A_950 = arith.addf %add3A_941, %get3A_949 : vector<16xf32>
        %add3A_951 = arith.constant 14 : i32
        %add3A_952 = arith.addi %mul3A_268, %add3A_951 : i32
        %get3A_953 = arith.constant 0 : i32
        %get3A_954 = arith.index_cast %get3A_953 : i32 to index
        %get3A_955 = arith.index_cast %add3A_952 : i32 to index
        %get3A_956 = arith.constant 48 : index
        %get3A_957 = tpu.vector_load %arg6[%get3A_954, %get3A_955, %get3A_956] {strides = array<i32>} : memref<2x320x64xf32, #tpu.memory_space<vmem>>, vector<1x1x16xf32>,
        %get3A_958 = vector.shape_cast %get3A_957 : vector<1x1x16xf32> to vector<16xf32>
        %add3A_959 = arith.addf %add3A_950, %get3A_958 : vector<16xf32>
        %add3A_960 = arith.constant 15 : i32
        %add3A_961 = arith.addi %mul3A_268, %add3A_960 : i32
        %get3A_962 = arith.constant 0 : i32
        %get3A_963 = arith.index_cast %get3A_962 : i32 to index
        %get3A_964 = arith.index_cast %add3A_961 : i32 to index
        %get3A_965 = arith.constant 48 : index
        %get3A_966 = tpu.vector_load %arg6[%get3A_963, %get3A_964, %get3A_965] {strides = array<i32>} : memref<2x320x64xf32, #tpu.memory_space<vmem>>, vector<1x1x16xf32>,
        %get3A_967 = vector.shape_cast %get3A_966 : vector<1x1x16xf32> to vector<16xf32>
        %add3A_968 = arith.addf %add3A_959, %get3A_967 : vector<16xf32>
        %add3A_969 = arith.constant 16 : i32
        %add3A_970 = arith.addi %mul3A_268, %add3A_969 : i32
        %get3A_971 = arith.constant 0 : i32
        %get3A_972 = arith.index_cast %get3A_971 : i32 to index
        %get3A_973 = arith.index_cast %add3A_970 : i32 to index
        %get3A_974 = arith.constant 48 : index
        %get3A_975 = tpu.vector_load %arg6[%get3A_972, %get3A_973, %get3A_974] {strides = array<i32>} : memref<2x320x64xf32, #tpu.memory_space<vmem>>, vector<1x1x16xf32>,
        %get3A_976 = vector.shape_cast %get3A_975 : vector<1x1x16xf32> to vector<16xf32>
        %add3A_977 = arith.addf %add3A_968, %get3A_976 : vector<16xf32>
        %add3A_978 = arith.constant 17 : i32
        %add3A_979 = arith.addi %mul3A_268, %add3A_978 : i32
        %get3A_980 = arith.constant 0 : i32
        %get3A_981 = arith.index_cast %get3A_980 : i32 to index
        %get3A_982 = arith.index_cast %add3A_979 : i32 to index
        %get3A_983 = arith.constant 48 : index
        %get3A_984 = tpu.vector_load %arg6[%get3A_981, %get3A_982, %get3A_983] {strides = array<i32>} : memref<2x320x64xf32, #tpu.memory_space<vmem>>, vector<1x1x16xf32>,
        %get3A_985 = vector.shape_cast %get3A_984 : vector<1x1x16xf32> to vector<16xf32>
        %add3A_986 = arith.addf %add3A_977, %get3A_985 : vector<16xf32>
        %add3A_987 = arith.constant 18 : i32
        %add3A_988 = arith.addi %mul3A_268, %add3A_987 : i32
        %get3A_989 = arith.constant 0 : i32
        %get3A_990 = arith.index_cast %get3A_989 : i32 to index
        %get3A_991 = arith.index_cast %add3A_988 : i32 to index
        %get3A_992 = arith.constant 48 : index
        %get3A_993 = tpu.vector_load %arg6[%get3A_990, %get3A_991, %get3A_992] {strides = array<i32>} : memref<2x320x64xf32, #tpu.memory_space<vmem>>, vector<1x1x16xf32>,
        %get3A_994 = vector.shape_cast %get3A_993 : vector<1x1x16xf32> to vector<16xf32>
        %add3A_995 = arith.addf %add3A_986, %get3A_994 : vector<16xf32>
        %add3A_996 = arith.constant 19 : i32
        %add3A_997 = arith.addi %mul3A_268, %add3A_996 : i32
        %get3A_998 = arith.constant 0 : i32
        %get3A_999 = arith.index_cast %get3A_998 : i32 to index
        %get3A_1000 = arith.index_cast %add3A_997 : i32 to index
        %get3A_1001 = arith.constant 48 : index
        %get3A_1002 = tpu.vector_load %arg6[%get3A_999, %get3A_1000, %get3A_1001] {strides = array<i32>} : memref<2x320x64xf32, #tpu.memory_space<vmem>>, vector<1x1x16xf32>,
        %get3A_1003 = vector.shape_cast %get3A_1002 : vector<1x1x16xf32> to vector<16xf32>
        %add3A_1004 = arith.addf %add3A_995, %get3A_1003 : vector<16xf32>
        %mul3A_1005 = arith.constant 5.000000e-02 : f32
        %mul3A_1006 = vector.broadcast %mul3A_1005 : f32 to vector<16xf32>
        %mul3A_1007 = arith.mulf %add3A_1004, %mul3A_1006 : vector<16xf32>
        %swap3A_1008 = arith.constant 0 : i32
        %swap3A_1009 = arith.index_cast %swap3A_1008 : i32 to index
        %swap3A_1010 = arith.index_cast %add3A_266 : i32 to index
        %swap3A_1011 = arith.constant 48 : index
        %swap3A_1012 = tpu.vector_load %arg7[%swap3A_1009, %swap3A_1010, %swap3A_1011] {strides = array<i32>} : memref<2x16x64xf32, #tpu.memory_space<vmem>>, vector<1x1x16xf32>,
        %swap3A_1013 = vector.shape_cast %swap3A_1012 : vector<1x1x16xf32> to vector<16xf32>
        %swap3A_1014 = vector.shape_cast %mul3A_1007 : vector<16xf32> to vector<1x1x16xf32>
        tpu.vector_store %arg7[%swap3A_1009, %swap3A_1010, %swap3A_1011], %swap3A_1014 {strides = array<i32>} : memref<2x16x64xf32, #tpu.memory_space<vmem>>, vector<1x1x16xf32>,
      }
      %scan3A_159 = arith.constant 16 : i32
      %mul3A_160 = arith.constant 16 : i32
      %mul3A_161 = arith.muli %add3A_107, %mul3A_160 : i32
      %add3A_162 = arith.addi %mul3A_2, %mul3A_161 : i32
      %dma_start3A_163 = arith.constant 0 : i32
      %dma_start3A_164 = arith.constant 0 : i32
      %dma_start3A_165 = arith.constant 0 : i32
      %dma_start3A_166 = tpu.memref_slice %arg7[%dma_start3A_163, %dma_start3A_164, %dma_start3A_165] : memref<2x16x64xf32, #tpu.memory_space<vmem>> -> memref<1x16x64xf32, #tpu.memory_space<vmem>>
      %dma_start3A_167 = tpu.memref_squeeze %dma_start3A_166 : memref<1x16x64xf32, #tpu.memory_space<vmem>> -> memref<16x64xf32, #tpu.memory_space<vmem>>
      %dma_start3A_168 = arith.constant 0 : i32
      %dma_start3A_169 = tpu.memref_slice %arg4[%add3A_162, %dma_start3A_168] : memref<16384x64xf32, #tpu.memory_space<hbm>> -> memref<16x64xf32, #tpu.memory_space<hbm>>
      %dma_start3A_170 = arith.constant 0 : i32
      %dma_start3A_171 = tpu.memref_slice %arg4[%add3A_162, %dma_start3A_170] : memref<16384x64xf32, #tpu.memory_space<hbm>> -> memref<16x64xf32, #tpu.memory_space<hbm>>
      %dma_start3A_172 = arith.constant 0 : i32
      %dma_start3A_173 = arith.constant 0 : i32
      %dma_start3A_174 = tpu.memref_slice %arg7[%dma_start3A_163, %dma_start3A_172, %dma_start3A_173] : memref<2x16x64xf32, #tpu.memory_space<vmem>> -> memref<1x16x64xf32, #tpu.memory_space<vmem>>
      %dma_start3A_175 = tpu.memref_squeeze %dma_start3A_174 : memref<1x16x64xf32, #tpu.memory_space<vmem>> -> memref<16x64xf32, #tpu.memory_space<vmem>>
      tpu.enqueue_dma source(%dma_start3A_175 : memref<16x64xf32, #tpu.memory_space<vmem>>) target(%dma_start3A_171 : memref<16x64xf32, #tpu.memory_space<hbm>>) target_semaphore(%arg11 : memref<!tpu.dma_semaphore, #tpu.memory_space<semaphore_mem>>)
      %add3A_176 = arith.constant 2 : i32
      %add3A_177 = arith.addi %add3A_107, %add3A_176 : i32
      %lt3A = arith.constant 32 : i32
      %lt3A_178 = arith.cmpi slt, %add3A_177, %lt3A : i32
      %convert_element_type3A_179 = arith.extui %lt3A_178 : i1 to i32
      %cond3A_180 = arith.constant 0 : i32
      %cond3A_181 = arith.cmpi ne, %convert_element_type3A_179, %cond3A_180 : i32
      scf.if %cond3A_181 {
        %add3A_262 = arith.constant 2 : i32
        %add3A_263 = arith.addi %add3A_107, %add3A_262 : i32
        %mul3A_264 = arith.constant 320 : i32
        %mul3A_265 = arith.muli %add3A_263, %mul3A_264 : i32
        %add3A_266 = arith.constant 0 : i32
        %add3A_267 = arith.addi %mul3A_265, %add3A_266 : i32
        %dma_start3A_268 = arith.constant 0 : i32
        %dma_start3A_269 = arith.constant 0 : i32
        %dma_start3A_270 = arith.constant 0 : i32
        %dma_start3A_271 = tpu.memref_slice %arg6[%dma_start3A_268, %dma_start3A_269, %dma_start3A_270] : memref<2x320x64xf32, #tpu.memory_space<vmem>> -> memref<1x128x64xf32, #tpu.memory_space<vmem>>
        %dma_start3A_272 = tpu.memref_squeeze %dma_start3A_271 : memref<1x128x64xf32, #tpu.memory_space<vmem>> -> memref<128x64xf32, #tpu.memory_space<vmem>>
        %dma_start3A_273 = tpu.memref_slice %arg5[%add3A_267] : memref<10240xi32, #tpu.memory_space<vmem>> -> memref<128xi32, #tpu.memory_space<vmem>>
        %dma_start3A_274 = arith.constant 0 : i32
        %dma_start3A_275 = arith.constant 0 : i32
        %dma_start3A_276 = tpu.memref_slice %arg3[%dma_start3A_274, %dma_start3A_275] : memref<100000x64xf32, #tpu.memory_space<hbm>> -> memref<100000x64xf32, #tpu.memory_space<hbm>>
        tpu.enqueue_indirect_dma source(%dma_start3A_276 : memref<100000x64xf32, #tpu.memory_space<hbm>>) target(%dma_start3A_272 : memref<128x64xf32, #tpu.memory_space<vmem>>) offsets(%dma_start3A_273 : memref<128xi32, #tpu.memory_space<vmem>>) semaphore(%arg9 : memref<!tpu.dma_semaphore, #tpu.memory_space<semaphore_mem>>)
        %mul3A_277 = arith.constant 320 : i32
        %mul3A_278 = arith.muli %add3A_263, %mul3A_277 : i32
        %add3A_279 = arith.constant 128 : i32
        %add3A_280 = arith.addi %mul3A_278, %add3A_279 : i32
        %dma_start3A_281 = arith.constant 0 : i32
        %dma_start3A_282 = arith.constant 128 : i32
        %dma_start3A_283 = arith.constant 0 : i32
        %dma_start3A_284 = tpu.memref_slice %arg6[%dma_start3A_281, %dma_start3A_282, %dma_start3A_283] : memref<2x320x64xf32, #tpu.memory_space<vmem>> -> memref<1x128x64xf32, #tpu.memory_space<vmem>>
        %dma_start3A_285 = tpu.memref_squeeze %dma_start3A_284 : memref<1x128x64xf32, #tpu.memory_space<vmem>> -> memref<128x64xf32, #tpu.memory_space<vmem>>
        %dma_start3A_286 = tpu.memref_slice %arg5[%add3A_280] : memref<10240xi32, #tpu.memory_space<vmem>> -> memref<128xi32, #tpu.memory_space<vmem>>
        %dma_start3A_287 = arith.constant 0 : i32
        %dma_start3A_288 = arith.constant 0 : i32
        %dma_start3A_289 = tpu.memref_slice %arg3[%dma_start3A_287, %dma_start3A_288] : memref<100000x64xf32, #tpu.memory_space<hbm>> -> memref<100000x64xf32, #tpu.memory_space<hbm>>
        tpu.enqueue_indirect_dma source(%dma_start3A_289 : memref<100000x64xf32, #tpu.memory_space<hbm>>) target(%dma_start3A_285 : memref<128x64xf32, #tpu.memory_space<vmem>>) offsets(%dma_start3A_286 : memref<128xi32, #tpu.memory_space<vmem>>) semaphore(%arg9 : memref<!tpu.dma_semaphore, #tpu.memory_space<semaphore_mem>>)
        %mul3A_290 = arith.constant 320 : i32
        %mul3A_291 = arith.muli %add3A_263, %mul3A_290 : i32
        %add3A_292 = arith.constant 256 : i32
        %add3A_293 = arith.addi %mul3A_291, %add3A_292 : i32
        %dma_start3A_294 = arith.constant 0 : i32
        %dma_start3A_295 = arith.constant 256 : i32
        %dma_start3A_296 = arith.constant 0 : i32
        %dma_start3A_297 = tpu.memref_slice %arg6[%dma_start3A_294, %dma_start3A_295, %dma_start3A_296] : memref<2x320x64xf32, #tpu.memory_space<vmem>> -> memref<1x64x64xf32, #tpu.memory_space<vmem>>
        %dma_start3A_298 = tpu.memref_squeeze %dma_start3A_297 : memref<1x64x64xf32, #tpu.memory_space<vmem>> -> memref<64x64xf32, #tpu.memory_space<vmem>>
        %dma_start3A_299 = tpu.memref_slice %arg5[%add3A_293] : memref<10240xi32, #tpu.memory_space<vmem>> -> memref<64xi32, #tpu.memory_space<vmem>>
        %dma_start3A_300 = arith.constant 0 : i32
        %dma_start3A_301 = arith.constant 0 : i32
        %dma_start3A_302 = tpu.memref_slice %arg3[%dma_start3A_300, %dma_start3A_301] : memref<100000x64xf32, #tpu.memory_space<hbm>> -> memref<100000x64xf32, #tpu.memory_space<hbm>>
        tpu.enqueue_indirect_dma source(%dma_start3A_302 : memref<100000x64xf32, #tpu.memory_space<hbm>>) target(%dma_start3A_298 : memref<64x64xf32, #tpu.memory_space<vmem>>) offsets(%dma_start3A_299 : memref<64xi32, #tpu.memory_space<vmem>>) semaphore(%arg9 : memref<!tpu.dma_semaphore, #tpu.memory_space<semaphore_mem>>)
      } else {
      }
      %add3A_182 = arith.constant 1 : i32
      %add3A_183 = arith.addi %add3A_105, %add3A_182 : i32
      %dma_wait3A_184 = arith.constant 1 : i32
      %dma_wait3A_185 = arith.constant 0 : i32
      %dma_wait3A_186 = arith.constant 0 : i32
      %dma_wait3A_187 = tpu.memref_slice %arg6[%dma_wait3A_184, %dma_wait3A_185, %dma_wait3A_186] : memref<2x320x64xf32, #tpu.memory_space<vmem>> -> memref<1x128x64xf32, #tpu.memory_space<vmem>>
      %dma_wait3A_188 = tpu.memref_squeeze %dma_wait3A_187 : memref<1x128x64xf32, #tpu.memory_space<vmem>> -> memref<128x64xf32, #tpu.memory_space<vmem>>
      %dma_wait3A_189 = arith.constant 0 : i32
      %dma_wait3A_190 = arith.constant 0 : i32
      %dma_wait3A_191 = tpu.memref_slice %arg3[%dma_wait3A_189, %dma_wait3A_190] : memref<100000x64xf32, #tpu.memory_space<hbm>> -> memref<128x64xf32, #tpu.memory_space<hbm>>
      %dma_wait3A_192 = arith.constant 0 : i32
      %dma_wait3A_193 = arith.constant 0 : i32
      %dma_wait3A_194 = tpu.memref_slice %arg6[%dma_wait3A_184, %dma_wait3A_192, %dma_wait3A_193] : memref<2x320x64xf32, #tpu.memory_space<vmem>> -> memref<1x128x64xf32, #tpu.memory_space<vmem>>
      %dma_wait3A_195 = tpu.memref_squeeze %dma_wait3A_194 : memref<1x128x64xf32, #tpu.memory_space<vmem>> -> memref<128x64xf32, #tpu.memory_space<vmem>>
      %dma_wait3A_196 = arith.constant 0 : i32
      %dma_wait3A_197 = arith.constant 0 : i32
      %dma_wait3A_198 = tpu.memref_slice %arg3[%dma_wait3A_196, %dma_wait3A_197] : memref<100000x64xf32, #tpu.memory_space<hbm>> -> memref<128x64xf32, #tpu.memory_space<hbm>>
      tpu.wait_dma2 semaphore(%arg10 : memref<!tpu.dma_semaphore, #tpu.memory_space<semaphore_mem>>) src(%dma_wait3A_198 : memref<128x64xf32, #tpu.memory_space<hbm>>) dst(%dma_wait3A_195 : memref<128x64xf32, #tpu.memory_space<vmem>>)
      %dma_wait3A_199 = arith.constant 1 : i32
      %dma_wait3A_200 = arith.constant 128 : i32
      %dma_wait3A_201 = arith.constant 0 : i32
      %dma_wait3A_202 = tpu.memref_slice %arg6[%dma_wait3A_199, %dma_wait3A_200, %dma_wait3A_201] : memref<2x320x64xf32, #tpu.memory_space<vmem>> -> memref<1x128x64xf32, #tpu.memory_space<vmem>>
      %dma_wait3A_203 = tpu.memref_squeeze %dma_wait3A_202 : memref<1x128x64xf32, #tpu.memory_space<vmem>> -> memref<128x64xf32, #tpu.memory_space<vmem>>
      %dma_wait3A_204 = arith.constant 0 : i32
      %dma_wait3A_205 = arith.constant 0 : i32
      %dma_wait3A_206 = tpu.memref_slice %arg3[%dma_wait3A_204, %dma_wait3A_205] : memref<100000x64xf32, #tpu.memory_space<hbm>> -> memref<128x64xf32, #tpu.memory_space<hbm>>
      %dma_wait3A_207 = arith.constant 128 : i32
      %dma_wait3A_208 = arith.constant 0 : i32
      %dma_wait3A_209 = tpu.memref_slice %arg6[%dma_wait3A_199, %dma_wait3A_207, %dma_wait3A_208] : memref<2x320x64xf32, #tpu.memory_space<vmem>> -> memref<1x128x64xf32, #tpu.memory_space<vmem>>
      %dma_wait3A_210 = tpu.memref_squeeze %dma_wait3A_209 : memref<1x128x64xf32, #tpu.memory_space<vmem>> -> memref<128x64xf32, #tpu.memory_space<vmem>>
      %dma_wait3A_211 = arith.constant 0 : i32
      %dma_wait3A_212 = arith.constant 0 : i32
      %dma_wait3A_213 = tpu.memref_slice %arg3[%dma_wait3A_211, %dma_wait3A_212] : memref<100000x64xf32, #tpu.memory_space<hbm>> -> memref<128x64xf32, #tpu.memory_space<hbm>>
      tpu.wait_dma2 semaphore(%arg10 : memref<!tpu.dma_semaphore, #tpu.memory_space<semaphore_mem>>) src(%dma_wait3A_213 : memref<128x64xf32, #tpu.memory_space<hbm>>) dst(%dma_wait3A_210 : memref<128x64xf32, #tpu.memory_space<vmem>>)
      %dma_wait3A_214 = arith.constant 1 : i32
      %dma_wait3A_215 = arith.constant 256 : i32
      %dma_wait3A_216 = arith.constant 0 : i32
      %dma_wait3A_217 = tpu.memref_slice %arg6[%dma_wait3A_214, %dma_wait3A_215, %dma_wait3A_216] : memref<2x320x64xf32, #tpu.memory_space<vmem>> -> memref<1x64x64xf32, #tpu.memory_space<vmem>>
      %dma_wait3A_218 = tpu.memref_squeeze %dma_wait3A_217 : memref<1x64x64xf32, #tpu.memory_space<vmem>> -> memref<64x64xf32, #tpu.memory_space<vmem>>
      %dma_wait3A_219 = arith.constant 0 : i32
      %dma_wait3A_220 = arith.constant 0 : i32
      %dma_wait3A_221 = tpu.memref_slice %arg3[%dma_wait3A_219, %dma_wait3A_220] : memref<100000x64xf32, #tpu.memory_space<hbm>> -> memref<64x64xf32, #tpu.memory_space<hbm>>
      %dma_wait3A_222 = arith.constant 256 : i32
      %dma_wait3A_223 = arith.constant 0 : i32
      %dma_wait3A_224 = tpu.memref_slice %arg6[%dma_wait3A_214, %dma_wait3A_222, %dma_wait3A_223] : memref<2x320x64xf32, #tpu.memory_space<vmem>> -> memref<1x64x64xf32, #tpu.memory_space<vmem>>
      %dma_wait3A_225 = tpu.memref_squeeze %dma_wait3A_224 : memref<1x64x64xf32, #tpu.memory_space<vmem>> -> memref<64x64xf32, #tpu.memory_space<vmem>>
      %dma_wait3A_226 = arith.constant 0 : i32
      %dma_wait3A_227 = arith.constant 0 : i32
      %dma_wait3A_228 = tpu.memref_slice %arg3[%dma_wait3A_226, %dma_wait3A_227] : memref<100000x64xf32, #tpu.memory_space<hbm>> -> memref<64x64xf32, #tpu.memory_space<hbm>>
      tpu.wait_dma2 semaphore(%arg10 : memref<!tpu.dma_semaphore, #tpu.memory_space<semaphore_mem>>) src(%dma_wait3A_228 : memref<64x64xf32, #tpu.memory_space<hbm>>) dst(%dma_wait3A_225 : memref<64x64xf32, #tpu.memory_space<vmem>>)
      %ge3A_229 = arith.constant 2 : i32
      %ge3A_230 = arith.cmpi sge, %add3A_183, %ge3A_229 : i32
      %convert_element_type3A_231 = arith.extui %ge3A_230 : i1 to i32
      %cond3A_232 = arith.constant 0 : i32
      %cond3A_233 = arith.cmpi ne, %convert_element_type3A_231, %cond3A_232 : i32
      scf.if %cond3A_233 {
        %dma_wait3A_262 = arith.constant 1 : i32
        %dma_wait3A_263 = arith.constant 0 : i32
        %dma_wait3A_264 = arith.constant 0 : i32
        %dma_wait3A_265 = tpu.memref_slice %arg7[%dma_wait3A_262, %dma_wait3A_263, %dma_wait3A_264] : memref<2x16x64xf32, #tpu.memory_space<vmem>> -> memref<1x16x64xf32, #tpu.memory_space<vmem>>
        %dma_wait3A_266 = tpu.memref_squeeze %dma_wait3A_265 : memref<1x16x64xf32, #tpu.memory_space<vmem>> -> memref<16x64xf32, #tpu.memory_space<vmem>>
        %dma_wait3A_267 = arith.constant 0 : i32
        %dma_wait3A_268 = arith.constant 0 : i32
        %dma_wait3A_269 = tpu.memref_slice %arg3[%dma_wait3A_267, %dma_wait3A_268] : memref<100000x64xf32, #tpu.memory_space<hbm>> -> memref<16x64xf32, #tpu.memory_space<hbm>>
        %dma_wait3A_270 = arith.constant 0 : i32
        %dma_wait3A_271 = arith.constant 0 : i32
        %dma_wait3A_272 = tpu.memref_slice %arg7[%dma_wait3A_262, %dma_wait3A_270, %dma_wait3A_271] : memref<2x16x64xf32, #tpu.memory_space<vmem>> -> memref<1x16x64xf32, #tpu.memory_space<vmem>>
        %dma_wait3A_273 = tpu.memref_squeeze %dma_wait3A_272 : memref<1x16x64xf32, #tpu.memory_space<vmem>> -> memref<16x64xf32, #tpu.memory_space<vmem>>
        %dma_wait3A_274 = arith.constant 0 : i32
        %dma_wait3A_275 = arith.constant 0 : i32
        %dma_wait3A_276 = tpu.memref_slice %arg3[%dma_wait3A_274, %dma_wait3A_275] : memref<100000x64xf32, #tpu.memory_space<hbm>> -> memref<16x64xf32, #tpu.memory_space<hbm>>
        tpu.wait_dma2 semaphore(%arg12 : memref<!tpu.dma_semaphore, #tpu.memory_space<semaphore_mem>>) src(%dma_wait3A_276 : memref<16x64xf32, #tpu.memory_space<hbm>>) dst(%dma_wait3A_273 : memref<16x64xf32, #tpu.memory_space<vmem>>)
      } else {
      }
      %scan3A_234 = arith.constant 0 : i32
      %scan3A_235 = arith.constant 16 : i32
      %scan3A_236 = arith.addi %scan3A_234, %scan3A_235 : i32
      %scan3A_237 = arith.constant 1 : i32
      scf.for %scan3A_262 = %scan3A_234 to %scan3A_236 step %scan3A_237  : i32 {
        %mul3A_263 = arith.constant 1 : i32
        %mul3A_264 = arith.muli %scan3A_262, %mul3A_263 : i32
        %add3A_265 = arith.constant 0 : i32
        %add3A_266 = arith.addi %add3A_265, %mul3A_264 : i32
        %mul3A_267 = arith.constant 20 : i32
        %mul3A_268 = arith.muli %add3A_266, %mul3A_267 : i32
        %get3A = arith.constant 1 : i32
        %get3A_269 = arith.index_cast %get3A : i32 to index
        %get3A_270 = arith.index_cast %mul3A_268 : i32 to index
        %get3A_271 = arith.constant 0 : index
        %get3A_272 = tpu.vector_load %arg6[%get3A_269, %get3A_270, %get3A_271] {strides = array<i32>} : memref<2x320x64xf32, #tpu.memory_space<vmem>>, vector<1x1x16xf32>,
        %get3A_273 = vector.shape_cast %get3A_272 : vector<1x1x16xf32> to vector<16xf32>
        %add3A_274 = arith.constant 1 : i32
        %add3A_275 = arith.addi %mul3A_268, %add3A_274 : i32
        %get3A_276 = arith.constant 1 : i32
        %get3A_277 = arith.index_cast %get3A_276 : i32 to index
        %get3A_278 = arith.index_cast %add3A_275 : i32 to index
        %get3A_279 = arith.constant 0 : index
        %get3A_280 = tpu.vector_load %arg6[%get3A_277, %get3A_278, %get3A_279] {strides = array<i32>} : memref<2x320x64xf32, #tpu.memory_space<vmem>>, vector<1x1x16xf32>,
        %get3A_281 = vector.shape_cast %get3A_280 : vector<1x1x16xf32> to vector<16xf32>
        %add3A_282 = arith.addf %get3A_273, %get3A_281 : vector<16xf32>
        %add3A_283 = arith.constant 2 : i32
        %add3A_284 = arith.addi %mul3A_268, %add3A_283 : i32
        %get3A_285 = arith.constant 1 : i32
        %get3A_286 = arith.index_cast %get3A_285 : i32 to index
        %get3A_287 = arith.index_cast %add3A_284 : i32 to index
        %get3A_288 = arith.constant 0 : index
        %get3A_289 = tpu.vector_load %arg6[%get3A_286, %get3A_287, %get3A_288] {strides = array<i32>} : memref<2x320x64xf32, #tpu.memory_space<vmem>>, vector<1x1x16xf32>,
        %get3A_290 = vector.shape_cast %get3A_289 : vector<1x1x16xf32> to vector<16xf32>
        %add3A_291 = arith.addf %add3A_282, %get3A_290 : vector<16xf32>
        %add3A_292 = arith.constant 3 : i32
        %add3A_293 = arith.addi %mul3A_268, %add3A_292 : i32
        %get3A_294 = arith.constant 1 : i32
        %get3A_295 = arith.index_cast %get3A_294 : i32 to index
        %get3A_296 = arith.index_cast %add3A_293 : i32 to index
        %get3A_297 = arith.constant 0 : index
        %get3A_298 = tpu.vector_load %arg6[%get3A_295, %get3A_296, %get3A_297] {strides = array<i32>} : memref<2x320x64xf32, #tpu.memory_space<vmem>>, vector<1x1x16xf32>,
        %get3A_299 = vector.shape_cast %get3A_298 : vector<1x1x16xf32> to vector<16xf32>
        %add3A_300 = arith.addf %add3A_291, %get3A_299 : vector<16xf32>
        %add3A_301 = arith.constant 4 : i32
        %add3A_302 = arith.addi %mul3A_268, %add3A_301 : i32
        %get3A_303 = arith.constant 1 : i32
        %get3A_304 = arith.index_cast %get3A_303 : i32 to index
        %get3A_305 = arith.index_cast %add3A_302 : i32 to index
        %get3A_306 = arith.constant 0 : index
        %get3A_307 = tpu.vector_load %arg6[%get3A_304, %get3A_305, %get3A_306] {strides = array<i32>} : memref<2x320x64xf32, #tpu.memory_space<vmem>>, vector<1x1x16xf32>,
        %get3A_308 = vector.shape_cast %get3A_307 : vector<1x1x16xf32> to vector<16xf32>
        %add3A_309 = arith.addf %add3A_300, %get3A_308 : vector<16xf32>
        %add3A_310 = arith.constant 5 : i32
        %add3A_311 = arith.addi %mul3A_268, %add3A_310 : i32
        %get3A_312 = arith.constant 1 : i32
        %get3A_313 = arith.index_cast %get3A_312 : i32 to index
        %get3A_314 = arith.index_cast %add3A_311 : i32 to index
        %get3A_315 = arith.constant 0 : index
        %get3A_316 = tpu.vector_load %arg6[%get3A_313, %get3A_314, %get3A_315] {strides = array<i32>} : memref<2x320x64xf32, #tpu.memory_space<vmem>>, vector<1x1x16xf32>,
        %get3A_317 = vector.shape_cast %get3A_316 : vector<1x1x16xf32> to vector<16xf32>
        %add3A_318 = arith.addf %add3A_309, %get3A_317 : vector<16xf32>
        %add3A_319 = arith.constant 6 : i32
        %add3A_320 = arith.addi %mul3A_268, %add3A_319 : i32
        %get3A_321 = arith.constant 1 : i32
        %get3A_322 = arith.index_cast %get3A_321 : i32 to index
        %get3A_323 = arith.index_cast %add3A_320 : i32 to index
        %get3A_324 = arith.constant 0 : index
        %get3A_325 = tpu.vector_load %arg6[%get3A_322, %get3A_323, %get3A_324] {strides = array<i32>} : memref<2x320x64xf32, #tpu.memory_space<vmem>>, vector<1x1x16xf32>,
        %get3A_326 = vector.shape_cast %get3A_325 : vector<1x1x16xf32> to vector<16xf32>
        %add3A_327 = arith.addf %add3A_318, %get3A_326 : vector<16xf32>
        %add3A_328 = arith.constant 7 : i32
        %add3A_329 = arith.addi %mul3A_268, %add3A_328 : i32
        %get3A_330 = arith.constant 1 : i32
        %get3A_331 = arith.index_cast %get3A_330 : i32 to index
        %get3A_332 = arith.index_cast %add3A_329 : i32 to index
        %get3A_333 = arith.constant 0 : index
        %get3A_334 = tpu.vector_load %arg6[%get3A_331, %get3A_332, %get3A_333] {strides = array<i32>} : memref<2x320x64xf32, #tpu.memory_space<vmem>>, vector<1x1x16xf32>,
        %get3A_335 = vector.shape_cast %get3A_334 : vector<1x1x16xf32> to vector<16xf32>
        %add3A_336 = arith.addf %add3A_327, %get3A_335 : vector<16xf32>
        %add3A_337 = arith.constant 8 : i32
        %add3A_338 = arith.addi %mul3A_268, %add3A_337 : i32
        %get3A_339 = arith.constant 1 : i32
        %get3A_340 = arith.index_cast %get3A_339 : i32 to index
        %get3A_341 = arith.index_cast %add3A_338 : i32 to index
        %get3A_342 = arith.constant 0 : index
        %get3A_343 = tpu.vector_load %arg6[%get3A_340, %get3A_341, %get3A_342] {strides = array<i32>} : memref<2x320x64xf32, #tpu.memory_space<vmem>>, vector<1x1x16xf32>,
        %get3A_344 = vector.shape_cast %get3A_343 : vector<1x1x16xf32> to vector<16xf32>
        %add3A_345 = arith.addf %add3A_336, %get3A_344 : vector<16xf32>
        %add3A_346 = arith.constant 9 : i32
        %add3A_347 = arith.addi %mul3A_268, %add3A_346 : i32
        %get3A_348 = arith.constant 1 : i32
        %get3A_349 = arith.index_cast %get3A_348 : i32 to index
        %get3A_350 = arith.index_cast %add3A_347 : i32 to index
        %get3A_351 = arith.constant 0 : index
        %get3A_352 = tpu.vector_load %arg6[%get3A_349, %get3A_350, %get3A_351] {strides = array<i32>} : memref<2x320x64xf32, #tpu.memory_space<vmem>>, vector<1x1x16xf32>,
        %get3A_353 = vector.shape_cast %get3A_352 : vector<1x1x16xf32> to vector<16xf32>
        %add3A_354 = arith.addf %add3A_345, %get3A_353 : vector<16xf32>
        %add3A_355 = arith.constant 10 : i32
        %add3A_356 = arith.addi %mul3A_268, %add3A_355 : i32
        %get3A_357 = arith.constant 1 : i32
        %get3A_358 = arith.index_cast %get3A_357 : i32 to index
        %get3A_359 = arith.index_cast %add3A_356 : i32 to index
        %get3A_360 = arith.constant 0 : index
        %get3A_361 = tpu.vector_load %arg6[%get3A_358, %get3A_359, %get3A_360] {strides = array<i32>} : memref<2x320x64xf32, #tpu.memory_space<vmem>>, vector<1x1x16xf32>,
        %get3A_362 = vector.shape_cast %get3A_361 : vector<1x1x16xf32> to vector<16xf32>
        %add3A_363 = arith.addf %add3A_354, %get3A_362 : vector<16xf32>
        %add3A_364 = arith.constant 11 : i32
        %add3A_365 = arith.addi %mul3A_268, %add3A_364 : i32
        %get3A_366 = arith.constant 1 : i32
        %get3A_367 = arith.index_cast %get3A_366 : i32 to index
        %get3A_368 = arith.index_cast %add3A_365 : i32 to index
        %get3A_369 = arith.constant 0 : index
        %get3A_370 = tpu.vector_load %arg6[%get3A_367, %get3A_368, %get3A_369] {strides = array<i32>} : memref<2x320x64xf32, #tpu.memory_space<vmem>>, vector<1x1x16xf32>,
        %get3A_371 = vector.shape_cast %get3A_370 : vector<1x1x16xf32> to vector<16xf32>
        %add3A_372 = arith.addf %add3A_363, %get3A_371 : vector<16xf32>
        %add3A_373 = arith.constant 12 : i32
        %add3A_374 = arith.addi %mul3A_268, %add3A_373 : i32
        %get3A_375 = arith.constant 1 : i32
        %get3A_376 = arith.index_cast %get3A_375 : i32 to index
        %get3A_377 = arith.index_cast %add3A_374 : i32 to index
        %get3A_378 = arith.constant 0 : index
        %get3A_379 = tpu.vector_load %arg6[%get3A_376, %get3A_377, %get3A_378] {strides = array<i32>} : memref<2x320x64xf32, #tpu.memory_space<vmem>>, vector<1x1x16xf32>,
        %get3A_380 = vector.shape_cast %get3A_379 : vector<1x1x16xf32> to vector<16xf32>
        %add3A_381 = arith.addf %add3A_372, %get3A_380 : vector<16xf32>
        %add3A_382 = arith.constant 13 : i32
        %add3A_383 = arith.addi %mul3A_268, %add3A_382 : i32
        %get3A_384 = arith.constant 1 : i32
        %get3A_385 = arith.index_cast %get3A_384 : i32 to index
        %get3A_386 = arith.index_cast %add3A_383 : i32 to index
        %get3A_387 = arith.constant 0 : index
        %get3A_388 = tpu.vector_load %arg6[%get3A_385, %get3A_386, %get3A_387] {strides = array<i32>} : memref<2x320x64xf32, #tpu.memory_space<vmem>>, vector<1x1x16xf32>,
        %get3A_389 = vector.shape_cast %get3A_388 : vector<1x1x16xf32> to vector<16xf32>
        %add3A_390 = arith.addf %add3A_381, %get3A_389 : vector<16xf32>
        %add3A_391 = arith.constant 14 : i32
        %add3A_392 = arith.addi %mul3A_268, %add3A_391 : i32
        %get3A_393 = arith.constant 1 : i32
        %get3A_394 = arith.index_cast %get3A_393 : i32 to index
        %get3A_395 = arith.index_cast %add3A_392 : i32 to index
        %get3A_396 = arith.constant 0 : index
        %get3A_397 = tpu.vector_load %arg6[%get3A_394, %get3A_395, %get3A_396] {strides = array<i32>} : memref<2x320x64xf32, #tpu.memory_space<vmem>>, vector<1x1x16xf32>,
        %get3A_398 = vector.shape_cast %get3A_397 : vector<1x1x16xf32> to vector<16xf32>
        %add3A_399 = arith.addf %add3A_390, %get3A_398 : vector<16xf32>
        %add3A_400 = arith.constant 15 : i32
        %add3A_401 = arith.addi %mul3A_268, %add3A_400 : i32
        %get3A_402 = arith.constant 1 : i32
        %get3A_403 = arith.index_cast %get3A_402 : i32 to index
        %get3A_404 = arith.index_cast %add3A_401 : i32 to index
        %get3A_405 = arith.constant 0 : index
        %get3A_406 = tpu.vector_load %arg6[%get3A_403, %get3A_404, %get3A_405] {strides = array<i32>} : memref<2x320x64xf32, #tpu.memory_space<vmem>>, vector<1x1x16xf32>,
        %get3A_407 = vector.shape_cast %get3A_406 : vector<1x1x16xf32> to vector<16xf32>
        %add3A_408 = arith.addf %add3A_399, %get3A_407 : vector<16xf32>
        %add3A_409 = arith.constant 16 : i32
        %add3A_410 = arith.addi %mul3A_268, %add3A_409 : i32
        %get3A_411 = arith.constant 1 : i32
        %get3A_412 = arith.index_cast %get3A_411 : i32 to index
        %get3A_413 = arith.index_cast %add3A_410 : i32 to index
        %get3A_414 = arith.constant 0 : index
        %get3A_415 = tpu.vector_load %arg6[%get3A_412, %get3A_413, %get3A_414] {strides = array<i32>} : memref<2x320x64xf32, #tpu.memory_space<vmem>>, vector<1x1x16xf32>,
        %get3A_416 = vector.shape_cast %get3A_415 : vector<1x1x16xf32> to vector<16xf32>
        %add3A_417 = arith.addf %add3A_408, %get3A_416 : vector<16xf32>
        %add3A_418 = arith.constant 17 : i32
        %add3A_419 = arith.addi %mul3A_268, %add3A_418 : i32
        %get3A_420 = arith.constant 1 : i32
        %get3A_421 = arith.index_cast %get3A_420 : i32 to index
        %get3A_422 = arith.index_cast %add3A_419 : i32 to index
        %get3A_423 = arith.constant 0 : index
        %get3A_424 = tpu.vector_load %arg6[%get3A_421, %get3A_422, %get3A_423] {strides = array<i32>} : memref<2x320x64xf32, #tpu.memory_space<vmem>>, vector<1x1x16xf32>,
        %get3A_425 = vector.shape_cast %get3A_424 : vector<1x1x16xf32> to vector<16xf32>
        %add3A_426 = arith.addf %add3A_417, %get3A_425 : vector<16xf32>
        %add3A_427 = arith.constant 18 : i32
        %add3A_428 = arith.addi %mul3A_268, %add3A_427 : i32
        %get3A_429 = arith.constant 1 : i32
        %get3A_430 = arith.index_cast %get3A_429 : i32 to index
        %get3A_431 = arith.index_cast %add3A_428 : i32 to index
        %get3A_432 = arith.constant 0 : index
        %get3A_433 = tpu.vector_load %arg6[%get3A_430, %get3A_431, %get3A_432] {strides = array<i32>} : memref<2x320x64xf32, #tpu.memory_space<vmem>>, vector<1x1x16xf32>,
        %get3A_434 = vector.shape_cast %get3A_433 : vector<1x1x16xf32> to vector<16xf32>
        %add3A_435 = arith.addf %add3A_426, %get3A_434 : vector<16xf32>
        %add3A_436 = arith.constant 19 : i32
        %add3A_437 = arith.addi %mul3A_268, %add3A_436 : i32
        %get3A_438 = arith.constant 1 : i32
        %get3A_439 = arith.index_cast %get3A_438 : i32 to index
        %get3A_440 = arith.index_cast %add3A_437 : i32 to index
        %get3A_441 = arith.constant 0 : index
        %get3A_442 = tpu.vector_load %arg6[%get3A_439, %get3A_440, %get3A_441] {strides = array<i32>} : memref<2x320x64xf32, #tpu.memory_space<vmem>>, vector<1x1x16xf32>,
        %get3A_443 = vector.shape_cast %get3A_442 : vector<1x1x16xf32> to vector<16xf32>
        %add3A_444 = arith.addf %add3A_435, %get3A_443 : vector<16xf32>
        %mul3A_445 = arith.constant 5.000000e-02 : f32
        %mul3A_446 = vector.broadcast %mul3A_445 : f32 to vector<16xf32>
        %mul3A_447 = arith.mulf %add3A_444, %mul3A_446 : vector<16xf32>
        %swap3A = arith.constant 1 : i32
        %swap3A_448 = arith.index_cast %swap3A : i32 to index
        %swap3A_449 = arith.index_cast %add3A_266 : i32 to index
        %swap3A_450 = arith.constant 0 : index
        %swap3A_451 = tpu.vector_load %arg7[%swap3A_448, %swap3A_449, %swap3A_450] {strides = array<i32>} : memref<2x16x64xf32, #tpu.memory_space<vmem>>, vector<1x1x16xf32>,
        %swap3A_452 = vector.shape_cast %swap3A_451 : vector<1x1x16xf32> to vector<16xf32>
        %swap3A_453 = vector.shape_cast %mul3A_447 : vector<16xf32> to vector<1x1x16xf32>
        tpu.vector_store %arg7[%swap3A_448, %swap3A_449, %swap3A_450], %swap3A_453 {strides = array<i32>} : memref<2x16x64xf32, #tpu.memory_space<vmem>>, vector<1x1x16xf32>,
        %get3A_454 = arith.constant 1 : i32
        %get3A_455 = arith.index_cast %get3A_454 : i32 to index
        %get3A_456 = arith.index_cast %mul3A_268 : i32 to index
        %get3A_457 = arith.constant 16 : index
        %get3A_458 = tpu.vector_load %arg6[%get3A_455, %get3A_456, %get3A_457] {strides = array<i32>} : memref<2x320x64xf32, #tpu.memory_space<vmem>>, vector<1x1x16xf32>,
        %get3A_459 = vector.shape_cast %get3A_458 : vector<1x1x16xf32> to vector<16xf32>
        %add3A_460 = arith.constant 1 : i32
        %add3A_461 = arith.addi %mul3A_268, %add3A_460 : i32
        %get3A_462 = arith.constant 1 : i32
        %get3A_463 = arith.index_cast %get3A_462 : i32 to index
        %get3A_464 = arith.index_cast %add3A_461 : i32 to index
        %get3A_465 = arith.constant 16 : index
        %get3A_466 = tpu.vector_load %arg6[%get3A_463, %get3A_464, %get3A_465] {strides = array<i32>} : memref<2x320x64xf32, #tpu.memory_space<vmem>>, vector<1x1x16xf32>,
        %get3A_467 = vector.shape_cast %get3A_466 : vector<1x1x16xf32> to vector<16xf32>
        %add3A_468 = arith.addf %get3A_459, %get3A_467 : vector<16xf32>
        %add3A_469 = arith.constant 2 : i32
        %add3A_470 = arith.addi %mul3A_268, %add3A_469 : i32
        %get3A_471 = arith.constant 1 : i32
        %get3A_472 = arith.index_cast %get3A_471 : i32 to index
        %get3A_473 = arith.index_cast %add3A_470 : i32 to index
        %get3A_474 = arith.constant 16 : index
        %get3A_475 = tpu.vector_load %arg6[%get3A_472, %get3A_473, %get3A_474] {strides = array<i32>} : memref<2x320x64xf32, #tpu.memory_space<vmem>>, vector<1x1x16xf32>,
        %get3A_476 = vector.shape_cast %get3A_475 : vector<1x1x16xf32> to vector<16xf32>
        %add3A_477 = arith.addf %add3A_468, %get3A_476 : vector<16xf32>
        %add3A_478 = arith.constant 3 : i32
        %add3A_479 = arith.addi %mul3A_268, %add3A_478 : i32
        %get3A_480 = arith.constant 1 : i32
        %get3A_481 = arith.index_cast %get3A_480 : i32 to index
        %get3A_482 = arith.index_cast %add3A_479 : i32 to index
        %get3A_483 = arith.constant 16 : index
        %get3A_484 = tpu.vector_load %arg6[%get3A_481, %get3A_482, %get3A_483] {strides = array<i32>} : memref<2x320x64xf32, #tpu.memory_space<vmem>>, vector<1x1x16xf32>,
        %get3A_485 = vector.shape_cast %get3A_484 : vector<1x1x16xf32> to vector<16xf32>
        %add3A_486 = arith.addf %add3A_477, %get3A_485 : vector<16xf32>
        %add3A_487 = arith.constant 4 : i32
        %add3A_488 = arith.addi %mul3A_268, %add3A_487 : i32
        %get3A_489 = arith.constant 1 : i32
        %get3A_490 = arith.index_cast %get3A_489 : i32 to index
        %get3A_491 = arith.index_cast %add3A_488 : i32 to index
        %get3A_492 = arith.constant 16 : index
        %get3A_493 = tpu.vector_load %arg6[%get3A_490, %get3A_491, %get3A_492] {strides = array<i32>} : memref<2x320x64xf32, #tpu.memory_space<vmem>>, vector<1x1x16xf32>,
        %get3A_494 = vector.shape_cast %get3A_493 : vector<1x1x16xf32> to vector<16xf32>
        %add3A_495 = arith.addf %add3A_486, %get3A_494 : vector<16xf32>
        %add3A_496 = arith.constant 5 : i32
        %add3A_497 = arith.addi %mul3A_268, %add3A_496 : i32
        %get3A_498 = arith.constant 1 : i32
        %get3A_499 = arith.index_cast %get3A_498 : i32 to index
        %get3A_500 = arith.index_cast %add3A_497 : i32 to index
        %get3A_501 = arith.constant 16 : index
        %get3A_502 = tpu.vector_load %arg6[%get3A_499, %get3A_500, %get3A_501] {strides = array<i32>} : memref<2x320x64xf32, #tpu.memory_space<vmem>>, vector<1x1x16xf32>,
        %get3A_503 = vector.shape_cast %get3A_502 : vector<1x1x16xf32> to vector<16xf32>
        %add3A_504 = arith.addf %add3A_495, %get3A_503 : vector<16xf32>
        %add3A_505 = arith.constant 6 : i32
        %add3A_506 = arith.addi %mul3A_268, %add3A_505 : i32
        %get3A_507 = arith.constant 1 : i32
        %get3A_508 = arith.index_cast %get3A_507 : i32 to index
        %get3A_509 = arith.index_cast %add3A_506 : i32 to index
        %get3A_510 = arith.constant 16 : index
        %get3A_511 = tpu.vector_load %arg6[%get3A_508, %get3A_509, %get3A_510] {strides = array<i32>} : memref<2x320x64xf32, #tpu.memory_space<vmem>>, vector<1x1x16xf32>,
        %get3A_512 = vector.shape_cast %get3A_511 : vector<1x1x16xf32> to vector<16xf32>
        %add3A_513 = arith.addf %add3A_504, %get3A_512 : vector<16xf32>
        %add3A_514 = arith.constant 7 : i32
        %add3A_515 = arith.addi %mul3A_268, %add3A_514 : i32
        %get3A_516 = arith.constant 1 : i32
        %get3A_517 = arith.index_cast %get3A_516 : i32 to index
        %get3A_518 = arith.index_cast %add3A_515 : i32 to index
        %get3A_519 = arith.constant 16 : index
        %get3A_520 = tpu.vector_load %arg6[%get3A_517, %get3A_518, %get3A_519] {strides = array<i32>} : memref<2x320x64xf32, #tpu.memory_space<vmem>>, vector<1x1x16xf32>,
        %get3A_521 = vector.shape_cast %get3A_520 : vector<1x1x16xf32> to vector<16xf32>
        %add3A_522 = arith.addf %add3A_513, %get3A_521 : vector<16xf32>
        %add3A_523 = arith.constant 8 : i32
        %add3A_524 = arith.addi %mul3A_268, %add3A_523 : i32
        %get3A_525 = arith.constant 1 : i32
        %get3A_526 = arith.index_cast %get3A_525 : i32 to index
        %get3A_527 = arith.index_cast %add3A_524 : i32 to index
        %get3A_528 = arith.constant 16 : index
        %get3A_529 = tpu.vector_load %arg6[%get3A_526, %get3A_527, %get3A_528] {strides = array<i32>} : memref<2x320x64xf32, #tpu.memory_space<vmem>>, vector<1x1x16xf32>,
        %get3A_530 = vector.shape_cast %get3A_529 : vector<1x1x16xf32> to vector<16xf32>
        %add3A_531 = arith.addf %add3A_522, %get3A_530 : vector<16xf32>
        %add3A_532 = arith.constant 9 : i32
        %add3A_533 = arith.addi %mul3A_268, %add3A_532 : i32
        %get3A_534 = arith.constant 1 : i32
        %get3A_535 = arith.index_cast %get3A_534 : i32 to index
        %get3A_536 = arith.index_cast %add3A_533 : i32 to index
        %get3A_537 = arith.constant 16 : index
        %get3A_538 = tpu.vector_load %arg6[%get3A_535, %get3A_536, %get3A_537] {strides = array<i32>} : memref<2x320x64xf32, #tpu.memory_space<vmem>>, vector<1x1x16xf32>,
        %get3A_539 = vector.shape_cast %get3A_538 : vector<1x1x16xf32> to vector<16xf32>
        %add3A_540 = arith.addf %add3A_531, %get3A_539 : vector<16xf32>
        %add3A_541 = arith.constant 10 : i32
        %add3A_542 = arith.addi %mul3A_268, %add3A_541 : i32
        %get3A_543 = arith.constant 1 : i32
        %get3A_544 = arith.index_cast %get3A_543 : i32 to index
        %get3A_545 = arith.index_cast %add3A_542 : i32 to index
        %get3A_546 = arith.constant 16 : index
        %get3A_547 = tpu.vector_load %arg6[%get3A_544, %get3A_545, %get3A_546] {strides = array<i32>} : memref<2x320x64xf32, #tpu.memory_space<vmem>>, vector<1x1x16xf32>,
        %get3A_548 = vector.shape_cast %get3A_547 : vector<1x1x16xf32> to vector<16xf32>
        %add3A_549 = arith.addf %add3A_540, %get3A_548 : vector<16xf32>
        %add3A_550 = arith.constant 11 : i32
        %add3A_551 = arith.addi %mul3A_268, %add3A_550 : i32
        %get3A_552 = arith.constant 1 : i32
        %get3A_553 = arith.index_cast %get3A_552 : i32 to index
        %get3A_554 = arith.index_cast %add3A_551 : i32 to index
        %get3A_555 = arith.constant 16 : index
        %get3A_556 = tpu.vector_load %arg6[%get3A_553, %get3A_554, %get3A_555] {strides = array<i32>} : memref<2x320x64xf32, #tpu.memory_space<vmem>>, vector<1x1x16xf32>,
        %get3A_557 = vector.shape_cast %get3A_556 : vector<1x1x16xf32> to vector<16xf32>
        %add3A_558 = arith.addf %add3A_549, %get3A_557 : vector<16xf32>
        %add3A_559 = arith.constant 12 : i32
        %add3A_560 = arith.addi %mul3A_268, %add3A_559 : i32
        %get3A_561 = arith.constant 1 : i32
        %get3A_562 = arith.index_cast %get3A_561 : i32 to index
        %get3A_563 = arith.index_cast %add3A_560 : i32 to index
        %get3A_564 = arith.constant 16 : index
        %get3A_565 = tpu.vector_load %arg6[%get3A_562, %get3A_563, %get3A_564] {strides = array<i32>} : memref<2x320x64xf32, #tpu.memory_space<vmem>>, vector<1x1x16xf32>,
        %get3A_566 = vector.shape_cast %get3A_565 : vector<1x1x16xf32> to vector<16xf32>
        %add3A_567 = arith.addf %add3A_558, %get3A_566 : vector<16xf32>
        %add3A_568 = arith.constant 13 : i32
        %add3A_569 = arith.addi %mul3A_268, %add3A_568 : i32
        %get3A_570 = arith.constant 1 : i32
        %get3A_571 = arith.index_cast %get3A_570 : i32 to index
        %get3A_572 = arith.index_cast %add3A_569 : i32 to index
        %get3A_573 = arith.constant 16 : index
        %get3A_574 = tpu.vector_load %arg6[%get3A_571, %get3A_572, %get3A_573] {strides = array<i32>} : memref<2x320x64xf32, #tpu.memory_space<vmem>>, vector<1x1x16xf32>,
        %get3A_575 = vector.shape_cast %get3A_574 : vector<1x1x16xf32> to vector<16xf32>
        %add3A_576 = arith.addf %add3A_567, %get3A_575 : vector<16xf32>
        %add3A_577 = arith.constant 14 : i32
        %add3A_578 = arith.addi %mul3A_268, %add3A_577 : i32
        %get3A_579 = arith.constant 1 : i32
        %get3A_580 = arith.index_cast %get3A_579 : i32 to index
        %get3A_581 = arith.index_cast %add3A_578 : i32 to index
        %get3A_582 = arith.constant 16 : index
        %get3A_583 = tpu.vector_load %arg6[%get3A_580, %get3A_581, %get3A_582] {strides = array<i32>} : memref<2x320x64xf32, #tpu.memory_space<vmem>>, vector<1x1x16xf32>,
        %get3A_584 = vector.shape_cast %get3A_583 : vector<1x1x16xf32> to vector<16xf32>
        %add3A_585 = arith.addf %add3A_576, %get3A_584 : vector<16xf32>
        %add3A_586 = arith.constant 15 : i32
        %add3A_587 = arith.addi %mul3A_268, %add3A_586 : i32
        %get3A_588 = arith.constant 1 : i32
        %get3A_589 = arith.index_cast %get3A_588 : i32 to index
        %get3A_590 = arith.index_cast %add3A_587 : i32 to index
        %get3A_591 = arith.constant 16 : index
        %get3A_592 = tpu.vector_load %arg6[%get3A_589, %get3A_590, %get3A_591] {strides = array<i32>} : memref<2x320x64xf32, #tpu.memory_space<vmem>>, vector<1x1x16xf32>,
        %get3A_593 = vector.shape_cast %get3A_592 : vector<1x1x16xf32> to vector<16xf32>
        %add3A_594 = arith.addf %add3A_585, %get3A_593 : vector<16xf32>
        %add3A_595 = arith.constant 16 : i32
        %add3A_596 = arith.addi %mul3A_268, %add3A_595 : i32
        %get3A_597 = arith.constant 1 : i32
        %get3A_598 = arith.index_cast %get3A_597 : i32 to index
        %get3A_599 = arith.index_cast %add3A_596 : i32 to index
        %get3A_600 = arith.constant 16 : index
        %get3A_601 = tpu.vector_load %arg6[%get3A_598, %get3A_599, %get3A_600] {strides = array<i32>} : memref<2x320x64xf32, #tpu.memory_space<vmem>>, vector<1x1x16xf32>,
        %get3A_602 = vector.shape_cast %get3A_601 : vector<1x1x16xf32> to vector<16xf32>
        %add3A_603 = arith.addf %add3A_594, %get3A_602 : vector<16xf32>
        %add3A_604 = arith.constant 17 : i32
        %add3A_605 = arith.addi %mul3A_268, %add3A_604 : i32
        %get3A_606 = arith.constant 1 : i32
        %get3A_607 = arith.index_cast %get3A_606 : i32 to index
        %get3A_608 = arith.index_cast %add3A_605 : i32 to index
        %get3A_609 = arith.constant 16 : index
        %get3A_610 = tpu.vector_load %arg6[%get3A_607, %get3A_608, %get3A_609] {strides = array<i32>} : memref<2x320x64xf32, #tpu.memory_space<vmem>>, vector<1x1x16xf32>,
        %get3A_611 = vector.shape_cast %get3A_610 : vector<1x1x16xf32> to vector<16xf32>
        %add3A_612 = arith.addf %add3A_603, %get3A_611 : vector<16xf32>
        %add3A_613 = arith.constant 18 : i32
        %add3A_614 = arith.addi %mul3A_268, %add3A_613 : i32
        %get3A_615 = arith.constant 1 : i32
        %get3A_616 = arith.index_cast %get3A_615 : i32 to index
        %get3A_617 = arith.index_cast %add3A_614 : i32 to index
        %get3A_618 = arith.constant 16 : index
        %get3A_619 = tpu.vector_load %arg6[%get3A_616, %get3A_617, %get3A_618] {strides = array<i32>} : memref<2x320x64xf32, #tpu.memory_space<vmem>>, vector<1x1x16xf32>,
        %get3A_620 = vector.shape_cast %get3A_619 : vector<1x1x16xf32> to vector<16xf32>
        %add3A_621 = arith.addf %add3A_612, %get3A_620 : vector<16xf32>
        %add3A_622 = arith.constant 19 : i32
        %add3A_623 = arith.addi %mul3A_268, %add3A_622 : i32
        %get3A_624 = arith.constant 1 : i32
        %get3A_625 = arith.index_cast %get3A_624 : i32 to index
        %get3A_626 = arith.index_cast %add3A_623 : i32 to index
        %get3A_627 = arith.constant 16 : index
        %get3A_628 = tpu.vector_load %arg6[%get3A_625, %get3A_626, %get3A_627] {strides = array<i32>} : memref<2x320x64xf32, #tpu.memory_space<vmem>>, vector<1x1x16xf32>,
        %get3A_629 = vector.shape_cast %get3A_628 : vector<1x1x16xf32> to vector<16xf32>
        %add3A_630 = arith.addf %add3A_621, %get3A_629 : vector<16xf32>
        %mul3A_631 = arith.constant 5.000000e-02 : f32
        %mul3A_632 = vector.broadcast %mul3A_631 : f32 to vector<16xf32>
        %mul3A_633 = arith.mulf %add3A_630, %mul3A_632 : vector<16xf32>
        %swap3A_634 = arith.constant 1 : i32
        %swap3A_635 = arith.index_cast %swap3A_634 : i32 to index
        %swap3A_636 = arith.index_cast %add3A_266 : i32 to index
        %swap3A_637 = arith.constant 16 : index
        %swap3A_638 = tpu.vector_load %arg7[%swap3A_635, %swap3A_636, %swap3A_637] {strides = array<i32>} : memref<2x16x64xf32, #tpu.memory_space<vmem>>, vector<1x1x16xf32>,
        %swap3A_639 = vector.shape_cast %swap3A_638 : vector<1x1x16xf32> to vector<16xf32>
        %swap3A_640 = vector.shape_cast %mul3A_633 : vector<16xf32> to vector<1x1x16xf32>
        tpu.vector_store %arg7[%swap3A_635, %swap3A_636, %swap3A_637], %swap3A_640 {strides = array<i32>} : memref<2x16x64xf32, #tpu.memory_space<vmem>>, vector<1x1x16xf32>,
        %get3A_641 = arith.constant 1 : i32
        %get3A_642 = arith.index_cast %get3A_641 : i32 to index
        %get3A_643 = arith.index_cast %mul3A_268 : i32 to index
        %get3A_644 = arith.constant 32 : index
        %get3A_645 = tpu.vector_load %arg6[%get3A_642, %get3A_643, %get3A_644] {strides = array<i32>} : memref<2x320x64xf32, #tpu.memory_space<vmem>>, vector<1x1x16xf32>,
        %get3A_646 = vector.shape_cast %get3A_645 : vector<1x1x16xf32> to vector<16xf32>
        %add3A_647 = arith.constant 1 : i32
        %add3A_648 = arith.addi %mul3A_268, %add3A_647 : i32
        %get3A_649 = arith.constant 1 : i32
        %get3A_650 = arith.index_cast %get3A_649 : i32 to index
        %get3A_651 = arith.index_cast %add3A_648 : i32 to index
        %get3A_652 = arith.constant 32 : index
        %get3A_653 = tpu.vector_load %arg6[%get3A_650, %get3A_651, %get3A_652] {strides = array<i32>} : memref<2x320x64xf32, #tpu.memory_space<vmem>>, vector<1x1x16xf32>,
        %get3A_654 = vector.shape_cast %get3A_653 : vector<1x1x16xf32> to vector<16xf32>
        %add3A_655 = arith.addf %get3A_646, %get3A_654 : vector<16xf32>
        %add3A_656 = arith.constant 2 : i32
        %add3A_657 = arith.addi %mul3A_268, %add3A_656 : i32
        %get3A_658 = arith.constant 1 : i32
        %get3A_659 = arith.index_cast %get3A_658 : i32 to index
        %get3A_660 = arith.index_cast %add3A_657 : i32 to index
        %get3A_661 = arith.constant 32 : index
        %get3A_662 = tpu.vector_load %arg6[%get3A_659, %get3A_660, %get3A_661] {strides = array<i32>} : memref<2x320x64xf32, #tpu.memory_space<vmem>>, vector<1x1x16xf32>,
        %get3A_663 = vector.shape_cast %get3A_662 : vector<1x1x16xf32> to vector<16xf32>
        %add3A_664 = arith.addf %add3A_655, %get3A_663 : vector<16xf32>
        %add3A_665 = arith.constant 3 : i32
        %add3A_666 = arith.addi %mul3A_268, %add3A_665 : i32
        %get3A_667 = arith.constant 1 : i32
        %get3A_668 = arith.index_cast %get3A_667 : i32 to index
        %get3A_669 = arith.index_cast %add3A_666 : i32 to index
        %get3A_670 = arith.constant 32 : index
        %get3A_671 = tpu.vector_load %arg6[%get3A_668, %get3A_669, %get3A_670] {strides = array<i32>} : memref<2x320x64xf32, #tpu.memory_space<vmem>>, vector<1x1x16xf32>,
        %get3A_672 = vector.shape_cast %get3A_671 : vector<1x1x16xf32> to vector<16xf32>
        %add3A_673 = arith.addf %add3A_664, %get3A_672 : vector<16xf32>
        %add3A_674 = arith.constant 4 : i32
        %add3A_675 = arith.addi %mul3A_268, %add3A_674 : i32
        %get3A_676 = arith.constant 1 : i32
        %get3A_677 = arith.index_cast %get3A_676 : i32 to index
        %get3A_678 = arith.index_cast %add3A_675 : i32 to index
        %get3A_679 = arith.constant 32 : index
        %get3A_680 = tpu.vector_load %arg6[%get3A_677, %get3A_678, %get3A_679] {strides = array<i32>} : memref<2x320x64xf32, #tpu.memory_space<vmem>>, vector<1x1x16xf32>,
        %get3A_681 = vector.shape_cast %get3A_680 : vector<1x1x16xf32> to vector<16xf32>
        %add3A_682 = arith.addf %add3A_673, %get3A_681 : vector<16xf32>
        %add3A_683 = arith.constant 5 : i32
        %add3A_684 = arith.addi %mul3A_268, %add3A_683 : i32
        %get3A_685 = arith.constant 1 : i32
        %get3A_686 = arith.index_cast %get3A_685 : i32 to index
        %get3A_687 = arith.index_cast %add3A_684 : i32 to index
        %get3A_688 = arith.constant 32 : index
        %get3A_689 = tpu.vector_load %arg6[%get3A_686, %get3A_687, %get3A_688] {strides = array<i32>} : memref<2x320x64xf32, #tpu.memory_space<vmem>>, vector<1x1x16xf32>,
        %get3A_690 = vector.shape_cast %get3A_689 : vector<1x1x16xf32> to vector<16xf32>
        %add3A_691 = arith.addf %add3A_682, %get3A_690 : vector<16xf32>
        %add3A_692 = arith.constant 6 : i32
        %add3A_693 = arith.addi %mul3A_268, %add3A_692 : i32
        %get3A_694 = arith.constant 1 : i32
        %get3A_695 = arith.index_cast %get3A_694 : i32 to index
        %get3A_696 = arith.index_cast %add3A_693 : i32 to index
        %get3A_697 = arith.constant 32 : index
        %get3A_698 = tpu.vector_load %arg6[%get3A_695, %get3A_696, %get3A_697] {strides = array<i32>} : memref<2x320x64xf32, #tpu.memory_space<vmem>>, vector<1x1x16xf32>,
        %get3A_699 = vector.shape_cast %get3A_698 : vector<1x1x16xf32> to vector<16xf32>
        %add3A_700 = arith.addf %add3A_691, %get3A_699 : vector<16xf32>
        %add3A_701 = arith.constant 7 : i32
        %add3A_702 = arith.addi %mul3A_268, %add3A_701 : i32
        %get3A_703 = arith.constant 1 : i32
        %get3A_704 = arith.index_cast %get3A_703 : i32 to index
        %get3A_705 = arith.index_cast %add3A_702 : i32 to index
        %get3A_706 = arith.constant 32 : index
        %get3A_707 = tpu.vector_load %arg6[%get3A_704, %get3A_705, %get3A_706] {strides = array<i32>} : memref<2x320x64xf32, #tpu.memory_space<vmem>>, vector<1x1x16xf32>,
        %get3A_708 = vector.shape_cast %get3A_707 : vector<1x1x16xf32> to vector<16xf32>
        %add3A_709 = arith.addf %add3A_700, %get3A_708 : vector<16xf32>
        %add3A_710 = arith.constant 8 : i32
        %add3A_711 = arith.addi %mul3A_268, %add3A_710 : i32
        %get3A_712 = arith.constant 1 : i32
        %get3A_713 = arith.index_cast %get3A_712 : i32 to index
        %get3A_714 = arith.index_cast %add3A_711 : i32 to index
        %get3A_715 = arith.constant 32 : index
        %get3A_716 = tpu.vector_load %arg6[%get3A_713, %get3A_714, %get3A_715] {strides = array<i32>} : memref<2x320x64xf32, #tpu.memory_space<vmem>>, vector<1x1x16xf32>,
        %get3A_717 = vector.shape_cast %get3A_716 : vector<1x1x16xf32> to vector<16xf32>
        %add3A_718 = arith.addf %add3A_709, %get3A_717 : vector<16xf32>
        %add3A_719 = arith.constant 9 : i32
        %add3A_720 = arith.addi %mul3A_268, %add3A_719 : i32
        %get3A_721 = arith.constant 1 : i32
        %get3A_722 = arith.index_cast %get3A_721 : i32 to index
        %get3A_723 = arith.index_cast %add3A_720 : i32 to index
        %get3A_724 = arith.constant 32 : index
        %get3A_725 = tpu.vector_load %arg6[%get3A_722, %get3A_723, %get3A_724] {strides = array<i32>} : memref<2x320x64xf32, #tpu.memory_space<vmem>>, vector<1x1x16xf32>,
        %get3A_726 = vector.shape_cast %get3A_725 : vector<1x1x16xf32> to vector<16xf32>
        %add3A_727 = arith.addf %add3A_718, %get3A_726 : vector<16xf32>
        %add3A_728 = arith.constant 10 : i32
        %add3A_729 = arith.addi %mul3A_268, %add3A_728 : i32
        %get3A_730 = arith.constant 1 : i32
        %get3A_731 = arith.index_cast %get3A_730 : i32 to index
        %get3A_732 = arith.index_cast %add3A_729 : i32 to index
        %get3A_733 = arith.constant 32 : index
        %get3A_734 = tpu.vector_load %arg6[%get3A_731, %get3A_732, %get3A_733] {strides = array<i32>} : memref<2x320x64xf32, #tpu.memory_space<vmem>>, vector<1x1x16xf32>,
        %get3A_735 = vector.shape_cast %get3A_734 : vector<1x1x16xf32> to vector<16xf32>
        %add3A_736 = arith.addf %add3A_727, %get3A_735 : vector<16xf32>
        %add3A_737 = arith.constant 11 : i32
        %add3A_738 = arith.addi %mul3A_268, %add3A_737 : i32
        %get3A_739 = arith.constant 1 : i32
        %get3A_740 = arith.index_cast %get3A_739 : i32 to index
        %get3A_741 = arith.index_cast %add3A_738 : i32 to index
        %get3A_742 = arith.constant 32 : index
        %get3A_743 = tpu.vector_load %arg6[%get3A_740, %get3A_741, %get3A_742] {strides = array<i32>} : memref<2x320x64xf32, #tpu.memory_space<vmem>>, vector<1x1x16xf32>,
        %get3A_744 = vector.shape_cast %get3A_743 : vector<1x1x16xf32> to vector<16xf32>
        %add3A_745 = arith.addf %add3A_736, %get3A_744 : vector<16xf32>
        %add3A_746 = arith.constant 12 : i32
        %add3A_747 = arith.addi %mul3A_268, %add3A_746 : i32
        %get3A_748 = arith.constant 1 : i32
        %get3A_749 = arith.index_cast %get3A_748 : i32 to index
        %get3A_750 = arith.index_cast %add3A_747 : i32 to index
        %get3A_751 = arith.constant 32 : index
        %get3A_752 = tpu.vector_load %arg6[%get3A_749, %get3A_750, %get3A_751] {strides = array<i32>} : memref<2x320x64xf32, #tpu.memory_space<vmem>>, vector<1x1x16xf32>,
        %get3A_753 = vector.shape_cast %get3A_752 : vector<1x1x16xf32> to vector<16xf32>
        %add3A_754 = arith.addf %add3A_745, %get3A_753 : vector<16xf32>
        %add3A_755 = arith.constant 13 : i32
        %add3A_756 = arith.addi %mul3A_268, %add3A_755 : i32
        %get3A_757 = arith.constant 1 : i32
        %get3A_758 = arith.index_cast %get3A_757 : i32 to index
        %get3A_759 = arith.index_cast %add3A_756 : i32 to index
        %get3A_760 = arith.constant 32 : index
        %get3A_761 = tpu.vector_load %arg6[%get3A_758, %get3A_759, %get3A_760] {strides = array<i32>} : memref<2x320x64xf32, #tpu.memory_space<vmem>>, vector<1x1x16xf32>,
        %get3A_762 = vector.shape_cast %get3A_761 : vector<1x1x16xf32> to vector<16xf32>
        %add3A_763 = arith.addf %add3A_754, %get3A_762 : vector<16xf32>
        %add3A_764 = arith.constant 14 : i32
        %add3A_765 = arith.addi %mul3A_268, %add3A_764 : i32
        %get3A_766 = arith.constant 1 : i32
        %get3A_767 = arith.index_cast %get3A_766 : i32 to index
        %get3A_768 = arith.index_cast %add3A_765 : i32 to index
        %get3A_769 = arith.constant 32 : index
        %get3A_770 = tpu.vector_load %arg6[%get3A_767, %get3A_768, %get3A_769] {strides = array<i32>} : memref<2x320x64xf32, #tpu.memory_space<vmem>>, vector<1x1x16xf32>,
        %get3A_771 = vector.shape_cast %get3A_770 : vector<1x1x16xf32> to vector<16xf32>
        %add3A_772 = arith.addf %add3A_763, %get3A_771 : vector<16xf32>
        %add3A_773 = arith.constant 15 : i32
        %add3A_774 = arith.addi %mul3A_268, %add3A_773 : i32
        %get3A_775 = arith.constant 1 : i32
        %get3A_776 = arith.index_cast %get3A_775 : i32 to index
        %get3A_777 = arith.index_cast %add3A_774 : i32 to index
        %get3A_778 = arith.constant 32 : index
        %get3A_779 = tpu.vector_load %arg6[%get3A_776, %get3A_777, %get3A_778] {strides = array<i32>} : memref<2x320x64xf32, #tpu.memory_space<vmem>>, vector<1x1x16xf32>,
        %get3A_780 = vector.shape_cast %get3A_779 : vector<1x1x16xf32> to vector<16xf32>
        %add3A_781 = arith.addf %add3A_772, %get3A_780 : vector<16xf32>
        %add3A_782 = arith.constant 16 : i32
        %add3A_783 = arith.addi %mul3A_268, %add3A_782 : i32
        %get3A_784 = arith.constant 1 : i32
        %get3A_785 = arith.index_cast %get3A_784 : i32 to index
        %get3A_786 = arith.index_cast %add3A_783 : i32 to index
        %get3A_787 = arith.constant 32 : index
        %get3A_788 = tpu.vector_load %arg6[%get3A_785, %get3A_786, %get3A_787] {strides = array<i32>} : memref<2x320x64xf32, #tpu.memory_space<vmem>>, vector<1x1x16xf32>,
        %get3A_789 = vector.shape_cast %get3A_788 : vector<1x1x16xf32> to vector<16xf32>
        %add3A_790 = arith.addf %add3A_781, %get3A_789 : vector<16xf32>
        %add3A_791 = arith.constant 17 : i32
        %add3A_792 = arith.addi %mul3A_268, %add3A_791 : i32
        %get3A_793 = arith.constant 1 : i32
        %get3A_794 = arith.index_cast %get3A_793 : i32 to index
        %get3A_795 = arith.index_cast %add3A_792 : i32 to index
        %get3A_796 = arith.constant 32 : index
        %get3A_797 = tpu.vector_load %arg6[%get3A_794, %get3A_795, %get3A_796] {strides = array<i32>} : memref<2x320x64xf32, #tpu.memory_space<vmem>>, vector<1x1x16xf32>,
        %get3A_798 = vector.shape_cast %get3A_797 : vector<1x1x16xf32> to vector<16xf32>
        %add3A_799 = arith.addf %add3A_790, %get3A_798 : vector<16xf32>
        %add3A_800 = arith.constant 18 : i32
        %add3A_801 = arith.addi %mul3A_268, %add3A_800 : i32
        %get3A_802 = arith.constant 1 : i32
        %get3A_803 = arith.index_cast %get3A_802 : i32 to index
        %get3A_804 = arith.index_cast %add3A_801 : i32 to index
        %get3A_805 = arith.constant 32 : index
        %get3A_806 = tpu.vector_load %arg6[%get3A_803, %get3A_804, %get3A_805] {strides = array<i32>} : memref<2x320x64xf32, #tpu.memory_space<vmem>>, vector<1x1x16xf32>,
        %get3A_807 = vector.shape_cast %get3A_806 : vector<1x1x16xf32> to vector<16xf32>
        %add3A_808 = arith.addf %add3A_799, %get3A_807 : vector<16xf32>
        %add3A_809 = arith.constant 19 : i32
        %add3A_810 = arith.addi %mul3A_268, %add3A_809 : i32
        %get3A_811 = arith.constant 1 : i32
        %get3A_812 = arith.index_cast %get3A_811 : i32 to index
        %get3A_813 = arith.index_cast %add3A_810 : i32 to index
        %get3A_814 = arith.constant 32 : index
        %get3A_815 = tpu.vector_load %arg6[%get3A_812, %get3A_813, %get3A_814] {strides = array<i32>} : memref<2x320x64xf32, #tpu.memory_space<vmem>>, vector<1x1x16xf32>,
        %get3A_816 = vector.shape_cast %get3A_815 : vector<1x1x16xf32> to vector<16xf32>
        %add3A_817 = arith.addf %add3A_808, %get3A_816 : vector<16xf32>
        %mul3A_818 = arith.constant 5.000000e-02 : f32
        %mul3A_819 = vector.broadcast %mul3A_818 : f32 to vector<16xf32>
        %mul3A_820 = arith.mulf %add3A_817, %mul3A_819 : vector<16xf32>
        %swap3A_821 = arith.constant 1 : i32
        %swap3A_822 = arith.index_cast %swap3A_821 : i32 to index
        %swap3A_823 = arith.index_cast %add3A_266 : i32 to index
        %swap3A_824 = arith.constant 32 : index
        %swap3A_825 = tpu.vector_load %arg7[%swap3A_822, %swap3A_823, %swap3A_824] {strides = array<i32>} : memref<2x16x64xf32, #tpu.memory_space<vmem>>, vector<1x1x16xf32>,
        %swap3A_826 = vector.shape_cast %swap3A_825 : vector<1x1x16xf32> to vector<16xf32>
        %swap3A_827 = vector.shape_cast %mul3A_820 : vector<16xf32> to vector<1x1x16xf32>
        tpu.vector_store %arg7[%swap3A_822, %swap3A_823, %swap3A_824], %swap3A_827 {strides = array<i32>} : memref<2x16x64xf32, #tpu.memory_space<vmem>>, vector<1x1x16xf32>,
        %get3A_828 = arith.constant 1 : i32
        %get3A_829 = arith.index_cast %get3A_828 : i32 to index
        %get3A_830 = arith.index_cast %mul3A_268 : i32 to index
        %get3A_831 = arith.constant 48 : index
        %get3A_832 = tpu.vector_load %arg6[%get3A_829, %get3A_830, %get3A_831] {strides = array<i32>} : memref<2x320x64xf32, #tpu.memory_space<vmem>>, vector<1x1x16xf32>,
        %get3A_833 = vector.shape_cast %get3A_832 : vector<1x1x16xf32> to vector<16xf32>
        %add3A_834 = arith.constant 1 : i32
        %add3A_835 = arith.addi %mul3A_268, %add3A_834 : i32
        %get3A_836 = arith.constant 1 : i32
        %get3A_837 = arith.index_cast %get3A_836 : i32 to index
        %get3A_838 = arith.index_cast %add3A_835 : i32 to index
        %get3A_839 = arith.constant 48 : index
        %get3A_840 = tpu.vector_load %arg6[%get3A_837, %get3A_838, %get3A_839] {strides = array<i32>} : memref<2x320x64xf32, #tpu.memory_space<vmem>>, vector<1x1x16xf32>,
        %get3A_841 = vector.shape_cast %get3A_840 : vector<1x1x16xf32> to vector<16xf32>
        %add3A_842 = arith.addf %get3A_833, %get3A_841 : vector<16xf32>
        %add3A_843 = arith.constant 2 : i32
        %add3A_844 = arith.addi %mul3A_268, %add3A_843 : i32
        %get3A_845 = arith.constant 1 : i32
        %get3A_846 = arith.index_cast %get3A_845 : i32 to index
        %get3A_847 = arith.index_cast %add3A_844 : i32 to index
        %get3A_848 = arith.constant 48 : index
        %get3A_849 = tpu.vector_load %arg6[%get3A_846, %get3A_847, %get3A_848] {strides = array<i32>} : memref<2x320x64xf32, #tpu.memory_space<vmem>>, vector<1x1x16xf32>,
        %get3A_850 = vector.shape_cast %get3A_849 : vector<1x1x16xf32> to vector<16xf32>
        %add3A_851 = arith.addf %add3A_842, %get3A_850 : vector<16xf32>
        %add3A_852 = arith.constant 3 : i32
        %add3A_853 = arith.addi %mul3A_268, %add3A_852 : i32
        %get3A_854 = arith.constant 1 : i32
        %get3A_855 = arith.index_cast %get3A_854 : i32 to index
        %get3A_856 = arith.index_cast %add3A_853 : i32 to index
        %get3A_857 = arith.constant 48 : index
        %get3A_858 = tpu.vector_load %arg6[%get3A_855, %get3A_856, %get3A_857] {strides = array<i32>} : memref<2x320x64xf32, #tpu.memory_space<vmem>>, vector<1x1x16xf32>,
        %get3A_859 = vector.shape_cast %get3A_858 : vector<1x1x16xf32> to vector<16xf32>
        %add3A_860 = arith.addf %add3A_851, %get3A_859 : vector<16xf32>
        %add3A_861 = arith.constant 4 : i32
        %add3A_862 = arith.addi %mul3A_268, %add3A_861 : i32
        %get3A_863 = arith.constant 1 : i32
        %get3A_864 = arith.index_cast %get3A_863 : i32 to index
        %get3A_865 = arith.index_cast %add3A_862 : i32 to index
        %get3A_866 = arith.constant 48 : index
        %get3A_867 = tpu.vector_load %arg6[%get3A_864, %get3A_865, %get3A_866] {strides = array<i32>} : memref<2x320x64xf32, #tpu.memory_space<vmem>>, vector<1x1x16xf32>,
        %get3A_868 = vector.shape_cast %get3A_867 : vector<1x1x16xf32> to vector<16xf32>
        %add3A_869 = arith.addf %add3A_860, %get3A_868 : vector<16xf32>
        %add3A_870 = arith.constant 5 : i32
        %add3A_871 = arith.addi %mul3A_268, %add3A_870 : i32
        %get3A_872 = arith.constant 1 : i32
        %get3A_873 = arith.index_cast %get3A_872 : i32 to index
        %get3A_874 = arith.index_cast %add3A_871 : i32 to index
        %get3A_875 = arith.constant 48 : index
        %get3A_876 = tpu.vector_load %arg6[%get3A_873, %get3A_874, %get3A_875] {strides = array<i32>} : memref<2x320x64xf32, #tpu.memory_space<vmem>>, vector<1x1x16xf32>,
        %get3A_877 = vector.shape_cast %get3A_876 : vector<1x1x16xf32> to vector<16xf32>
        %add3A_878 = arith.addf %add3A_869, %get3A_877 : vector<16xf32>
        %add3A_879 = arith.constant 6 : i32
        %add3A_880 = arith.addi %mul3A_268, %add3A_879 : i32
        %get3A_881 = arith.constant 1 : i32
        %get3A_882 = arith.index_cast %get3A_881 : i32 to index
        %get3A_883 = arith.index_cast %add3A_880 : i32 to index
        %get3A_884 = arith.constant 48 : index
        %get3A_885 = tpu.vector_load %arg6[%get3A_882, %get3A_883, %get3A_884] {strides = array<i32>} : memref<2x320x64xf32, #tpu.memory_space<vmem>>, vector<1x1x16xf32>,
        %get3A_886 = vector.shape_cast %get3A_885 : vector<1x1x16xf32> to vector<16xf32>
        %add3A_887 = arith.addf %add3A_878, %get3A_886 : vector<16xf32>
        %add3A_888 = arith.constant 7 : i32
        %add3A_889 = arith.addi %mul3A_268, %add3A_888 : i32
        %get3A_890 = arith.constant 1 : i32
        %get3A_891 = arith.index_cast %get3A_890 : i32 to index
        %get3A_892 = arith.index_cast %add3A_889 : i32 to index
        %get3A_893 = arith.constant 48 : index
        %get3A_894 = tpu.vector_load %arg6[%get3A_891, %get3A_892, %get3A_893] {strides = array<i32>} : memref<2x320x64xf32, #tpu.memory_space<vmem>>, vector<1x1x16xf32>,
        %get3A_895 = vector.shape_cast %get3A_894 : vector<1x1x16xf32> to vector<16xf32>
        %add3A_896 = arith.addf %add3A_887, %get3A_895 : vector<16xf32>
        %add3A_897 = arith.constant 8 : i32
        %add3A_898 = arith.addi %mul3A_268, %add3A_897 : i32
        %get3A_899 = arith.constant 1 : i32
        %get3A_900 = arith.index_cast %get3A_899 : i32 to index
        %get3A_901 = arith.index_cast %add3A_898 : i32 to index
        %get3A_902 = arith.constant 48 : index
        %get3A_903 = tpu.vector_load %arg6[%get3A_900, %get3A_901, %get3A_902] {strides = array<i32>} : memref<2x320x64xf32, #tpu.memory_space<vmem>>, vector<1x1x16xf32>,
        %get3A_904 = vector.shape_cast %get3A_903 : vector<1x1x16xf32> to vector<16xf32>
        %add3A_905 = arith.addf %add3A_896, %get3A_904 : vector<16xf32>
        %add3A_906 = arith.constant 9 : i32
        %add3A_907 = arith.addi %mul3A_268, %add3A_906 : i32
        %get3A_908 = arith.constant 1 : i32
        %get3A_909 = arith.index_cast %get3A_908 : i32 to index
        %get3A_910 = arith.index_cast %add3A_907 : i32 to index
        %get3A_911 = arith.constant 48 : index
        %get3A_912 = tpu.vector_load %arg6[%get3A_909, %get3A_910, %get3A_911] {strides = array<i32>} : memref<2x320x64xf32, #tpu.memory_space<vmem>>, vector<1x1x16xf32>,
        %get3A_913 = vector.shape_cast %get3A_912 : vector<1x1x16xf32> to vector<16xf32>
        %add3A_914 = arith.addf %add3A_905, %get3A_913 : vector<16xf32>
        %add3A_915 = arith.constant 10 : i32
        %add3A_916 = arith.addi %mul3A_268, %add3A_915 : i32
        %get3A_917 = arith.constant 1 : i32
        %get3A_918 = arith.index_cast %get3A_917 : i32 to index
        %get3A_919 = arith.index_cast %add3A_916 : i32 to index
        %get3A_920 = arith.constant 48 : index
        %get3A_921 = tpu.vector_load %arg6[%get3A_918, %get3A_919, %get3A_920] {strides = array<i32>} : memref<2x320x64xf32, #tpu.memory_space<vmem>>, vector<1x1x16xf32>,
        %get3A_922 = vector.shape_cast %get3A_921 : vector<1x1x16xf32> to vector<16xf32>
        %add3A_923 = arith.addf %add3A_914, %get3A_922 : vector<16xf32>
        %add3A_924 = arith.constant 11 : i32
        %add3A_925 = arith.addi %mul3A_268, %add3A_924 : i32
        %get3A_926 = arith.constant 1 : i32
        %get3A_927 = arith.index_cast %get3A_926 : i32 to index
        %get3A_928 = arith.index_cast %add3A_925 : i32 to index
        %get3A_929 = arith.constant 48 : index
        %get3A_930 = tpu.vector_load %arg6[%get3A_927, %get3A_928, %get3A_929] {strides = array<i32>} : memref<2x320x64xf32, #tpu.memory_space<vmem>>, vector<1x1x16xf32>,
        %get3A_931 = vector.shape_cast %get3A_930 : vector<1x1x16xf32> to vector<16xf32>
        %add3A_932 = arith.addf %add3A_923, %get3A_931 : vector<16xf32>
        %add3A_933 = arith.constant 12 : i32
        %add3A_934 = arith.addi %mul3A_268, %add3A_933 : i32
        %get3A_935 = arith.constant 1 : i32
        %get3A_936 = arith.index_cast %get3A_935 : i32 to index
        %get3A_937 = arith.index_cast %add3A_934 : i32 to index
        %get3A_938 = arith.constant 48 : index
        %get3A_939 = tpu.vector_load %arg6[%get3A_936, %get3A_937, %get3A_938] {strides = array<i32>} : memref<2x320x64xf32, #tpu.memory_space<vmem>>, vector<1x1x16xf32>,
        %get3A_940 = vector.shape_cast %get3A_939 : vector<1x1x16xf32> to vector<16xf32>
        %add3A_941 = arith.addf %add3A_932, %get3A_940 : vector<16xf32>
        %add3A_942 = arith.constant 13 : i32
        %add3A_943 = arith.addi %mul3A_268, %add3A_942 : i32
        %get3A_944 = arith.constant 1 : i32
        %get3A_945 = arith.index_cast %get3A_944 : i32 to index
        %get3A_946 = arith.index_cast %add3A_943 : i32 to index
        %get3A_947 = arith.constant 48 : index
        %get3A_948 = tpu.vector_load %arg6[%get3A_945, %get3A_946, %get3A_947] {strides = array<i32>} : memref<2x320x64xf32, #tpu.memory_space<vmem>>, vector<1x1x16xf32>,
        %get3A_949 = vector.shape_cast %get3A_948 : vector<1x1x16xf32> to vector<16xf32>
        %add3A_950 = arith.addf %add3A_941, %get3A_949 : vector<16xf32>
        %add3A_951 = arith.constant 14 : i32
        %add3A_952 = arith.addi %mul3A_268, %add3A_951 : i32
        %get3A_953 = arith.constant 1 : i32
        %get3A_954 = arith.index_cast %get3A_953 : i32 to index
        %get3A_955 = arith.index_cast %add3A_952 : i32 to index
        %get3A_956 = arith.constant 48 : index
        %get3A_957 = tpu.vector_load %arg6[%get3A_954, %get3A_955, %get3A_956] {strides = array<i32>} : memref<2x320x64xf32, #tpu.memory_space<vmem>>, vector<1x1x16xf32>,
        %get3A_958 = vector.shape_cast %get3A_957 : vector<1x1x16xf32> to vector<16xf32>
        %add3A_959 = arith.addf %add3A_950, %get3A_958 : vector<16xf32>
        %add3A_960 = arith.constant 15 : i32
        %add3A_961 = arith.addi %mul3A_268, %add3A_960 : i32
        %get3A_962 = arith.constant 1 : i32
        %get3A_963 = arith.index_cast %get3A_962 : i32 to index
        %get3A_964 = arith.index_cast %add3A_961 : i32 to index
        %get3A_965 = arith.constant 48 : index
        %get3A_966 = tpu.vector_load %arg6[%get3A_963, %get3A_964, %get3A_965] {strides = array<i32>} : memref<2x320x64xf32, #tpu.memory_space<vmem>>, vector<1x1x16xf32>,
        %get3A_967 = vector.shape_cast %get3A_966 : vector<1x1x16xf32> to vector<16xf32>
        %add3A_968 = arith.addf %add3A_959, %get3A_967 : vector<16xf32>
        %add3A_969 = arith.constant 16 : i32
        %add3A_970 = arith.addi %mul3A_268, %add3A_969 : i32
        %get3A_971 = arith.constant 1 : i32
        %get3A_972 = arith.index_cast %get3A_971 : i32 to index
        %get3A_973 = arith.index_cast %add3A_970 : i32 to index
        %get3A_974 = arith.constant 48 : index
        %get3A_975 = tpu.vector_load %arg6[%get3A_972, %get3A_973, %get3A_974] {strides = array<i32>} : memref<2x320x64xf32, #tpu.memory_space<vmem>>, vector<1x1x16xf32>,
        %get3A_976 = vector.shape_cast %get3A_975 : vector<1x1x16xf32> to vector<16xf32>
        %add3A_977 = arith.addf %add3A_968, %get3A_976 : vector<16xf32>
        %add3A_978 = arith.constant 17 : i32
        %add3A_979 = arith.addi %mul3A_268, %add3A_978 : i32
        %get3A_980 = arith.constant 1 : i32
        %get3A_981 = arith.index_cast %get3A_980 : i32 to index
        %get3A_982 = arith.index_cast %add3A_979 : i32 to index
        %get3A_983 = arith.constant 48 : index
        %get3A_984 = tpu.vector_load %arg6[%get3A_981, %get3A_982, %get3A_983] {strides = array<i32>} : memref<2x320x64xf32, #tpu.memory_space<vmem>>, vector<1x1x16xf32>,
        %get3A_985 = vector.shape_cast %get3A_984 : vector<1x1x16xf32> to vector<16xf32>
        %add3A_986 = arith.addf %add3A_977, %get3A_985 : vector<16xf32>
        %add3A_987 = arith.constant 18 : i32
        %add3A_988 = arith.addi %mul3A_268, %add3A_987 : i32
        %get3A_989 = arith.constant 1 : i32
        %get3A_990 = arith.index_cast %get3A_989 : i32 to index
        %get3A_991 = arith.index_cast %add3A_988 : i32 to index
        %get3A_992 = arith.constant 48 : index
        %get3A_993 = tpu.vector_load %arg6[%get3A_990, %get3A_991, %get3A_992] {strides = array<i32>} : memref<2x320x64xf32, #tpu.memory_space<vmem>>, vector<1x1x16xf32>,
        %get3A_994 = vector.shape_cast %get3A_993 : vector<1x1x16xf32> to vector<16xf32>
        %add3A_995 = arith.addf %add3A_986, %get3A_994 : vector<16xf32>
        %add3A_996 = arith.constant 19 : i32
        %add3A_997 = arith.addi %mul3A_268, %add3A_996 : i32
        %get3A_998 = arith.constant 1 : i32
        %get3A_999 = arith.index_cast %get3A_998 : i32 to index
        %get3A_1000 = arith.index_cast %add3A_997 : i32 to index
        %get3A_1001 = arith.constant 48 : index
        %get3A_1002 = tpu.vector_load %arg6[%get3A_999, %get3A_1000, %get3A_1001] {strides = array<i32>} : memref<2x320x64xf32, #tpu.memory_space<vmem>>, vector<1x1x16xf32>,
        %get3A_1003 = vector.shape_cast %get3A_1002 : vector<1x1x16xf32> to vector<16xf32>
        %add3A_1004 = arith.addf %add3A_995, %get3A_1003 : vector<16xf32>
        %mul3A_1005 = arith.constant 5.000000e-02 : f32
        %mul3A_1006 = vector.broadcast %mul3A_1005 : f32 to vector<16xf32>
        %mul3A_1007 = arith.mulf %add3A_1004, %mul3A_1006 : vector<16xf32>
        %swap3A_1008 = arith.constant 1 : i32
        %swap3A_1009 = arith.index_cast %swap3A_1008 : i32 to index
        %swap3A_1010 = arith.index_cast %add3A_266 : i32 to index
        %swap3A_1011 = arith.constant 48 : index
        %swap3A_1012 = tpu.vector_load %arg7[%swap3A_1009, %swap3A_1010, %swap3A_1011] {strides = array<i32>} : memref<2x16x64xf32, #tpu.memory_space<vmem>>, vector<1x1x16xf32>,
        %swap3A_1013 = vector.shape_cast %swap3A_1012 : vector<1x1x16xf32> to vector<16xf32>
        %swap3A_1014 = vector.shape_cast %mul3A_1007 : vector<16xf32> to vector<1x1x16xf32>
        tpu.vector_store %arg7[%swap3A_1009, %swap3A_1010, %swap3A_1011], %swap3A_1014 {strides = array<i32>} : memref<2x16x64xf32, #tpu.memory_space<vmem>>, vector<1x1x16xf32>,
      }
      %scan3A_238 = arith.constant 16 : i32
      %mul3A_239 = arith.constant 16 : i32
      %mul3A_240 = arith.muli %add3A_183, %mul3A_239 : i32
      %add3A_241 = arith.addi %mul3A_2, %mul3A_240 : i32
      %dma_start3A_242 = arith.constant 1 : i32
      %dma_start3A_243 = arith.constant 0 : i32
      %dma_start3A_244 = arith.constant 0 : i32
      %dma_start3A_245 = tpu.memref_slice %arg7[%dma_start3A_242, %dma_start3A_243, %dma_start3A_244] : memref<2x16x64xf32, #tpu.memory_space<vmem>> -> memref<1x16x64xf32, #tpu.memory_space<vmem>>
      %dma_start3A_246 = tpu.memref_squeeze %dma_start3A_245 : memref<1x16x64xf32, #tpu.memory_space<vmem>> -> memref<16x64xf32, #tpu.memory_space<vmem>>
      %dma_start3A_247 = arith.constant 0 : i32
      %dma_start3A_248 = tpu.memref_slice %arg4[%add3A_241, %dma_start3A_247] : memref<16384x64xf32, #tpu.memory_space<hbm>> -> memref<16x64xf32, #tpu.memory_space<hbm>>
      %dma_start3A_249 = arith.constant 0 : i32
      %dma_start3A_250 = tpu.memref_slice %arg4[%add3A_241, %dma_start3A_249] : memref<16384x64xf32, #tpu.memory_space<hbm>> -> memref<16x64xf32, #tpu.memory_space<hbm>>
      %dma_start3A_251 = arith.constant 0 : i32
      %dma_start3A_252 = arith.constant 0 : i32
      %dma_start3A_253 = tpu.memref_slice %arg7[%dma_start3A_242, %dma_start3A_251, %dma_start3A_252] : memref<2x16x64xf32, #tpu.memory_space<vmem>> -> memref<1x16x64xf32, #tpu.memory_space<vmem>>
      %dma_start3A_254 = tpu.memref_squeeze %dma_start3A_253 : memref<1x16x64xf32, #tpu.memory_space<vmem>> -> memref<16x64xf32, #tpu.memory_space<vmem>>
      tpu.enqueue_dma source(%dma_start3A_254 : memref<16x64xf32, #tpu.memory_space<vmem>>) target(%dma_start3A_250 : memref<16x64xf32, #tpu.memory_space<hbm>>) target_semaphore(%arg12 : memref<!tpu.dma_semaphore, #tpu.memory_space<semaphore_mem>>)
      %add3A_255 = arith.constant 2 : i32
      %add3A_256 = arith.addi %add3A_183, %add3A_255 : i32
      %lt3A_257 = arith.constant 32 : i32
      %lt3A_258 = arith.cmpi slt, %add3A_256, %lt3A_257 : i32
      %convert_element_type3A_259 = arith.extui %lt3A_258 : i1 to i32
      %cond3A_260 = arith.constant 0 : i32
      %cond3A_261 = arith.cmpi ne, %convert_element_type3A_259, %cond3A_260 : i32
      scf.if %cond3A_261 {
        %add3A_262 = arith.constant 2 : i32
        %add3A_263 = arith.addi %add3A_183, %add3A_262 : i32
        %mul3A_264 = arith.constant 320 : i32
        %mul3A_265 = arith.muli %add3A_263, %mul3A_264 : i32
        %add3A_266 = arith.constant 0 : i32
        %add3A_267 = arith.addi %mul3A_265, %add3A_266 : i32
        %dma_start3A_268 = arith.constant 1 : i32
        %dma_start3A_269 = arith.constant 0 : i32
        %dma_start3A_270 = arith.constant 0 : i32
        %dma_start3A_271 = tpu.memref_slice %arg6[%dma_start3A_268, %dma_start3A_269, %dma_start3A_270] : memref<2x320x64xf32, #tpu.memory_space<vmem>> -> memref<1x128x64xf32, #tpu.memory_space<vmem>>
        %dma_start3A_272 = tpu.memref_squeeze %dma_start3A_271 : memref<1x128x64xf32, #tpu.memory_space<vmem>> -> memref<128x64xf32, #tpu.memory_space<vmem>>
        %dma_start3A_273 = tpu.memref_slice %arg5[%add3A_267] : memref<10240xi32, #tpu.memory_space<vmem>> -> memref<128xi32, #tpu.memory_space<vmem>>
        %dma_start3A_274 = arith.constant 0 : i32
        %dma_start3A_275 = arith.constant 0 : i32
        %dma_start3A_276 = tpu.memref_slice %arg3[%dma_start3A_274, %dma_start3A_275] : memref<100000x64xf32, #tpu.memory_space<hbm>> -> memref<100000x64xf32, #tpu.memory_space<hbm>>
        tpu.enqueue_indirect_dma source(%dma_start3A_276 : memref<100000x64xf32, #tpu.memory_space<hbm>>) target(%dma_start3A_272 : memref<128x64xf32, #tpu.memory_space<vmem>>) offsets(%dma_start3A_273 : memref<128xi32, #tpu.memory_space<vmem>>) semaphore(%arg10 : memref<!tpu.dma_semaphore, #tpu.memory_space<semaphore_mem>>)
        %mul3A_277 = arith.constant 320 : i32
        %mul3A_278 = arith.muli %add3A_263, %mul3A_277 : i32
        %add3A_279 = arith.constant 128 : i32
        %add3A_280 = arith.addi %mul3A_278, %add3A_279 : i32
        %dma_start3A_281 = arith.constant 1 : i32
        %dma_start3A_282 = arith.constant 128 : i32
        %dma_start3A_283 = arith.constant 0 : i32
        %dma_start3A_284 = tpu.memref_slice %arg6[%dma_start3A_281, %dma_start3A_282, %dma_start3A_283] : memref<2x320x64xf32, #tpu.memory_space<vmem>> -> memref<1x128x64xf32, #tpu.memory_space<vmem>>
        %dma_start3A_285 = tpu.memref_squeeze %dma_start3A_284 : memref<1x128x64xf32, #tpu.memory_space<vmem>> -> memref<128x64xf32, #tpu.memory_space<vmem>>
        %dma_start3A_286 = tpu.memref_slice %arg5[%add3A_280] : memref<10240xi32, #tpu.memory_space<vmem>> -> memref<128xi32, #tpu.memory_space<vmem>>
        %dma_start3A_287 = arith.constant 0 : i32
        %dma_start3A_288 = arith.constant 0 : i32
        %dma_start3A_289 = tpu.memref_slice %arg3[%dma_start3A_287, %dma_start3A_288] : memref<100000x64xf32, #tpu.memory_space<hbm>> -> memref<100000x64xf32, #tpu.memory_space<hbm>>
        tpu.enqueue_indirect_dma source(%dma_start3A_289 : memref<100000x64xf32, #tpu.memory_space<hbm>>) target(%dma_start3A_285 : memref<128x64xf32, #tpu.memory_space<vmem>>) offsets(%dma_start3A_286 : memref<128xi32, #tpu.memory_space<vmem>>) semaphore(%arg10 : memref<!tpu.dma_semaphore, #tpu.memory_space<semaphore_mem>>)
        %mul3A_290 = arith.constant 320 : i32
        %mul3A_291 = arith.muli %add3A_263, %mul3A_290 : i32
        %add3A_292 = arith.constant 256 : i32
        %add3A_293 = arith.addi %mul3A_291, %add3A_292 : i32
        %dma_start3A_294 = arith.constant 1 : i32
        %dma_start3A_295 = arith.constant 256 : i32
        %dma_start3A_296 = arith.constant 0 : i32
        %dma_start3A_297 = tpu.memref_slice %arg6[%dma_start3A_294, %dma_start3A_295, %dma_start3A_296] : memref<2x320x64xf32, #tpu.memory_space<vmem>> -> memref<1x64x64xf32, #tpu.memory_space<vmem>>
        %dma_start3A_298 = tpu.memref_squeeze %dma_start3A_297 : memref<1x64x64xf32, #tpu.memory_space<vmem>> -> memref<64x64xf32, #tpu.memory_space<vmem>>
        %dma_start3A_299 = tpu.memref_slice %arg5[%add3A_293] : memref<10240xi32, #tpu.memory_space<vmem>> -> memref<64xi32, #tpu.memory_space<vmem>>
        %dma_start3A_300 = arith.constant 0 : i32
        %dma_start3A_301 = arith.constant 0 : i32
        %dma_start3A_302 = tpu.memref_slice %arg3[%dma_start3A_300, %dma_start3A_301] : memref<100000x64xf32, #tpu.memory_space<hbm>> -> memref<100000x64xf32, #tpu.memory_space<hbm>>
        tpu.enqueue_indirect_dma source(%dma_start3A_302 : memref<100000x64xf32, #tpu.memory_space<hbm>>) target(%dma_start3A_298 : memref<64x64xf32, #tpu.memory_space<vmem>>) offsets(%dma_start3A_299 : memref<64xi32, #tpu.memory_space<vmem>>) semaphore(%arg10 : memref<!tpu.dma_semaphore, #tpu.memory_space<semaphore_mem>>)
      } else {
      }
    }
    %scan3A_70 = arith.constant 16 : i32
    %dma_wait3A_71 = arith.constant 0 : i32
    %dma_wait3A_72 = arith.constant 0 : i32
    %dma_wait3A_73 = arith.constant 0 : i32
    %dma_wait3A_74 = tpu.memref_slice %arg7[%dma_wait3A_71, %dma_wait3A_72, %dma_wait3A_73] : memref<2x16x64xf32, #tpu.memory_space<vmem>> -> memref<1x16x64xf32, #tpu.memory_space<vmem>>
    %dma_wait3A_75 = tpu.memref_squeeze %dma_wait3A_74 : memref<1x16x64xf32, #tpu.memory_space<vmem>> -> memref<16x64xf32, #tpu.memory_space<vmem>>
    %dma_wait3A_76 = arith.constant 0 : i32
    %dma_wait3A_77 = arith.constant 0 : i32
    %dma_wait3A_78 = tpu.memref_slice %arg3[%dma_wait3A_76, %dma_wait3A_77] : memref<100000x64xf32, #tpu.memory_space<hbm>> -> memref<16x64xf32, #tpu.memory_space<hbm>>
    %dma_wait3A_79 = arith.constant 0 : i32
    %dma_wait3A_80 = arith.constant 0 : i32
    %dma_wait3A_81 = tpu.memref_slice %arg7[%dma_wait3A_71, %dma_wait3A_79, %dma_wait3A_80] : memref<2x16x64xf32, #tpu.memory_space<vmem>> -> memref<1x16x64xf32, #tpu.memory_space<vmem>>
    %dma_wait3A_82 = tpu.memref_squeeze %dma_wait3A_81 : memref<1x16x64xf32, #tpu.memory_space<vmem>> -> memref<16x64xf32, #tpu.memory_space<vmem>>
    %dma_wait3A_83 = arith.constant 0 : i32
    %dma_wait3A_84 = arith.constant 0 : i32
    %dma_wait3A_85 = tpu.memref_slice %arg3[%dma_wait3A_83, %dma_wait3A_84] : memref<100000x64xf32, #tpu.memory_space<hbm>> -> memref<16x64xf32, #tpu.memory_space<hbm>>
    tpu.wait_dma2 semaphore(%arg11 : memref<!tpu.dma_semaphore, #tpu.memory_space<semaphore_mem>>) src(%dma_wait3A_85 : memref<16x64xf32, #tpu.memory_space<hbm>>) dst(%dma_wait3A_82 : memref<16x64xf32, #tpu.memory_space<vmem>>)
    %dma_wait3A_86 = arith.constant 1 : i32
    %dma_wait3A_87 = arith.constant 0 : i32
    %dma_wait3A_88 = arith.constant 0 : i32
    %dma_wait3A_89 = tpu.memref_slice %arg7[%dma_wait3A_86, %dma_wait3A_87, %dma_wait3A_88] : memref<2x16x64xf32, #tpu.memory_space<vmem>> -> memref<1x16x64xf32, #tpu.memory_space<vmem>>
    %dma_wait3A_90 = tpu.memref_squeeze %dma_wait3A_89 : memref<1x16x64xf32, #tpu.memory_space<vmem>> -> memref<16x64xf32, #tpu.memory_space<vmem>>
    %dma_wait3A_91 = arith.constant 0 : i32
    %dma_wait3A_92 = arith.constant 0 : i32
    %dma_wait3A_93 = tpu.memref_slice %arg3[%dma_wait3A_91, %dma_wait3A_92] : memref<100000x64xf32, #tpu.memory_space<hbm>> -> memref<16x64xf32, #tpu.memory_space<hbm>>
    %dma_wait3A_94 = arith.constant 0 : i32
    %dma_wait3A_95 = arith.constant 0 : i32
    %dma_wait3A_96 = tpu.memref_slice %arg7[%dma_wait3A_86, %dma_wait3A_94, %dma_wait3A_95] : memref<2x16x64xf32, #tpu.memory_space<vmem>> -> memref<1x16x64xf32, #tpu.memory_space<vmem>>
    %dma_wait3A_97 = tpu.memref_squeeze %dma_wait3A_96 : memref<1x16x64xf32, #tpu.memory_space<vmem>> -> memref<16x64xf32, #tpu.memory_space<vmem>>
    %dma_wait3A_98 = arith.constant 0 : i32
    %dma_wait3A_99 = arith.constant 0 : i32
    %dma_wait3A_100 = tpu.memref_slice %arg3[%dma_wait3A_98, %dma_wait3A_99] : memref<100000x64xf32, #tpu.memory_space<hbm>> -> memref<16x64xf32, #tpu.memory_space<hbm>>
    tpu.wait_dma2 semaphore(%arg12 : memref<!tpu.dma_semaphore, #tpu.memory_space<semaphore_mem>>) src(%dma_wait3A_100 : memref<16x64xf32, #tpu.memory_space<hbm>>) dst(%dma_wait3A_97 : memref<16x64xf32, #tpu.memory_space<vmem>>)
    return
  }
}

#map = affine_map<(d0, d1) -> (0)>
#map1 = affine_map<(d0, d1) -> (0, 0)>
module attributes {stable_mosaic.version = 14 : i64} {
  func.func @k(%arg0: i32, %arg1: i32, %arg2: memref<16384xi32, #tpu.memory_space<hbm>>, %arg3: memref<16384xi32, #tpu.memory_space<hbm>>, %arg4: memref<16384xi32, #tpu.memory_space<hbm>>, %arg5: memref<1000000x64xf32, #tpu.memory_space<hbm>>, %arg6: memref<1000x16xf32, #tpu.memory_space<hbm>>, %arg7: memref<100x16xf32, #tpu.memory_space<hbm>>, %arg8: memref<16384x64xf32, #tpu.memory_space<hbm>>, %arg9: memref<16384x16xf32, #tpu.memory_space<hbm>>, %arg10: memref<16384x16xf32, #tpu.memory_space<hbm>>, %arg11: memref<512xi32, #tpu.memory_space<vmem>>, %arg12: memref<512xi32, #tpu.memory_space<vmem>>, %arg13: memref<512xi32, #tpu.memory_space<vmem>>, %arg14: memref<512x64xf32, #tpu.memory_space<vmem>>, %arg15: memref<512x16xf32, #tpu.memory_space<vmem>>, %arg16: memref<512x16xf32, #tpu.memory_space<vmem>>, %arg17: memref<!tpu.dma_semaphore, #tpu.memory_space<semaphore_mem>>, %arg18: memref<!tpu.dma_semaphore, #tpu.memory_space<semaphore_mem>>, %arg19: memref<!tpu.dma_semaphore, #tpu.memory_space<semaphore_mem>>) attributes {dimension_semantics = [#tpu.dimension_semantics<core_parallel>, #tpu.dimension_semantics<subcore_parallel>], iteration_bounds = array<i64: 2, 16>, scalar_prefetch = 0 : i64, scratch_operands = 9 : i64, tpu.core_type = #tpu.core_type<sc_vector_subcore>, window_params = [{transform_indices = #map}, {transform_indices = #map}, {transform_indices = #map}, {transform_indices = #map1}, {transform_indices = #map1}, {transform_indices = #map1}, {transform_indices = #map1}, {transform_indices = #map1}, {transform_indices = #map1}]} {
    %mul3A = arith.constant 2 : i32
    %mul3A_0 = arith.muli %arg1, %mul3A : i32
    %add3A = arith.addi %mul3A_0, %arg0 : i32
    %mul3A_1 = arith.constant 512 : i32
    %mul3A_2 = arith.muli %add3A, %mul3A_1 : i32
    %dma_start3A = tpu.memref_slice %arg2[%mul3A_2] : memref<16384xi32, #tpu.memory_space<hbm>> -> memref<512xi32, #tpu.memory_space<hbm>>
    %dma_start3A_3 = tpu.memref_slice %arg2[%mul3A_2] : memref<16384xi32, #tpu.memory_space<hbm>> -> memref<512xi32, #tpu.memory_space<hbm>>
    tpu.enqueue_dma source(%dma_start3A_3 : memref<512xi32, #tpu.memory_space<hbm>>) target(%arg11 : memref<512xi32, #tpu.memory_space<vmem>>) target_semaphore(%arg17 : memref<!tpu.dma_semaphore, #tpu.memory_space<semaphore_mem>>)
    %dma_start3A_4 = tpu.memref_slice %arg3[%mul3A_2] : memref<16384xi32, #tpu.memory_space<hbm>> -> memref<512xi32, #tpu.memory_space<hbm>>
    %dma_start3A_5 = tpu.memref_slice %arg3[%mul3A_2] : memref<16384xi32, #tpu.memory_space<hbm>> -> memref<512xi32, #tpu.memory_space<hbm>>
    tpu.enqueue_dma source(%dma_start3A_5 : memref<512xi32, #tpu.memory_space<hbm>>) target(%arg12 : memref<512xi32, #tpu.memory_space<vmem>>) target_semaphore(%arg17 : memref<!tpu.dma_semaphore, #tpu.memory_space<semaphore_mem>>)
    %dma_start3A_6 = tpu.memref_slice %arg4[%mul3A_2] : memref<16384xi32, #tpu.memory_space<hbm>> -> memref<512xi32, #tpu.memory_space<hbm>>
    %dma_start3A_7 = tpu.memref_slice %arg4[%mul3A_2] : memref<16384xi32, #tpu.memory_space<hbm>> -> memref<512xi32, #tpu.memory_space<hbm>>
    tpu.enqueue_dma source(%dma_start3A_7 : memref<512xi32, #tpu.memory_space<hbm>>) target(%arg13 : memref<512xi32, #tpu.memory_space<vmem>>) target_semaphore(%arg17 : memref<!tpu.dma_semaphore, #tpu.memory_space<semaphore_mem>>)
    %dma_wait3A = tpu.memref_slice %arg2[%mul3A_2] : memref<16384xi32, #tpu.memory_space<hbm>> -> memref<512xi32, #tpu.memory_space<hbm>>
    %dma_wait3A_8 = tpu.memref_slice %arg2[%mul3A_2] : memref<16384xi32, #tpu.memory_space<hbm>> -> memref<512xi32, #tpu.memory_space<hbm>>
    tpu.wait_dma2 semaphore(%arg17 : memref<!tpu.dma_semaphore, #tpu.memory_space<semaphore_mem>>) src(%dma_wait3A_8 : memref<512xi32, #tpu.memory_space<hbm>>) dst(%arg11 : memref<512xi32, #tpu.memory_space<vmem>>)
    %dma_wait3A_9 = tpu.memref_slice %arg3[%mul3A_2] : memref<16384xi32, #tpu.memory_space<hbm>> -> memref<512xi32, #tpu.memory_space<hbm>>
    %dma_wait3A_10 = tpu.memref_slice %arg3[%mul3A_2] : memref<16384xi32, #tpu.memory_space<hbm>> -> memref<512xi32, #tpu.memory_space<hbm>>
    tpu.wait_dma2 semaphore(%arg17 : memref<!tpu.dma_semaphore, #tpu.memory_space<semaphore_mem>>) src(%dma_wait3A_10 : memref<512xi32, #tpu.memory_space<hbm>>) dst(%arg12 : memref<512xi32, #tpu.memory_space<vmem>>)
    %dma_wait3A_11 = tpu.memref_slice %arg4[%mul3A_2] : memref<16384xi32, #tpu.memory_space<hbm>> -> memref<512xi32, #tpu.memory_space<hbm>>
    %dma_wait3A_12 = tpu.memref_slice %arg4[%mul3A_2] : memref<16384xi32, #tpu.memory_space<hbm>> -> memref<512xi32, #tpu.memory_space<hbm>>
    tpu.wait_dma2 semaphore(%arg17 : memref<!tpu.dma_semaphore, #tpu.memory_space<semaphore_mem>>) src(%dma_wait3A_12 : memref<512xi32, #tpu.memory_space<hbm>>) dst(%arg13 : memref<512xi32, #tpu.memory_space<vmem>>)
    %dma_start3A_13 = arith.constant 0 : i32
    %dma_start3A_14 = arith.constant 0 : i32
    %dma_start3A_15 = tpu.memref_slice %arg14[%dma_start3A_13, %dma_start3A_14] : memref<512x64xf32, #tpu.memory_space<vmem>> -> memref<128x64xf32, #tpu.memory_space<vmem>>
    %dma_start3A_16 = arith.constant 0 : i32
    %dma_start3A_17 = tpu.memref_slice %arg11[%dma_start3A_16] : memref<512xi32, #tpu.memory_space<vmem>> -> memref<128xi32, #tpu.memory_space<vmem>>
    %dma_start3A_18 = arith.constant 0 : i32
    %dma_start3A_19 = arith.constant 0 : i32
    %dma_start3A_20 = tpu.memref_slice %arg5[%dma_start3A_18, %dma_start3A_19] : memref<1000000x64xf32, #tpu.memory_space<hbm>> -> memref<1000000x64xf32, #tpu.memory_space<hbm>>
    tpu.enqueue_indirect_dma source(%dma_start3A_20 : memref<1000000x64xf32, #tpu.memory_space<hbm>>) target(%dma_start3A_15 : memref<128x64xf32, #tpu.memory_space<vmem>>) offsets(%dma_start3A_17 : memref<128xi32, #tpu.memory_space<vmem>>) semaphore(%arg18 : memref<!tpu.dma_semaphore, #tpu.memory_space<semaphore_mem>>)
    %dma_start3A_21 = arith.constant 0 : i32
    %dma_start3A_22 = arith.constant 0 : i32
    %dma_start3A_23 = tpu.memref_slice %arg15[%dma_start3A_21, %dma_start3A_22] : memref<512x16xf32, #tpu.memory_space<vmem>> -> memref<128x16xf32, #tpu.memory_space<vmem>>
    %dma_start3A_24 = arith.constant 0 : i32
    %dma_start3A_25 = tpu.memref_slice %arg12[%dma_start3A_24] : memref<512xi32, #tpu.memory_space<vmem>> -> memref<128xi32, #tpu.memory_space<vmem>>
    %dma_start3A_26 = arith.constant 0 : i32
    %dma_start3A_27 = arith.constant 0 : i32
    %dma_start3A_28 = tpu.memref_slice %arg6[%dma_start3A_26, %dma_start3A_27] : memref<1000x16xf32, #tpu.memory_space<hbm>> -> memref<1000x16xf32, #tpu.memory_space<hbm>>
    tpu.enqueue_indirect_dma source(%dma_start3A_28 : memref<1000x16xf32, #tpu.memory_space<hbm>>) target(%dma_start3A_23 : memref<128x16xf32, #tpu.memory_space<vmem>>) offsets(%dma_start3A_25 : memref<128xi32, #tpu.memory_space<vmem>>) semaphore(%arg18 : memref<!tpu.dma_semaphore, #tpu.memory_space<semaphore_mem>>)
    %dma_start3A_29 = arith.constant 0 : i32
    %dma_start3A_30 = arith.constant 0 : i32
    %dma_start3A_31 = tpu.memref_slice %arg16[%dma_start3A_29, %dma_start3A_30] : memref<512x16xf32, #tpu.memory_space<vmem>> -> memref<128x16xf32, #tpu.memory_space<vmem>>
    %dma_start3A_32 = arith.constant 0 : i32
    %dma_start3A_33 = tpu.memref_slice %arg13[%dma_start3A_32] : memref<512xi32, #tpu.memory_space<vmem>> -> memref<128xi32, #tpu.memory_space<vmem>>
    %dma_start3A_34 = arith.constant 0 : i32
    %dma_start3A_35 = arith.constant 0 : i32
    %dma_start3A_36 = tpu.memref_slice %arg7[%dma_start3A_34, %dma_start3A_35] : memref<100x16xf32, #tpu.memory_space<hbm>> -> memref<100x16xf32, #tpu.memory_space<hbm>>
    tpu.enqueue_indirect_dma source(%dma_start3A_36 : memref<100x16xf32, #tpu.memory_space<hbm>>) target(%dma_start3A_31 : memref<128x16xf32, #tpu.memory_space<vmem>>) offsets(%dma_start3A_33 : memref<128xi32, #tpu.memory_space<vmem>>) semaphore(%arg18 : memref<!tpu.dma_semaphore, #tpu.memory_space<semaphore_mem>>)
    %dma_start3A_37 = arith.constant 128 : i32
    %dma_start3A_38 = arith.constant 0 : i32
    %dma_start3A_39 = tpu.memref_slice %arg14[%dma_start3A_37, %dma_start3A_38] : memref<512x64xf32, #tpu.memory_space<vmem>> -> memref<128x64xf32, #tpu.memory_space<vmem>>
    %dma_start3A_40 = arith.constant 128 : i32
    %dma_start3A_41 = tpu.memref_slice %arg11[%dma_start3A_40] : memref<512xi32, #tpu.memory_space<vmem>> -> memref<128xi32, #tpu.memory_space<vmem>>
    %dma_start3A_42 = arith.constant 0 : i32
    %dma_start3A_43 = arith.constant 0 : i32
    %dma_start3A_44 = tpu.memref_slice %arg5[%dma_start3A_42, %dma_start3A_43] : memref<1000000x64xf32, #tpu.memory_space<hbm>> -> memref<1000000x64xf32, #tpu.memory_space<hbm>>
    tpu.enqueue_indirect_dma source(%dma_start3A_44 : memref<1000000x64xf32, #tpu.memory_space<hbm>>) target(%dma_start3A_39 : memref<128x64xf32, #tpu.memory_space<vmem>>) offsets(%dma_start3A_41 : memref<128xi32, #tpu.memory_space<vmem>>) semaphore(%arg18 : memref<!tpu.dma_semaphore, #tpu.memory_space<semaphore_mem>>)
    %dma_start3A_45 = arith.constant 128 : i32
    %dma_start3A_46 = arith.constant 0 : i32
    %dma_start3A_47 = tpu.memref_slice %arg15[%dma_start3A_45, %dma_start3A_46] : memref<512x16xf32, #tpu.memory_space<vmem>> -> memref<128x16xf32, #tpu.memory_space<vmem>>
    %dma_start3A_48 = arith.constant 128 : i32
    %dma_start3A_49 = tpu.memref_slice %arg12[%dma_start3A_48] : memref<512xi32, #tpu.memory_space<vmem>> -> memref<128xi32, #tpu.memory_space<vmem>>
    %dma_start3A_50 = arith.constant 0 : i32
    %dma_start3A_51 = arith.constant 0 : i32
    %dma_start3A_52 = tpu.memref_slice %arg6[%dma_start3A_50, %dma_start3A_51] : memref<1000x16xf32, #tpu.memory_space<hbm>> -> memref<1000x16xf32, #tpu.memory_space<hbm>>
    tpu.enqueue_indirect_dma source(%dma_start3A_52 : memref<1000x16xf32, #tpu.memory_space<hbm>>) target(%dma_start3A_47 : memref<128x16xf32, #tpu.memory_space<vmem>>) offsets(%dma_start3A_49 : memref<128xi32, #tpu.memory_space<vmem>>) semaphore(%arg18 : memref<!tpu.dma_semaphore, #tpu.memory_space<semaphore_mem>>)
    %dma_start3A_53 = arith.constant 128 : i32
    %dma_start3A_54 = arith.constant 0 : i32
    %dma_start3A_55 = tpu.memref_slice %arg16[%dma_start3A_53, %dma_start3A_54] : memref<512x16xf32, #tpu.memory_space<vmem>> -> memref<128x16xf32, #tpu.memory_space<vmem>>
    %dma_start3A_56 = arith.constant 128 : i32
    %dma_start3A_57 = tpu.memref_slice %arg13[%dma_start3A_56] : memref<512xi32, #tpu.memory_space<vmem>> -> memref<128xi32, #tpu.memory_space<vmem>>
    %dma_start3A_58 = arith.constant 0 : i32
    %dma_start3A_59 = arith.constant 0 : i32
    %dma_start3A_60 = tpu.memref_slice %arg7[%dma_start3A_58, %dma_start3A_59] : memref<100x16xf32, #tpu.memory_space<hbm>> -> memref<100x16xf32, #tpu.memory_space<hbm>>
    tpu.enqueue_indirect_dma source(%dma_start3A_60 : memref<100x16xf32, #tpu.memory_space<hbm>>) target(%dma_start3A_55 : memref<128x16xf32, #tpu.memory_space<vmem>>) offsets(%dma_start3A_57 : memref<128xi32, #tpu.memory_space<vmem>>) semaphore(%arg18 : memref<!tpu.dma_semaphore, #tpu.memory_space<semaphore_mem>>)
    %dma_start3A_61 = arith.constant 256 : i32
    %dma_start3A_62 = arith.constant 0 : i32
    %dma_start3A_63 = tpu.memref_slice %arg14[%dma_start3A_61, %dma_start3A_62] : memref<512x64xf32, #tpu.memory_space<vmem>> -> memref<128x64xf32, #tpu.memory_space<vmem>>
    %dma_start3A_64 = arith.constant 256 : i32
    %dma_start3A_65 = tpu.memref_slice %arg11[%dma_start3A_64] : memref<512xi32, #tpu.memory_space<vmem>> -> memref<128xi32, #tpu.memory_space<vmem>>
    %dma_start3A_66 = arith.constant 0 : i32
    %dma_start3A_67 = arith.constant 0 : i32
    %dma_start3A_68 = tpu.memref_slice %arg5[%dma_start3A_66, %dma_start3A_67] : memref<1000000x64xf32, #tpu.memory_space<hbm>> -> memref<1000000x64xf32, #tpu.memory_space<hbm>>
    tpu.enqueue_indirect_dma source(%dma_start3A_68 : memref<1000000x64xf32, #tpu.memory_space<hbm>>) target(%dma_start3A_63 : memref<128x64xf32, #tpu.memory_space<vmem>>) offsets(%dma_start3A_65 : memref<128xi32, #tpu.memory_space<vmem>>) semaphore(%arg18 : memref<!tpu.dma_semaphore, #tpu.memory_space<semaphore_mem>>)
    %dma_start3A_69 = arith.constant 256 : i32
    %dma_start3A_70 = arith.constant 0 : i32
    %dma_start3A_71 = tpu.memref_slice %arg15[%dma_start3A_69, %dma_start3A_70] : memref<512x16xf32, #tpu.memory_space<vmem>> -> memref<128x16xf32, #tpu.memory_space<vmem>>
    %dma_start3A_72 = arith.constant 256 : i32
    %dma_start3A_73 = tpu.memref_slice %arg12[%dma_start3A_72] : memref<512xi32, #tpu.memory_space<vmem>> -> memref<128xi32, #tpu.memory_space<vmem>>
    %dma_start3A_74 = arith.constant 0 : i32
    %dma_start3A_75 = arith.constant 0 : i32
    %dma_start3A_76 = tpu.memref_slice %arg6[%dma_start3A_74, %dma_start3A_75] : memref<1000x16xf32, #tpu.memory_space<hbm>> -> memref<1000x16xf32, #tpu.memory_space<hbm>>
    tpu.enqueue_indirect_dma source(%dma_start3A_76 : memref<1000x16xf32, #tpu.memory_space<hbm>>) target(%dma_start3A_71 : memref<128x16xf32, #tpu.memory_space<vmem>>) offsets(%dma_start3A_73 : memref<128xi32, #tpu.memory_space<vmem>>) semaphore(%arg18 : memref<!tpu.dma_semaphore, #tpu.memory_space<semaphore_mem>>)
    %dma_start3A_77 = arith.constant 256 : i32
    %dma_start3A_78 = arith.constant 0 : i32
    %dma_start3A_79 = tpu.memref_slice %arg16[%dma_start3A_77, %dma_start3A_78] : memref<512x16xf32, #tpu.memory_space<vmem>> -> memref<128x16xf32, #tpu.memory_space<vmem>>
    %dma_start3A_80 = arith.constant 256 : i32
    %dma_start3A_81 = tpu.memref_slice %arg13[%dma_start3A_80] : memref<512xi32, #tpu.memory_space<vmem>> -> memref<128xi32, #tpu.memory_space<vmem>>
    %dma_start3A_82 = arith.constant 0 : i32
    %dma_start3A_83 = arith.constant 0 : i32
    %dma_start3A_84 = tpu.memref_slice %arg7[%dma_start3A_82, %dma_start3A_83] : memref<100x16xf32, #tpu.memory_space<hbm>> -> memref<100x16xf32, #tpu.memory_space<hbm>>
    tpu.enqueue_indirect_dma source(%dma_start3A_84 : memref<100x16xf32, #tpu.memory_space<hbm>>) target(%dma_start3A_79 : memref<128x16xf32, #tpu.memory_space<vmem>>) offsets(%dma_start3A_81 : memref<128xi32, #tpu.memory_space<vmem>>) semaphore(%arg18 : memref<!tpu.dma_semaphore, #tpu.memory_space<semaphore_mem>>)
    %dma_start3A_85 = arith.constant 384 : i32
    %dma_start3A_86 = arith.constant 0 : i32
    %dma_start3A_87 = tpu.memref_slice %arg14[%dma_start3A_85, %dma_start3A_86] : memref<512x64xf32, #tpu.memory_space<vmem>> -> memref<128x64xf32, #tpu.memory_space<vmem>>
    %dma_start3A_88 = arith.constant 384 : i32
    %dma_start3A_89 = tpu.memref_slice %arg11[%dma_start3A_88] : memref<512xi32, #tpu.memory_space<vmem>> -> memref<128xi32, #tpu.memory_space<vmem>>
    %dma_start3A_90 = arith.constant 0 : i32
    %dma_start3A_91 = arith.constant 0 : i32
    %dma_start3A_92 = tpu.memref_slice %arg5[%dma_start3A_90, %dma_start3A_91] : memref<1000000x64xf32, #tpu.memory_space<hbm>> -> memref<1000000x64xf32, #tpu.memory_space<hbm>>
    tpu.enqueue_indirect_dma source(%dma_start3A_92 : memref<1000000x64xf32, #tpu.memory_space<hbm>>) target(%dma_start3A_87 : memref<128x64xf32, #tpu.memory_space<vmem>>) offsets(%dma_start3A_89 : memref<128xi32, #tpu.memory_space<vmem>>) semaphore(%arg18 : memref<!tpu.dma_semaphore, #tpu.memory_space<semaphore_mem>>)
    %dma_start3A_93 = arith.constant 384 : i32
    %dma_start3A_94 = arith.constant 0 : i32
    %dma_start3A_95 = tpu.memref_slice %arg15[%dma_start3A_93, %dma_start3A_94] : memref<512x16xf32, #tpu.memory_space<vmem>> -> memref<128x16xf32, #tpu.memory_space<vmem>>
    %dma_start3A_96 = arith.constant 384 : i32
    %dma_start3A_97 = tpu.memref_slice %arg12[%dma_start3A_96] : memref<512xi32, #tpu.memory_space<vmem>> -> memref<128xi32, #tpu.memory_space<vmem>>
    %dma_start3A_98 = arith.constant 0 : i32
    %dma_start3A_99 = arith.constant 0 : i32
    %dma_start3A_100 = tpu.memref_slice %arg6[%dma_start3A_98, %dma_start3A_99] : memref<1000x16xf32, #tpu.memory_space<hbm>> -> memref<1000x16xf32, #tpu.memory_space<hbm>>
    tpu.enqueue_indirect_dma source(%dma_start3A_100 : memref<1000x16xf32, #tpu.memory_space<hbm>>) target(%dma_start3A_95 : memref<128x16xf32, #tpu.memory_space<vmem>>) offsets(%dma_start3A_97 : memref<128xi32, #tpu.memory_space<vmem>>) semaphore(%arg18 : memref<!tpu.dma_semaphore, #tpu.memory_space<semaphore_mem>>)
    %dma_start3A_101 = arith.constant 384 : i32
    %dma_start3A_102 = arith.constant 0 : i32
    %dma_start3A_103 = tpu.memref_slice %arg16[%dma_start3A_101, %dma_start3A_102] : memref<512x16xf32, #tpu.memory_space<vmem>> -> memref<128x16xf32, #tpu.memory_space<vmem>>
    %dma_start3A_104 = arith.constant 384 : i32
    %dma_start3A_105 = tpu.memref_slice %arg13[%dma_start3A_104] : memref<512xi32, #tpu.memory_space<vmem>> -> memref<128xi32, #tpu.memory_space<vmem>>
    %dma_start3A_106 = arith.constant 0 : i32
    %dma_start3A_107 = arith.constant 0 : i32
    %dma_start3A_108 = tpu.memref_slice %arg7[%dma_start3A_106, %dma_start3A_107] : memref<100x16xf32, #tpu.memory_space<hbm>> -> memref<100x16xf32, #tpu.memory_space<hbm>>
    tpu.enqueue_indirect_dma source(%dma_start3A_108 : memref<100x16xf32, #tpu.memory_space<hbm>>) target(%dma_start3A_103 : memref<128x16xf32, #tpu.memory_space<vmem>>) offsets(%dma_start3A_105 : memref<128xi32, #tpu.memory_space<vmem>>) semaphore(%arg18 : memref<!tpu.dma_semaphore, #tpu.memory_space<semaphore_mem>>)
    %dma_wait3A_109 = arith.constant 0 : i32
    %dma_wait3A_110 = arith.constant 0 : i32
    %dma_wait3A_111 = tpu.memref_slice %arg14[%dma_wait3A_109, %dma_wait3A_110] : memref<512x64xf32, #tpu.memory_space<vmem>> -> memref<128x64xf32, #tpu.memory_space<vmem>>
    %dma_wait3A_112 = arith.constant 0 : i32
    %dma_wait3A_113 = arith.constant 0 : i32
    %dma_wait3A_114 = tpu.memref_slice %arg5[%dma_wait3A_112, %dma_wait3A_113] : memref<1000000x64xf32, #tpu.memory_space<hbm>> -> memref<128x64xf32, #tpu.memory_space<hbm>>
    %dma_wait3A_115 = arith.constant 0 : i32
    %dma_wait3A_116 = arith.constant 0 : i32
    %dma_wait3A_117 = tpu.memref_slice %arg14[%dma_wait3A_115, %dma_wait3A_116] : memref<512x64xf32, #tpu.memory_space<vmem>> -> memref<128x64xf32, #tpu.memory_space<vmem>>
    %dma_wait3A_118 = arith.constant 0 : i32
    %dma_wait3A_119 = arith.constant 0 : i32
    %dma_wait3A_120 = tpu.memref_slice %arg5[%dma_wait3A_118, %dma_wait3A_119] : memref<1000000x64xf32, #tpu.memory_space<hbm>> -> memref<128x64xf32, #tpu.memory_space<hbm>>
    tpu.wait_dma2 semaphore(%arg18 : memref<!tpu.dma_semaphore, #tpu.memory_space<semaphore_mem>>) src(%dma_wait3A_120 : memref<128x64xf32, #tpu.memory_space<hbm>>) dst(%dma_wait3A_117 : memref<128x64xf32, #tpu.memory_space<vmem>>)
    %dma_wait3A_121 = arith.constant 0 : i32
    %dma_wait3A_122 = arith.constant 0 : i32
    %dma_wait3A_123 = tpu.memref_slice %arg15[%dma_wait3A_121, %dma_wait3A_122] : memref<512x16xf32, #tpu.memory_space<vmem>> -> memref<128x16xf32, #tpu.memory_space<vmem>>
    %dma_wait3A_124 = arith.constant 0 : i32
    %dma_wait3A_125 = arith.constant 0 : i32
    %dma_wait3A_126 = tpu.memref_slice %arg6[%dma_wait3A_124, %dma_wait3A_125] : memref<1000x16xf32, #tpu.memory_space<hbm>> -> memref<128x16xf32, #tpu.memory_space<hbm>>
    %dma_wait3A_127 = arith.constant 0 : i32
    %dma_wait3A_128 = arith.constant 0 : i32
    %dma_wait3A_129 = tpu.memref_slice %arg15[%dma_wait3A_127, %dma_wait3A_128] : memref<512x16xf32, #tpu.memory_space<vmem>> -> memref<128x16xf32, #tpu.memory_space<vmem>>
    %dma_wait3A_130 = arith.constant 0 : i32
    %dma_wait3A_131 = arith.constant 0 : i32
    %dma_wait3A_132 = tpu.memref_slice %arg6[%dma_wait3A_130, %dma_wait3A_131] : memref<1000x16xf32, #tpu.memory_space<hbm>> -> memref<128x16xf32, #tpu.memory_space<hbm>>
    tpu.wait_dma2 semaphore(%arg18 : memref<!tpu.dma_semaphore, #tpu.memory_space<semaphore_mem>>) src(%dma_wait3A_132 : memref<128x16xf32, #tpu.memory_space<hbm>>) dst(%dma_wait3A_129 : memref<128x16xf32, #tpu.memory_space<vmem>>)
    %dma_wait3A_133 = arith.constant 0 : i32
    %dma_wait3A_134 = arith.constant 0 : i32
    %dma_wait3A_135 = tpu.memref_slice %arg16[%dma_wait3A_133, %dma_wait3A_134] : memref<512x16xf32, #tpu.memory_space<vmem>> -> memref<128x16xf32, #tpu.memory_space<vmem>>
    %dma_wait3A_136 = arith.constant 0 : i32
    %dma_wait3A_137 = arith.constant 0 : i32
    %dma_wait3A_138 = tpu.memref_slice %arg7[%dma_wait3A_136, %dma_wait3A_137] : memref<100x16xf32, #tpu.memory_space<hbm>> -> memref<128x16xf32, #tpu.memory_space<hbm>>
    %dma_wait3A_139 = arith.constant 0 : i32
    %dma_wait3A_140 = arith.constant 0 : i32
    %dma_wait3A_141 = tpu.memref_slice %arg16[%dma_wait3A_139, %dma_wait3A_140] : memref<512x16xf32, #tpu.memory_space<vmem>> -> memref<128x16xf32, #tpu.memory_space<vmem>>
    %dma_wait3A_142 = arith.constant 0 : i32
    %dma_wait3A_143 = arith.constant 0 : i32
    %dma_wait3A_144 = tpu.memref_slice %arg7[%dma_wait3A_142, %dma_wait3A_143] : memref<100x16xf32, #tpu.memory_space<hbm>> -> memref<128x16xf32, #tpu.memory_space<hbm>>
    tpu.wait_dma2 semaphore(%arg18 : memref<!tpu.dma_semaphore, #tpu.memory_space<semaphore_mem>>) src(%dma_wait3A_144 : memref<128x16xf32, #tpu.memory_space<hbm>>) dst(%dma_wait3A_141 : memref<128x16xf32, #tpu.memory_space<vmem>>)
    %dma_wait3A_145 = arith.constant 128 : i32
    %dma_wait3A_146 = arith.constant 0 : i32
    %dma_wait3A_147 = tpu.memref_slice %arg14[%dma_wait3A_145, %dma_wait3A_146] : memref<512x64xf32, #tpu.memory_space<vmem>> -> memref<128x64xf32, #tpu.memory_space<vmem>>
    %dma_wait3A_148 = arith.constant 0 : i32
    %dma_wait3A_149 = arith.constant 0 : i32
    %dma_wait3A_150 = tpu.memref_slice %arg5[%dma_wait3A_148, %dma_wait3A_149] : memref<1000000x64xf32, #tpu.memory_space<hbm>> -> memref<128x64xf32, #tpu.memory_space<hbm>>
    %dma_wait3A_151 = arith.constant 128 : i32
    %dma_wait3A_152 = arith.constant 0 : i32
    %dma_wait3A_153 = tpu.memref_slice %arg14[%dma_wait3A_151, %dma_wait3A_152] : memref<512x64xf32, #tpu.memory_space<vmem>> -> memref<128x64xf32, #tpu.memory_space<vmem>>
    %dma_wait3A_154 = arith.constant 0 : i32
    %dma_wait3A_155 = arith.constant 0 : i32
    %dma_wait3A_156 = tpu.memref_slice %arg5[%dma_wait3A_154, %dma_wait3A_155] : memref<1000000x64xf32, #tpu.memory_space<hbm>> -> memref<128x64xf32, #tpu.memory_space<hbm>>
    tpu.wait_dma2 semaphore(%arg18 : memref<!tpu.dma_semaphore, #tpu.memory_space<semaphore_mem>>) src(%dma_wait3A_156 : memref<128x64xf32, #tpu.memory_space<hbm>>) dst(%dma_wait3A_153 : memref<128x64xf32, #tpu.memory_space<vmem>>)
    %dma_wait3A_157 = arith.constant 128 : i32
    %dma_wait3A_158 = arith.constant 0 : i32
    %dma_wait3A_159 = tpu.memref_slice %arg15[%dma_wait3A_157, %dma_wait3A_158] : memref<512x16xf32, #tpu.memory_space<vmem>> -> memref<128x16xf32, #tpu.memory_space<vmem>>
    %dma_wait3A_160 = arith.constant 0 : i32
    %dma_wait3A_161 = arith.constant 0 : i32
    %dma_wait3A_162 = tpu.memref_slice %arg6[%dma_wait3A_160, %dma_wait3A_161] : memref<1000x16xf32, #tpu.memory_space<hbm>> -> memref<128x16xf32, #tpu.memory_space<hbm>>
    %dma_wait3A_163 = arith.constant 128 : i32
    %dma_wait3A_164 = arith.constant 0 : i32
    %dma_wait3A_165 = tpu.memref_slice %arg15[%dma_wait3A_163, %dma_wait3A_164] : memref<512x16xf32, #tpu.memory_space<vmem>> -> memref<128x16xf32, #tpu.memory_space<vmem>>
    %dma_wait3A_166 = arith.constant 0 : i32
    %dma_wait3A_167 = arith.constant 0 : i32
    %dma_wait3A_168 = tpu.memref_slice %arg6[%dma_wait3A_166, %dma_wait3A_167] : memref<1000x16xf32, #tpu.memory_space<hbm>> -> memref<128x16xf32, #tpu.memory_space<hbm>>
    tpu.wait_dma2 semaphore(%arg18 : memref<!tpu.dma_semaphore, #tpu.memory_space<semaphore_mem>>) src(%dma_wait3A_168 : memref<128x16xf32, #tpu.memory_space<hbm>>) dst(%dma_wait3A_165 : memref<128x16xf32, #tpu.memory_space<vmem>>)
    %dma_wait3A_169 = arith.constant 128 : i32
    %dma_wait3A_170 = arith.constant 0 : i32
    %dma_wait3A_171 = tpu.memref_slice %arg16[%dma_wait3A_169, %dma_wait3A_170] : memref<512x16xf32, #tpu.memory_space<vmem>> -> memref<128x16xf32, #tpu.memory_space<vmem>>
    %dma_wait3A_172 = arith.constant 0 : i32
    %dma_wait3A_173 = arith.constant 0 : i32
    %dma_wait3A_174 = tpu.memref_slice %arg7[%dma_wait3A_172, %dma_wait3A_173] : memref<100x16xf32, #tpu.memory_space<hbm>> -> memref<128x16xf32, #tpu.memory_space<hbm>>
    %dma_wait3A_175 = arith.constant 128 : i32
    %dma_wait3A_176 = arith.constant 0 : i32
    %dma_wait3A_177 = tpu.memref_slice %arg16[%dma_wait3A_175, %dma_wait3A_176] : memref<512x16xf32, #tpu.memory_space<vmem>> -> memref<128x16xf32, #tpu.memory_space<vmem>>
    %dma_wait3A_178 = arith.constant 0 : i32
    %dma_wait3A_179 = arith.constant 0 : i32
    %dma_wait3A_180 = tpu.memref_slice %arg7[%dma_wait3A_178, %dma_wait3A_179] : memref<100x16xf32, #tpu.memory_space<hbm>> -> memref<128x16xf32, #tpu.memory_space<hbm>>
    tpu.wait_dma2 semaphore(%arg18 : memref<!tpu.dma_semaphore, #tpu.memory_space<semaphore_mem>>) src(%dma_wait3A_180 : memref<128x16xf32, #tpu.memory_space<hbm>>) dst(%dma_wait3A_177 : memref<128x16xf32, #tpu.memory_space<vmem>>)
    %dma_wait3A_181 = arith.constant 256 : i32
    %dma_wait3A_182 = arith.constant 0 : i32
    %dma_wait3A_183 = tpu.memref_slice %arg14[%dma_wait3A_181, %dma_wait3A_182] : memref<512x64xf32, #tpu.memory_space<vmem>> -> memref<128x64xf32, #tpu.memory_space<vmem>>
    %dma_wait3A_184 = arith.constant 0 : i32
    %dma_wait3A_185 = arith.constant 0 : i32
    %dma_wait3A_186 = tpu.memref_slice %arg5[%dma_wait3A_184, %dma_wait3A_185] : memref<1000000x64xf32, #tpu.memory_space<hbm>> -> memref<128x64xf32, #tpu.memory_space<hbm>>
    %dma_wait3A_187 = arith.constant 256 : i32
    %dma_wait3A_188 = arith.constant 0 : i32
    %dma_wait3A_189 = tpu.memref_slice %arg14[%dma_wait3A_187, %dma_wait3A_188] : memref<512x64xf32, #tpu.memory_space<vmem>> -> memref<128x64xf32, #tpu.memory_space<vmem>>
    %dma_wait3A_190 = arith.constant 0 : i32
    %dma_wait3A_191 = arith.constant 0 : i32
    %dma_wait3A_192 = tpu.memref_slice %arg5[%dma_wait3A_190, %dma_wait3A_191] : memref<1000000x64xf32, #tpu.memory_space<hbm>> -> memref<128x64xf32, #tpu.memory_space<hbm>>
    tpu.wait_dma2 semaphore(%arg18 : memref<!tpu.dma_semaphore, #tpu.memory_space<semaphore_mem>>) src(%dma_wait3A_192 : memref<128x64xf32, #tpu.memory_space<hbm>>) dst(%dma_wait3A_189 : memref<128x64xf32, #tpu.memory_space<vmem>>)
    %dma_wait3A_193 = arith.constant 256 : i32
    %dma_wait3A_194 = arith.constant 0 : i32
    %dma_wait3A_195 = tpu.memref_slice %arg15[%dma_wait3A_193, %dma_wait3A_194] : memref<512x16xf32, #tpu.memory_space<vmem>> -> memref<128x16xf32, #tpu.memory_space<vmem>>
    %dma_wait3A_196 = arith.constant 0 : i32
    %dma_wait3A_197 = arith.constant 0 : i32
    %dma_wait3A_198 = tpu.memref_slice %arg6[%dma_wait3A_196, %dma_wait3A_197] : memref<1000x16xf32, #tpu.memory_space<hbm>> -> memref<128x16xf32, #tpu.memory_space<hbm>>
    %dma_wait3A_199 = arith.constant 256 : i32
    %dma_wait3A_200 = arith.constant 0 : i32
    %dma_wait3A_201 = tpu.memref_slice %arg15[%dma_wait3A_199, %dma_wait3A_200] : memref<512x16xf32, #tpu.memory_space<vmem>> -> memref<128x16xf32, #tpu.memory_space<vmem>>
    %dma_wait3A_202 = arith.constant 0 : i32
    %dma_wait3A_203 = arith.constant 0 : i32
    %dma_wait3A_204 = tpu.memref_slice %arg6[%dma_wait3A_202, %dma_wait3A_203] : memref<1000x16xf32, #tpu.memory_space<hbm>> -> memref<128x16xf32, #tpu.memory_space<hbm>>
    tpu.wait_dma2 semaphore(%arg18 : memref<!tpu.dma_semaphore, #tpu.memory_space<semaphore_mem>>) src(%dma_wait3A_204 : memref<128x16xf32, #tpu.memory_space<hbm>>) dst(%dma_wait3A_201 : memref<128x16xf32, #tpu.memory_space<vmem>>)
    %dma_wait3A_205 = arith.constant 256 : i32
    %dma_wait3A_206 = arith.constant 0 : i32
    %dma_wait3A_207 = tpu.memref_slice %arg16[%dma_wait3A_205, %dma_wait3A_206] : memref<512x16xf32, #tpu.memory_space<vmem>> -> memref<128x16xf32, #tpu.memory_space<vmem>>
    %dma_wait3A_208 = arith.constant 0 : i32
    %dma_wait3A_209 = arith.constant 0 : i32
    %dma_wait3A_210 = tpu.memref_slice %arg7[%dma_wait3A_208, %dma_wait3A_209] : memref<100x16xf32, #tpu.memory_space<hbm>> -> memref<128x16xf32, #tpu.memory_space<hbm>>
    %dma_wait3A_211 = arith.constant 256 : i32
    %dma_wait3A_212 = arith.constant 0 : i32
    %dma_wait3A_213 = tpu.memref_slice %arg16[%dma_wait3A_211, %dma_wait3A_212] : memref<512x16xf32, #tpu.memory_space<vmem>> -> memref<128x16xf32, #tpu.memory_space<vmem>>
    %dma_wait3A_214 = arith.constant 0 : i32
    %dma_wait3A_215 = arith.constant 0 : i32
    %dma_wait3A_216 = tpu.memref_slice %arg7[%dma_wait3A_214, %dma_wait3A_215] : memref<100x16xf32, #tpu.memory_space<hbm>> -> memref<128x16xf32, #tpu.memory_space<hbm>>
    tpu.wait_dma2 semaphore(%arg18 : memref<!tpu.dma_semaphore, #tpu.memory_space<semaphore_mem>>) src(%dma_wait3A_216 : memref<128x16xf32, #tpu.memory_space<hbm>>) dst(%dma_wait3A_213 : memref<128x16xf32, #tpu.memory_space<vmem>>)
    %dma_wait3A_217 = arith.constant 384 : i32
    %dma_wait3A_218 = arith.constant 0 : i32
    %dma_wait3A_219 = tpu.memref_slice %arg14[%dma_wait3A_217, %dma_wait3A_218] : memref<512x64xf32, #tpu.memory_space<vmem>> -> memref<128x64xf32, #tpu.memory_space<vmem>>
    %dma_wait3A_220 = arith.constant 0 : i32
    %dma_wait3A_221 = arith.constant 0 : i32
    %dma_wait3A_222 = tpu.memref_slice %arg5[%dma_wait3A_220, %dma_wait3A_221] : memref<1000000x64xf32, #tpu.memory_space<hbm>> -> memref<128x64xf32, #tpu.memory_space<hbm>>
    %dma_wait3A_223 = arith.constant 384 : i32
    %dma_wait3A_224 = arith.constant 0 : i32
    %dma_wait3A_225 = tpu.memref_slice %arg14[%dma_wait3A_223, %dma_wait3A_224] : memref<512x64xf32, #tpu.memory_space<vmem>> -> memref<128x64xf32, #tpu.memory_space<vmem>>
    %dma_wait3A_226 = arith.constant 0 : i32
    %dma_wait3A_227 = arith.constant 0 : i32
    %dma_wait3A_228 = tpu.memref_slice %arg5[%dma_wait3A_226, %dma_wait3A_227] : memref<1000000x64xf32, #tpu.memory_space<hbm>> -> memref<128x64xf32, #tpu.memory_space<hbm>>
    tpu.wait_dma2 semaphore(%arg18 : memref<!tpu.dma_semaphore, #tpu.memory_space<semaphore_mem>>) src(%dma_wait3A_228 : memref<128x64xf32, #tpu.memory_space<hbm>>) dst(%dma_wait3A_225 : memref<128x64xf32, #tpu.memory_space<vmem>>)
    %dma_wait3A_229 = arith.constant 384 : i32
    %dma_wait3A_230 = arith.constant 0 : i32
    %dma_wait3A_231 = tpu.memref_slice %arg15[%dma_wait3A_229, %dma_wait3A_230] : memref<512x16xf32, #tpu.memory_space<vmem>> -> memref<128x16xf32, #tpu.memory_space<vmem>>
    %dma_wait3A_232 = arith.constant 0 : i32
    %dma_wait3A_233 = arith.constant 0 : i32
    %dma_wait3A_234 = tpu.memref_slice %arg6[%dma_wait3A_232, %dma_wait3A_233] : memref<1000x16xf32, #tpu.memory_space<hbm>> -> memref<128x16xf32, #tpu.memory_space<hbm>>
    %dma_wait3A_235 = arith.constant 384 : i32
    %dma_wait3A_236 = arith.constant 0 : i32
    %dma_wait3A_237 = tpu.memref_slice %arg15[%dma_wait3A_235, %dma_wait3A_236] : memref<512x16xf32, #tpu.memory_space<vmem>> -> memref<128x16xf32, #tpu.memory_space<vmem>>
    %dma_wait3A_238 = arith.constant 0 : i32
    %dma_wait3A_239 = arith.constant 0 : i32
    %dma_wait3A_240 = tpu.memref_slice %arg6[%dma_wait3A_238, %dma_wait3A_239] : memref<1000x16xf32, #tpu.memory_space<hbm>> -> memref<128x16xf32, #tpu.memory_space<hbm>>
    tpu.wait_dma2 semaphore(%arg18 : memref<!tpu.dma_semaphore, #tpu.memory_space<semaphore_mem>>) src(%dma_wait3A_240 : memref<128x16xf32, #tpu.memory_space<hbm>>) dst(%dma_wait3A_237 : memref<128x16xf32, #tpu.memory_space<vmem>>)
    %dma_wait3A_241 = arith.constant 384 : i32
    %dma_wait3A_242 = arith.constant 0 : i32
    %dma_wait3A_243 = tpu.memref_slice %arg16[%dma_wait3A_241, %dma_wait3A_242] : memref<512x16xf32, #tpu.memory_space<vmem>> -> memref<128x16xf32, #tpu.memory_space<vmem>>
    %dma_wait3A_244 = arith.constant 0 : i32
    %dma_wait3A_245 = arith.constant 0 : i32
    %dma_wait3A_246 = tpu.memref_slice %arg7[%dma_wait3A_244, %dma_wait3A_245] : memref<100x16xf32, #tpu.memory_space<hbm>> -> memref<128x16xf32, #tpu.memory_space<hbm>>
    %dma_wait3A_247 = arith.constant 384 : i32
    %dma_wait3A_248 = arith.constant 0 : i32
    %dma_wait3A_249 = tpu.memref_slice %arg16[%dma_wait3A_247, %dma_wait3A_248] : memref<512x16xf32, #tpu.memory_space<vmem>> -> memref<128x16xf32, #tpu.memory_space<vmem>>
    %dma_wait3A_250 = arith.constant 0 : i32
    %dma_wait3A_251 = arith.constant 0 : i32
    %dma_wait3A_252 = tpu.memref_slice %arg7[%dma_wait3A_250, %dma_wait3A_251] : memref<100x16xf32, #tpu.memory_space<hbm>> -> memref<128x16xf32, #tpu.memory_space<hbm>>
    tpu.wait_dma2 semaphore(%arg18 : memref<!tpu.dma_semaphore, #tpu.memory_space<semaphore_mem>>) src(%dma_wait3A_252 : memref<128x16xf32, #tpu.memory_space<hbm>>) dst(%dma_wait3A_249 : memref<128x16xf32, #tpu.memory_space<vmem>>)
    %dma_start3A_253 = arith.constant 0 : i32
    %dma_start3A_254 = tpu.memref_slice %arg8[%mul3A_2, %dma_start3A_253] : memref<16384x64xf32, #tpu.memory_space<hbm>> -> memref<512x64xf32, #tpu.memory_space<hbm>>
    %dma_start3A_255 = arith.constant 0 : i32
    %dma_start3A_256 = tpu.memref_slice %arg8[%mul3A_2, %dma_start3A_255] : memref<16384x64xf32, #tpu.memory_space<hbm>> -> memref<512x64xf32, #tpu.memory_space<hbm>>
    tpu.enqueue_dma source(%arg14 : memref<512x64xf32, #tpu.memory_space<vmem>>) target(%dma_start3A_256 : memref<512x64xf32, #tpu.memory_space<hbm>>) target_semaphore(%arg19 : memref<!tpu.dma_semaphore, #tpu.memory_space<semaphore_mem>>)
    %dma_start3A_257 = arith.constant 0 : i32
    %dma_start3A_258 = tpu.memref_slice %arg9[%mul3A_2, %dma_start3A_257] : memref<16384x16xf32, #tpu.memory_space<hbm>> -> memref<512x16xf32, #tpu.memory_space<hbm>>
    %dma_start3A_259 = arith.constant 0 : i32
    %dma_start3A_260 = tpu.memref_slice %arg9[%mul3A_2, %dma_start3A_259] : memref<16384x16xf32, #tpu.memory_space<hbm>> -> memref<512x16xf32, #tpu.memory_space<hbm>>
    tpu.enqueue_dma source(%arg15 : memref<512x16xf32, #tpu.memory_space<vmem>>) target(%dma_start3A_260 : memref<512x16xf32, #tpu.memory_space<hbm>>) target_semaphore(%arg19 : memref<!tpu.dma_semaphore, #tpu.memory_space<semaphore_mem>>)
    %dma_start3A_261 = arith.constant 0 : i32
    %dma_start3A_262 = tpu.memref_slice %arg10[%mul3A_2, %dma_start3A_261] : memref<16384x16xf32, #tpu.memory_space<hbm>> -> memref<512x16xf32, #tpu.memory_space<hbm>>
    %dma_start3A_263 = arith.constant 0 : i32
    %dma_start3A_264 = tpu.memref_slice %arg10[%mul3A_2, %dma_start3A_263] : memref<16384x16xf32, #tpu.memory_space<hbm>> -> memref<512x16xf32, #tpu.memory_space<hbm>>
    tpu.enqueue_dma source(%arg16 : memref<512x16xf32, #tpu.memory_space<vmem>>) target(%dma_start3A_264 : memref<512x16xf32, #tpu.memory_space<hbm>>) target_semaphore(%arg19 : memref<!tpu.dma_semaphore, #tpu.memory_space<semaphore_mem>>)
    %dma_wait3A_265 = arith.constant 0 : i32
    %dma_wait3A_266 = tpu.memref_slice %arg8[%mul3A_2, %dma_wait3A_265] : memref<16384x64xf32, #tpu.memory_space<hbm>> -> memref<512x64xf32, #tpu.memory_space<hbm>>
    %dma_wait3A_267 = arith.constant 0 : i32
    %dma_wait3A_268 = tpu.memref_slice %arg8[%mul3A_2, %dma_wait3A_267] : memref<16384x64xf32, #tpu.memory_space<hbm>> -> memref<512x64xf32, #tpu.memory_space<hbm>>
    tpu.wait_dma2 semaphore(%arg19 : memref<!tpu.dma_semaphore, #tpu.memory_space<semaphore_mem>>) src(%arg14 : memref<512x64xf32, #tpu.memory_space<vmem>>) dst(%dma_wait3A_268 : memref<512x64xf32, #tpu.memory_space<hbm>>)
    %dma_wait3A_269 = arith.constant 0 : i32
    %dma_wait3A_270 = tpu.memref_slice %arg9[%mul3A_2, %dma_wait3A_269] : memref<16384x16xf32, #tpu.memory_space<hbm>> -> memref<512x16xf32, #tpu.memory_space<hbm>>
    %dma_wait3A_271 = arith.constant 0 : i32
    %dma_wait3A_272 = tpu.memref_slice %arg9[%mul3A_2, %dma_wait3A_271] : memref<16384x16xf32, #tpu.memory_space<hbm>> -> memref<512x16xf32, #tpu.memory_space<hbm>>
    tpu.wait_dma2 semaphore(%arg19 : memref<!tpu.dma_semaphore, #tpu.memory_space<semaphore_mem>>) src(%arg15 : memref<512x16xf32, #tpu.memory_space<vmem>>) dst(%dma_wait3A_272 : memref<512x16xf32, #tpu.memory_space<hbm>>)
    %dma_wait3A_273 = arith.constant 0 : i32
    %dma_wait3A_274 = tpu.memref_slice %arg10[%mul3A_2, %dma_wait3A_273] : memref<16384x16xf32, #tpu.memory_space<hbm>> -> memref<512x16xf32, #tpu.memory_space<hbm>>
    %dma_wait3A_275 = arith.constant 0 : i32
    %dma_wait3A_276 = tpu.memref_slice %arg10[%mul3A_2, %dma_wait3A_275] : memref<16384x16xf32, #tpu.memory_space<hbm>> -> memref<512x16xf32, #tpu.memory_space<hbm>>
    tpu.wait_dma2 semaphore(%arg19 : memref<!tpu.dma_semaphore, #tpu.memory_space<semaphore_mem>>) src(%arg16 : memref<512x16xf32, #tpu.memory_space<vmem>>) dst(%dma_wait3A_276 : memref<512x16xf32, #tpu.memory_space<hbm>>)
    return
  }
}

module attributes {stable_mosaic.version = 14 : i64} {
  func.func @body(%arg0: i32, %arg1: memref<1024x64xf32, #tpu.memory_space<vmem>>, %arg2: memref<1024x16xf32, #tpu.memory_space<vmem>>, %arg3: memref<1024x16xf32, #tpu.memory_space<vmem>>, %arg4: memref<1024x64xf32, #tpu.memory_space<vmem>>, %arg5: memref<160x128xf32, #tpu.memory_space<vmem>>, %arg6: memref<1x128xf32, #tpu.memory_space<vmem>>, %arg7: memref<1024x128xf32, #tpu.memory_space<vmem>>) attributes {dimension_semantics = [#tpu.dimension_semantics<arbitrary>], iteration_bounds = array<i64: 16>, scalar_prefetch = 0 : i64, scratch_operands = 0 : i64, tpu.core_type = #tpu.core_type<tc>, window_params = [{transform_indices = @transform_0, window_bounds = array<i64: 1024, 64>}, {transform_indices = @transform_1, window_bounds = array<i64: 1024, 16>}, {transform_indices = @transform_2, window_bounds = array<i64: 1024, 16>}, {transform_indices = @transform_3, window_bounds = array<i64: 1024, 64>}, {pipeline_mode = #tpu.pipeline_mode<synchronous>, transform_indices = @transform_4, window_bounds = array<i64: 160, 128>}, {pipeline_mode = #tpu.pipeline_mode<synchronous>, transform_indices = @transform_5, window_bounds = array<i64: 1, 128>}, {transform_indices = @transform_6, window_bounds = array<i64: 1024, 128>}]} {
    %get3A = arith.constant 0 : index
    %get3A_0 = arith.constant 0 : index
    %get3A_1 = vector.load %arg1[%get3A, %get3A_0] : memref<1024x64xf32, #tpu.memory_space<vmem>>, vector<1024x64xf32>
    %get3A_2 = arith.constant 0 : index
    %get3A_3 = arith.constant 0 : index
    %get3A_4 = vector.load %arg2[%get3A_2, %get3A_3] : memref<1024x16xf32, #tpu.memory_space<vmem>>, vector<1024x16xf32>
    %get3A_5 = arith.constant 0 : index
    %get3A_6 = arith.constant 0 : index
    %get3A_7 = vector.load %arg3[%get3A_5, %get3A_6] : memref<1024x16xf32, #tpu.memory_space<vmem>>, vector<1024x16xf32>
    %get3A_8 = arith.constant 0 : index
    %get3A_9 = arith.constant 0 : index
    %get3A_10 = vector.load %arg4[%get3A_8, %get3A_9] : memref<1024x64xf32, #tpu.memory_space<vmem>>, vector<1024x64xf32>
    %concatenate3A = tpu.concatenate %get3A_1, %get3A_4, %get3A_7, %get3A_10 in 1 : vector<1024x64xf32>, vector<1024x16xf32>, vector<1024x16xf32>, vector<1024x64xf32> -> vector<1024x160xf32>
    %get3A_11 = arith.constant 0 : index
    %get3A_12 = arith.constant 0 : index
    %get3A_13 = vector.load %arg5[%get3A_11, %get3A_12] : memref<160x128xf32, #tpu.memory_space<vmem>>, vector<160x128xf32>
    %dot_general3A = arith.constant dense<0.000000e+00> : vector<1024x128xf32>
    %dot_general3A_14 = tpu.matmul %concatenate3A, %get3A_13, %dot_general3A {dimension_numbers = #tpu.dot_dimension_numbers<[1], [0], [0], [1], [0, 0, 1, 1], [], []>, transpose_lhs_hint = false} : vector<1024x160xf32>, vector<160x128xf32>, vector<1024x128xf32> -> vector<1024x128xf32>
    %get3A_15 = arith.constant 0 : index
    %get3A_16 = arith.constant 0 : index
    %get3A_17 = vector.load %arg6[%get3A_15, %get3A_16] : memref<1x128xf32, #tpu.memory_space<vmem>>, vector<1x128xf32>
    %add3A = vector.broadcast %get3A_17 : vector<1x128xf32> to vector<1024x128xf32>
    %add3A_18 = arith.addf %dot_general3A_14, %add3A : vector<1024x128xf32>
    %max3A = arith.constant 0.000000e+00 : f32
    %max3A_19 = vector.broadcast %max3A : f32 to vector<1024x128xf32>
    %max3A_20 = arith.maximumf %add3A_18, %max3A_19 : vector<1024x128xf32>
    %swap3A = arith.constant 0 : index
    %swap3A_21 = arith.constant 0 : index
    %swap3A_22 = vector.load %arg7[%swap3A, %swap3A_21] : memref<1024x128xf32, #tpu.memory_space<vmem>>, vector<1024x128xf32>
    tpu.vector_store %arg7[%swap3A, %swap3A_21], %max3A_20 {strides = array<i32>} : memref<1024x128xf32, #tpu.memory_space<vmem>>, vector<1024x128xf32>,
    return
  }
  func.func @transform_0(%arg0: i32) -> (i32, i32) {
    %c0_i32 = arith.constant 0 : i32
    %c0_i32_0 = arith.constant 0 : i32
    return %arg0, %c0_i32 : i32, i32
  }
  func.func @transform_1(%arg0: i32) -> (i32, i32) {
    %c0_i32 = arith.constant 0 : i32
    %c0_i32_0 = arith.constant 0 : i32
    return %arg0, %c0_i32 : i32, i32
  }
  func.func @transform_2(%arg0: i32) -> (i32, i32) {
    %c0_i32 = arith.constant 0 : i32
    %c0_i32_0 = arith.constant 0 : i32
    return %arg0, %c0_i32 : i32, i32
  }
  func.func @transform_3(%arg0: i32) -> (i32, i32) {
    %c0_i32 = arith.constant 0 : i32
    %c0_i32_0 = arith.constant 0 : i32
    return %arg0, %c0_i32 : i32, i32
  }
  func.func @transform_4(%arg0: i32) -> (i32, i32) {
    %c0_i32 = arith.constant 0 : i32
    %c0_i32_0 = arith.constant 0 : i32
    %c0_i32_1 = arith.constant 0 : i32
    return %c0_i32, %c0_i32_0 : i32, i32
  }
  func.func @transform_5(%arg0: i32) -> (i32, i32) {
    %c0_i32 = arith.constant 0 : i32
    %c0_i32_0 = arith.constant 0 : i32
    %c0_i32_1 = arith.constant 0 : i32
    return %c0_i32, %c0_i32_0 : i32, i32
  }
  func.func @transform_6(%arg0: i32) -> (i32, i32) {
    %c0_i32 = arith.constant 0 : i32
    %c0_i32_0 = arith.constant 0 : i32
    return %arg0, %c0_i32 : i32, i32
  }
}

</mosaic_0001>

<sc_bundles>
// kernel: kernel.5.cloned.1.call-start
scs
__scs_entry_jumppad:
0x0: {  	(pc) =	sbr.rel $0x88, $3  }
0x1: {  	(tag) =	ssettag $0x0;
	lr =	simm.s32 $0x1  }
0x2: {  	[smem:$0x3F97] =	sst lr;
	_ =	strace $0xD0000000  }
0x3: {  	_ = 	snop  }
0x4: {  	_ = 	snop  }
0x5: {  	_ = 	snop  }
0x6: {  	_ = 	snop  }
0x7: {  	_ = 	snop  }
__scs_overlays_trampoline_lowered:
0x8: {  	[smem:$0x3FA6] =	sst s0  }
0x9: {  	[smem:$0x3FA7] =	sst s1  }
0xa: {  	[smem:$0x3FA8] =	sst s2  }
0xb: {  	[smem:$0x3FA9] =	sst s3  }
0xc: {  	[smem:$0x3FAA] =	sst s4  }
0xd: {  	[smem:$0x3FAB] =	sst s5  }
0xe: {  	[smem:$0x3FAC] =	sst s6  }
0xf: {  	[smem:$0x3FAD] =	sst s7  }
0x10: {  	[smem:$0x3FAE] =	sst s8  }
0x11: {  	[smem:$0x3FAF] =	sst s9;
	s0 =	simm.s32 @!p0 $0x0  }
0x12: {  	s1 =	sld [smem:$0x3F95];
	s0 =	simm.s32 @p0 $0x1  }
0x13: {  	[smem:$0x3FB0] =	sst s0;
	s0 =	simm.s32 @!p1 $0x0  }
0x14: {  	s2 =	sld [smem:$0x3F94];
	s0 =	simm.s32 @p1 $0x1  }
0x15: {  	[smem:$0x3FB1] =	sst s0;
	s0 =	simm.s32 @!p2 $0x0  }
0x16: {  	s3 =	sld [smem:$0x3FDB];
	s0 =	simm.s32 @p2 $0x1  }
0x17: {  	s4 =	simm.s32 $0x1BF5;
	[smem:$0x3FB3] =	sst s0  }
0x18: {  	s0 =	sld [smem:$0x3F96];
	_ =	swait.ge [sflag:s4], $0x0  }
0x19: {  	s7 =	sld [smem:$0x3F97]  }
0x1a: {  	s8 =	sadd.s32 $0xFFFFE003, lr  }
0x1b: {  	s9 =	sadd.s32 $0xFFFFFEF7, lr;
	s5 =	simm.s32 $0xFFFFFFFF;
	p2 =	slt.u32 s8, $0xFFFFF086  }
0x1c: {  	p1 =	slt.u32 s9, $0xF7A;
	s5 =	simm.s32 @!p2 $0x0  }
0x1d: {  	s5 =	simm.s32 @p1 $0x1;
	p0 =	seq.s32 s7, s2  }
0x1e: {  	s7 =	smul.u32 @!p0 $0xF7A, s2;
	p2 =	seq.s32 @!p0 s5, $0x0  }
0x1f: {  	s9 =	smul.u32 $0xF7A, s1;
	s8 =	simm.s32 @!p0 $0x1BF5;
	p2 =	por !p2, p0  }
0x20: {  	[sflag:s8] =	ssyncset.s32 @!p0 $0xFFFFF086;
	s6 =	sadd.s32 @!p0 s3, s7;
	s7 =	simm.s32 @!p0 $0x108  }
0x21: {  	s3 =	sadd.s32 s3, s9;
	s6 =	sadd.s32 @!p0 $0x88, s6;
	s7 =	simm.s32 @p2 $0x1082  }
0x22: {  	[simem:s7], [sflag:s8] =	dma.local @!p0 [hbm:s6], $0xF7A  }
0x23: {  	s9 =	sor.u32 $0xD0000000, s2;
	s6 =	simm.s32 $0x108;
	_ =	swait.ge @!p0 [sflag:s8], $0x0  }
0x24: {  	s3 =	sadd.s32 $0x88, s3;
	s6 =	simm.s32 @!p1 $0x1082;
	[sflag:s4] =	ssyncset.s32 $0xFFFFF086  }
0x25: {  	[simem:s6], [sflag:s4] =	dma.local [hbm:s3], $0xF7A  }
0x26: {  	[smem:$0x3F97] =	sst s1;
	(tag) =	ssettag s2;
	_ =	strace s9  }
0x27: {  	s1 =	sld [smem:$0x3FA7]  }
0x28: {  	s2 =	sld [smem:$0x3FA8]  }
0x29: {  	s4 =	sld [smem:$0x3FAA]  }
0x2a: {  	p0 =	seq.s32 s5, $0x0;
	s5 =	sld [smem:$0x3FAB]  }
0x2b: {  	s6 =	sld [smem:$0x3FAC]  }
0x2c: {  	s7 =	sld [smem:$0x3FAD]  }
0x2d: {  	s3 =	simm.s32 $0x108;
	s8 =	sld [smem:$0x3FAE]  }
0x2e: {  	s3 =	simm.s32 @!p0 $0x1082;
	s9 =	sld [smem:$0x3FAF]  }
0x2f: {  	lr =	sadd.s32 s0, s3;
	s0 =	sld [smem:$0x3FA6]  }
0x30: {  	s3 =	sld [smem:$0x3FA9]  }
0x31: {  	[smem:$0x3FB2] =	sst s10  }
0x32: {  	s10 =	sld [smem:$0x3FB0];
	_ =	sdelay $0x3  }
0x33: {  	p0 =	seq.s32 s10, $0x1;
	s10 =	sld [smem:$0x3FB2];
	_ =	sdelay $0x3  }
0x34: {  	[smem:$0x3FB2] =	sst s10  }
0x35: {  	s10 =	sld [smem:$0x3FB1];
	_ =	sdelay $0x3  }
0x36: {  	p1 =	seq.s32 s10, $0x1;
	s10 =	sld [smem:$0x3FB2];
	_ =	sdelay $0x3  }
0x37: {  	[smem:$0x3FB2] =	sst s10  }
0x38: {  	s10 =	sld [smem:$0x3FB3]  }
0x39: {  	_ = 	snop;
	(pc) =	sbr.ind lr, $3  }
0x3a: {  	_ = 	snop  }
0x3b: {  	_ = 	snop  }
0x3c: {  	p2 =	seq.s32 s10, $0x1;
	s10 =	sld [smem:$0x3FB2]  }
0x3d: {  	_ =	shalt  }
0x3e: {  	_ =	shalt  }
0x3f: {  	_ =	shalt  }
0x40: {  	_ =	shalt  }
0x41: {  	_ =	shalt  }
0x42: {  	_ =	shalt  }
0x43: {  	_ =	shalt  }
0x44: {  	_ =	shalt  }
0x45: {  	_ =	shalt  }
0x46: {  	_ =	shalt  }
0x47: {  	_ =	shalt  }
0x48: {  	_ =	shalt  }
0x49: {  	_ =	shalt  }
0x4a: {  	_ =	shalt  }
0x4b: {  	_ =	shalt  }
0x4c: {  	_ =	shalt  }
0x4d: {  	_ =	shalt  }
0x4e: {  	_ =	shalt  }
0x4f: {  	_ =	shalt  }
0x50: {  	_ =	shalt  }
0x51: {  	_ =	shalt  }
0x52: {  	_ =	shalt  }
0x53: {  	_ =	shalt  }
0x54: {  	_ =	shalt  }
0x55: {  	_ =	shalt  }
0x56: {  	_ =	shalt  }
0x57: {  	_ =	shalt  }
0x58: {  	_ =	shalt  }
0x59: {  	_ =	shalt  }
0x5a: {  	_ =	shalt  }
0x5b: {  	_ =	shalt  }
0x5c: {  	_ =	shalt  }
0x5d: {  	_ =	shalt  }
0x5e: {  	_ =	shalt  }
0x5f: {  	_ =	shalt  }
0x60: {  	_ =	shalt  }
0x61: {  	_ =	shalt  }
0x62: {  	_ =	shalt  }
0x63: {  	_ =	shalt  }
0x64: {  	_ =	shalt  }
0x65: {  	_ =	shalt  }
0x66: {  	_ =	shalt  }
0x67: {  	_ =	shalt  }
0x68: {  	_ =	shalt  }
0x69: {  	_ =	shalt  }
0x6a: {  	_ =	shalt  }
0x6b: {  	_ =	shalt  }
0x6c: {  	_ =	shalt  }
0x6d: {  	_ =	shalt  }
0x6e: {  	_ =	shalt  }
0x6f: {  	_ =	shalt  }
0x70: {  	_ =	shalt  }
0x71: {  	_ =	shalt  }
0x72: {  	_ =	shalt  }
0x73: {  	_ =	shalt  }
0x74: {  	_ =	shalt  }
0x75: {  	_ =	shalt  }
0x76: {  	_ =	shalt  }
0x77: {  	_ =	shalt  }
0x78: {  	_ =	shalt  }
0x79: {  	_ =	shalt  }
0x7a: {  	_ =	shalt  }
0x7b: {  	_ =	shalt  }
0x7c: {  	_ =	shalt  }
0x7d: {  	_ =	shalt  }
0x7e: {  	_ =	shalt  }
0x7f: {  	_ =	shalt  }
0x80: {  	_ =	shalt  }
0x81: {  	_ =	shalt  }
0x82: {  	_ =	shalt  }
0x83: {  	_ =	shalt  }
0x84: {  	_ =	shalt  }
0x85: {  	_ =	shalt  }
0x86: {  	_ =	shalt  }
0x87: {  	_ =	shalt  }
.Lfunc_end0:
.L_simem_size_0:
called_computation_lowered:
.L_overlay_start_0:
0x88: {  	s2 =	sld [smem:$0x3FD9]  }
0x89: {  	s3 =	sld [smem:$0x3FFE];
	_ =	sdelay $0x1  }
0x8a: {  	s1 =	srdreg.scid  }
0x8b: {  	s0 =	sand.u32 $0x1, s1  }
0x8c: {  	s17 =	sshll.u32 s0, $0xA;
	s2 =	sadd.s32 s3, s2  }
0x8d: {  	s2 =	sadd.s32 s2, s17  }
0x8e: {  	[smem:$0x3FBE] =	sst s2  }
0x8f: {  	_ = 	snop  }
0x90: {  	s2 =	sld [smem:$0x3FC9]  }
0x91: {  	s18 =	sld [smem:$0x3FC8]  }
0x92: {  	s4 =	sld [smem:$0x3FC7];
	(tm) =	ssettm $0x1  }
0x93: {  	s5 =	sld [smem:$0x3FFB];
	_ =	sdelay $0x3  }
0x94: {  	_ =	strace s5  }
0x95: {  	s5 =	sld [smem:$0x3FFC];
	_ =	sdelay $0x3  }
0x96: {  	_ =	strace s5  }
0x97: {  	s5 =	sld [smem:$0x3FFD];
	_ =	sdelay $0x3  }
0x98: {  	_ =	strace s5  }
0x99: {  	_ =	strace $0x8FFFFFFF  }
0x9a: {  	s19 =	sld [smem:$0x3FDB];
	_ =	sdelay $0x1  }
0x9b: {  	s6 =	simm.s32 $_scs_section_size  }
0x9c: {  	s7 =	simm.s32 $_size__tile_overlayer_lowered;
	s8 =	simm.s32 $_tile_overlayer_lowered  }
0x9d: {  	s22 =	simm.s32 $0x1BFF;
	s21 =	sshll.u32 s8, $0x1;
	s5 =	sadd.s32 s6, s19  }
0x9e: {  	s9 =	simm.s32 $0x0;
	s20 =	sshll.u32 s7, $0x1;
	s7 =	sadd.s32 s21, s5  }
0x9f: {  	[timem:s9], [sflag:s22] =	dma.local [hbm:s7], s20  }
0xa0: {  	_ =	swait.ge [sflag:s22], s20  }
0xa1: {  	s6 =	ssub.s32 $0x0, s20;
	[sflag:s22] =	ssyncset.done $0x0  }
0xa2: {  	[sflag:s22] =	ssyncadd.s32 s6;
	_ =	sdelay $0x1  }
0xa3: {  	s23 =	simm.s32 $0x1B8B  }
0xa4: {  	_ =	swait.ge [sflag:s23], $0x1  }
0xa5: {  	[sflag:s23] =	ssyncset.done $0x0  }
0xa6: {  	s25 =	simm.s32 $0x1B8E;
	s24 =	sld [smem:$0x3FFE];
	[sflag:s23] =	ssyncadd.s32 $0xFFFFFFFF  }
0xa7: {  	s26 =	simm.s32 $execute0_lowered;
	[smem:$0x3FD2] =	sst s25  }
0xa8: {  	s7 =	sshll.u32 s26, $0x1;
	_ =	strace $0x80000046;
	[dreg:$0x1] =	wrdreg $0xFFFFFFFF  }
0xa9: {  	s28 =	simm.s32 $_size_execute0_lowered;
	s5 =	sadd.s32 s5, s7;
	[dreg:$0x0] =	wrdreg $0x0  }
0xaa: {  	s7 =	sshll.u32 s28, $0x1;
	[dreg:$0x2] =	wrdreg s5  }
0xab: {  	[dreg:$0x3] =	wrdreg s7  }
0xac: {  	[dreg:$0x4] =	wrdreg $0xC0  }
0xad: {  	_ =	task [dreg:s9], $0x5FFFF  }
0xae: {  	[dreg:$0x1] =	wrdreg $0xFFFFFFFF  }
0xaf: {  	[dreg:$0x0] =	wrdreg $0x60  }
0xb0: {  	[dreg:$0x2] =	wrdreg s2  }
0xb1: {  	[dreg:$0x3] =	wrdreg s18  }
0xb2: {  	[dreg:$0x4] =	wrdreg s4  }
0xb3: {  	[dreg:$0x5] =	wrdreg s24  }
0xb4: {  	[dreg:$0x6] =	wrdreg $0x9  }
0xb5: {  	_ =	task.clear_ibuf [dreg:s9], $0x7FFFF;
	_ =	strace $0x90000046  }
0xb6: {  	s29 =	simm.s32 $0x9;
	_ =	strace $0x80000048  }
0xb7: {  	_ =	swait.ge [sflag:s29], $0x1  }
0xb8: {  	[sflag:s29] =	ssyncadd.s32 $0xFFFFFFFF  }
0xb9: {  	_ =	strace $0x90000048  }
0xba: {  	_ =	sfence  }
0xbb: {  	s30 =	sld [smem:$0x0];
	_ =	sdelay $0x2  }
0xbc: {  	s31 =	sshll.u32 s1, $0xD;
	s1 =	sshrl.u32 s1, $0x2  }
0xbd: {  	s3 =	sand.u32 $0x4000, s31;
	s1 =	sadd.s32 s1, s30  }
0xbe: {  	s0 =	sor.u32 s3, s0;
	s1 =	sshll.u32 s1, $0x11  }
0xbf: {  	s0 =	sor.u32 s1, s0  }
0xc0: {  	s0 =	sadd.s32 $0x8F2B, s0  }
0xc1: {  	[sflag:s0] =	ssyncadd.remote.s32 $0x1  }
0xc2: {  	_ =	sfence.sel $0xFFFF  }
0xc3: {  	[dreg:$0x0] =	wrdreg $0xFFFFFFFF;
	(pc) =	sbr.abs _section_cstart, $3  }
0xc4: {  	[dreg:$0x1] =	wrdreg $0xFFFFFFFF  }
0xc5: {  	_ =	task.clear_ibuf [dreg:s9], $0x2FFFF;
	_ =	strace $0x9FFFFFFF  }
0xc6: {  	(tm) =	ssettm $0x7FFFFFFF  }
0xc7: {  	_ =	shalt  }
tec
execute0_lowered:
.L_overlay_start_1:
0x0: {  	(tag) =	ssettag $0x1  }
0x1: {  	s0 =	rddreg [dreg:$0x0]  }
0x2: {  	s1 =	rddreg [dreg:$0x1]  }
0x3: {  	s3 =	rddreg [dreg:$0x2]  }
0x4: {  	s4 =	rddreg [dreg:$0x3]  }
0x5: {  	s15 =	rddreg [dreg:$0x4];
	s5 =	srdreg.scid  }
0x6: {  	s2 =	simm.s32 $0x0;
	s6 =	stileid.u32;
	s17 =	simm.s32 $0x8E00  }
0x7: {  	s18 =	simm.s32 $0x480;
	s19 =	simm.s32 $0xAE00;
	s20 =	simm.s32 $0x100  }
0x8: {  	s21 =	simm.s32 $0x4600;
	s22 =	simm.s32 $0x300;
	s23 =	simm.s32 $0x9600  }
0x9: {  	s24 =	simm.s32 $0x500;
	s28 =	simm.s32 $0x6600;
	p0 =	por $0x0, $0x0  }
0xa: {  	s29 =	simm.s32 $0x380;
	s30 =	simm.s32 $0x9E00;
	s31 =	simm.s32 $0x580  }
0xb: {  	s5 =	sand.u32 $0x1, s5;
	[smem:$0x7FF] =	sst s2;
	s7 =	sshll.u32 s6, $0xA  }
0xc: {  	s6 =	sadd.s32 $0xF43E00, s4;
	s9 =	sadd.s32 $0x2200, s4;
	s8 =	sshll.u32 s5, $0x9  }
0xd: {  	_ =	strace $0x80000047;
	s8 =	sor.u32 s8, s7;
	s7 =	sadd.s32 $0x1A00, s4  }
0xe: {  	s10 =	sshll.u32 s8, $0x3;
	s11 =	sshrl.u32 s8, $0x3;
	s8 =	sshll.u32 s8, $0x1  }
0xf: {  	s10 =	sadd.s32 s10, s4;
	s0 =	sadd.s32 s0, s11;
	s25 =	sadd.s32 s1, s11  }
0x10: {  	s26 =	sadd.s32 s8, s4;
	s4 =	sadd.s32 s3, s11;
	[dreg:$0x5] =	wrdreg s0  }
0x11: {  	s8 =	ssub.s32 $0x2, s5;
	s5 =	simm.s32 $0xA600;
	[dreg:$0x6] =	wrdreg s25  }
0x12: {  	[dreg:$0x7] =	wrdreg s4;
	s11 =	sadd.s32 $0x12400, s10;
	s12 =	sshrl.u32 s8, $0x1  }
0x13: {  	s13 =	sadd.s32 $0xA400, s26;
	s14 =	sadd.s32 $0x2400, s26;
	s3 =	ssub.s32 s8, s12  }
0x14: {  	s4 =	simm.s32 $0x600;
	s26 =	simm.s32 $0x2600;
	s16 =	smax.u32 s3, $0x1  }
0x15: {  	s25 =	simm.s32 $0xB600;
	[dreg:$0x8] =	wrdreg s11;
	p1 =	sne.s32 s16, $0x1  }
.Ltmp0:
0x16: {  	s10 =	simm.s32 $0x2;
	[dreg:$0x9] =	wrdreg s13;
	(pc) =	sbr.rel @!p1 .LBB2_1-.Ltmp0, $4  }
0x17: {  	[dreg:$0xa] =	wrdreg s14;
	s13 =	simm.s32 $0x200;
	s12 =	simm.s32 $0x400  }
0x18: {  	s14 =	simm.s32 $0x1;
	s11 =	simm.s32 $0x80;
	[dreg:$0xb] =	wrdreg s26  }
0x19: {  	s26 =	simm.s32 $0x180;
	s8 =	simm.s32 $0x3;
	s1 =	rddreg [dreg:$0x5]  }
0x1a: {  	s3 =	simm.s32 $0x8600;
	s0 =	sadd.s32 $0xFFFFFFFF, s16;
	s16 =	simm.s32 $0xBE00  }
0x1b: {  	[tilespmem:s2], [sflag:$0x1] =	stream.linear.gather [hbm4b:s1+s2], $0x200, $0x38;
	[tilespmem:$0xC600] =	vst v63  }
0x1c: {  	s15 =	smov.u32 s0;
	s0 =	rddreg [dreg:$0x6]  }
0x1d: {  	[tilespmem:s13], [sflag:$0x1] =	stream.linear.gather [hbm4b:s0+s2], $0x200, $0x38;
	[tilespmem:$0xC600] =	vst v63  }
0x1e: {  	s1 =	rddreg [dreg:$0x7]  }
0x1f: {  	[tilespmem:s12], [sflag:$0x1] =	stream.linear.gather [hbm4b:s1+s2], $0x200, $0x38;
	[tilespmem:$0xC600] =	vst v63  }
0x20: {  	_ =	swait.ge [sflag:s14], $0x200  }
0x21: {  	[sflag:s14] =	ssyncset.done $0x0  }
0x22: {  	[sflag:s14] =	ssyncadd.s32 $0xFFFFFE00  }
0x23: {  	_ =	swait.ge [sflag:s14], $0x200  }
0x24: {  	[sflag:s14] =	ssyncset.done $0x0  }
0x25: {  	[sflag:s14] =	ssyncadd.s32 $0xFFFFFE00  }
0x26: {  	_ =	swait.ge [sflag:s14], $0x200  }
0x27: {  	[sflag:s14] =	ssyncset.done $0x0  }
0x28: {  	[sflag:s14] =	ssyncadd.s32 $0xFFFFFE00  }
0x29: {  	[tilespmem:s4], [sflag:$0x2] =	stream.indirect.gather [hbm4b:s6+s11], $0x40, s2, s11, $0xb8;
	[tilespmem:$0xC600] =	vst v63  }
0x2a: {  	_ = 	snop  }
0x2b: {  	[tilespmem:s3], [sflag:$0x2] =	stream.indirect.gather [hbm4b:s7+s11], $0x10, s13, s11, $0xb8;
	[tilespmem:$0xC600] =	vst v63  }
0x2c: {  	_ = 	snop  }
0x2d: {  	[tilespmem:s5], [sflag:$0x2] =	stream.indirect.gather [hbm4b:s9+s11], $0x10, s12, s11, $0xb8;
	[tilespmem:$0xC600] =	vst v63  }
0x2e: {  	s1 =	rddreg [dreg:$0xb]  }
0x2f: {  	[tilespmem:s1], [sflag:$0x2] =	stream.indirect.gather [hbm4b:s6+s11], $0x40, s11, s11, $0xb8;
	[tilespmem:$0xC600] =	vst v63  }
0x30: {  	s1 =	simm.s32 $0x280  }
0x31: {  	[tilespmem:s17], [sflag:$0x2] =	stream.indirect.gather [hbm4b:s7+s11], $0x10, s1, s11, $0xb8;
	[tilespmem:$0xC600] =	vst v63  }
0x32: {  	_ = 	snop  }
0x33: {  	[tilespmem:s19], [sflag:$0x2] =	stream.indirect.gather [hbm4b:s9+s11], $0x10, s18, s11, $0xb8;
	[tilespmem:$0xC600] =	vst v63  }
0x34: {  	_ = 	snop  }
0x35: {  	[tilespmem:s21], [sflag:$0x2] =	stream.indirect.gather [hbm4b:s6+s11], $0x40, s20, s11, $0xb8;
	[tilespmem:$0xC600] =	vst v63  }
0x36: {  	_ = 	snop  }
0x37: {  	[tilespmem:s23], [sflag:$0x2] =	stream.indirect.gather [hbm4b:s7+s11], $0x10, s22, s11, $0xb8;
	[tilespmem:$0xC600] =	vst v63  }
0x38: {  	_ = 	snop  }
0x39: {  	[tilespmem:s25], [sflag:$0x2] =	stream.indirect.gather [hbm4b:s9+s11], $0x10, s24, s11, $0xb8;
	[tilespmem:$0xC600] =	vst v63  }
0x3a: {  	_ = 	snop  }
0x3b: {  	[tilespmem:s28], [sflag:$0x2] =	stream.indirect.gather [hbm4b:s6+s11], $0x40, s26, s11, $0xb8;
	[tilespmem:$0xC600] =	vst v63  }
0x3c: {  	_ = 	snop  }
0x3d: {  	[tilespmem:s30], [sflag:$0x2] =	stream.indirect.gather [hbm4b:s7+s11], $0x10, s29, s11, $0xb8;
	[tilespmem:$0xC600] =	vst v63  }
0x3e: {  	_ = 	snop  }
0x3f: {  	[tilespmem:s16], [sflag:$0x2] =	stream.indirect.gather [hbm4b:s9+s11], $0x10, s31, s11, $0xb8;
	[tilespmem:$0xC600] =	vst v63  }
0x40: {  	_ =	swait.ge [sflag:s10], $0x2000  }
0x41: {  	[sflag:s10] =	ssyncset.done $0x0  }
0x42: {  	[sflag:s10] =	ssyncadd.s32 $0xFFFFE000  }
0x43: {  	_ =	swait.ge [sflag:s10], $0x800  }
0x44: {  	[sflag:s10] =	ssyncset.done $0x0  }
0x45: {  	[sflag:s10] =	ssyncadd.s32 $0xFFFFF800  }
0x46: {  	_ =	swait.ge [sflag:s10], $0x800  }
0x47: {  	[sflag:s10] =	ssyncset.done $0x0  }
0x48: {  	[sflag:s10] =	ssyncadd.s32 $0xFFFFF800  }
0x49: {  	_ =	swait.ge [sflag:s10], $0x2000  }
0x4a: {  	[sflag:s10] =	ssyncset.done $0x0  }
0x4b: {  	[sflag:s10] =	ssyncadd.s32 $0xFFFFE000  }
0x4c: {  	_ =	swait.ge [sflag:s10], $0x800  }
0x4d: {  	[sflag:s10] =	ssyncset.done $0x0  }
0x4e: {  	[sflag:s10] =	ssyncadd.s32 $0xFFFFF800  }
0x4f: {  	_ =	swait.ge [sflag:s10], $0x800  }
0x50: {  	[sflag:s10] =	ssyncset.done $0x0  }
0x51: {  	[sflag:s10] =	ssyncadd.s32 $0xFFFFF800  }
0x52: {  	_ =	swait.ge [sflag:s10], $0x2000  }
0x53: {  	[sflag:s10] =	ssyncset.done $0x0  }
0x54: {  	[sflag:s10] =	ssyncadd.s32 $0xFFFFE000  }
0x55: {  	_ =	swait.ge [sflag:s10], $0x800  }
0x56: {  	[sflag:s10] =	ssyncset.done $0x0  }
0x57: {  	[sflag:s10] =	ssyncadd.s32 $0xFFFFF800  }
0x58: {  	_ =	swait.ge [sflag:s10], $0x800  }
0x59: {  	[sflag:s10] =	ssyncset.done $0x0  }
0x5a: {  	[sflag:s10] =	ssyncadd.s32 $0xFFFFF800  }
0x5b: {  	_ =	swait.ge [sflag:s10], $0x2000  }
0x5c: {  	[sflag:s10] =	ssyncset.done $0x0  }
0x5d: {  	[sflag:s10] =	ssyncadd.s32 $0xFFFFE000  }
0x5e: {  	_ =	swait.ge [sflag:s10], $0x800  }
0x5f: {  	[sflag:s10] =	ssyncset.done $0x0  }
0x60: {  	[sflag:s10] =	ssyncadd.s32 $0xFFFFF800  }
0x61: {  	_ =	swait.ge [sflag:s10], $0x800  }
0x62: {  	[sflag:s10] =	ssyncset.done $0x0  }
0x63: {  	s0 =	rddreg [dreg:$0x8];
	[sflag:s10] =	ssyncadd.s32 $0xFFFFF800  }
0x64: {  	[hbm4b:s0+s2] =	stream.linear.scatter [tilespmem:s4], [sflag:$0x3], $0x8000, $0x38;
	[tilespmem:$0xC600] =	vst v63  }
0x65: {  	s1 =	rddreg [dreg:$0x9]  }
0x66: {  	[hbm4b:s1+s2] =	stream.linear.scatter [tilespmem:s3], [sflag:$0x3], $0x2000, $0x38;
	[tilespmem:$0xC600] =	vst v63  }
0x67: {  	s0 =	rddreg [dreg:$0xa]  }
0x68: {  	[hbm4b:s0+s2] =	stream.linear.scatter [tilespmem:s5], [sflag:$0x3], $0x2000, $0x38;
	[tilespmem:$0xC600] =	vst v63  }
0x69: {  	_ =	swait.ge [sflag:s8], $0x8000  }
0x6a: {  	[sflag:s8] =	ssyncset.done $0x0  }
0x6b: {  	p1 =	sne.s32 s15, $0x1;
	[sflag:s8] =	ssyncadd.s32 $0xFFFF8000  }
.Ltmp1:
0x6c: {  	_ =	swait.ge [sflag:s8], $0x2000;
	(pc) =	sbr.rel @!p1 .LBB2_3-.Ltmp1, $4  }
0x6d: {  	[sflag:s8] =	ssyncset.done $0x0  }
0x6e: {  	[sflag:s8] =	ssyncadd.s32 $0xFFFFE000  }
0x6f: {  	p0 =	por $0x1, $0x1;
	_ =	swait.ge [sflag:s8], $0x2000  }
0x70: {  	s0 =	sadd.s32 $0xFFFFFFFF, s15;
	s1 =	rddreg [dreg:$0x5];
	[sflag:s8] =	ssyncset.done $0x0  }
.LBB2_4:
0x71: {  	[sflag:s8] =	ssyncadd.s32 $0xFFFFE000  }
0x72: {  	[tilespmem:s2], [sflag:$0x1] =	stream.linear.gather [hbm4b:s1+s2], $0x200, $0x38;
	[tilespmem:$0xC600] =	vst v63  }
0x73: {  	s15 =	rddreg [dreg:$0x6]  }
0x74: {  	[tilespmem:s13], [sflag:$0x1] =	stream.linear.gather [hbm4b:s15+s2], $0x200, $0x38;
	[tilespmem:$0xC600] =	vst v63  }
0x75: {  	s1 =	rddreg [dreg:$0x7]  }
0x76: {  	[tilespmem:s12], [sflag:$0x1] =	stream.linear.gather [hbm4b:s1+s2], $0x200, $0x38;
	[tilespmem:$0xC600] =	vst v63  }
0x77: {  	_ =	swait.ge [sflag:s14], $0x200  }
0x78: {  	[sflag:s14] =	ssyncset.done $0x0  }
0x79: {  	[sflag:s14] =	ssyncadd.s32 $0xFFFFFE00  }
0x7a: {  	_ =	swait.ge [sflag:s14], $0x200  }
0x7b: {  	[sflag:s14] =	ssyncset.done $0x0  }
0x7c: {  	[sflag:s14] =	ssyncadd.s32 $0xFFFFFE00  }
0x7d: {  	_ =	swait.ge [sflag:s14], $0x200  }
0x7e: {  	[sflag:s14] =	ssyncset.done $0x0  }
0x7f: {  	[sflag:s14] =	ssyncadd.s32 $0xFFFFFE00  }
0x80: {  	[tilespmem:s4], [sflag:$0x2] =	stream.indirect.gather [hbm4b:s6+s11], $0x40, s2, s11, $0xb8;
	[tilespmem:$0xC600] =	vst v63  }
0x81: {  	_ = 	snop  }
0x82: {  	[tilespmem:s3], [sflag:$0x2] =	stream.indirect.gather [hbm4b:s7+s11], $0x10, s13, s11, $0xb8;
	[tilespmem:$0xC600] =	vst v63  }
0x83: {  	_ = 	snop  }
0x84: {  	[tilespmem:s5], [sflag:$0x2] =	stream.indirect.gather [hbm4b:s9+s11], $0x10, s12, s11, $0xb8;
	[tilespmem:$0xC600] =	vst v63  }
0x85: {  	s15 =	rddreg [dreg:$0xb]  }
0x86: {  	[tilespmem:s15], [sflag:$0x2] =	stream.indirect.gather [hbm4b:s6+s11], $0x40, s11, s11, $0xb8;
	[tilespmem:$0xC600] =	vst v63  }
0x87: {  	s15 =	simm.s32 $0x280  }
0x88: {  	[tilespmem:s17], [sflag:$0x2] =	stream.indirect.gather [hbm4b:s7+s11], $0x10, s15, s11, $0xb8;
	[tilespmem:$0xC600] =	vst v63  }
0x89: {  	_ = 	snop  }
0x8a: {  	[tilespmem:s19], [sflag:$0x2] =	stream.indirect.gather [hbm4b:s9+s11], $0x10, s18, s11, $0xb8;
	[tilespmem:$0xC600] =	vst v63  }
0x8b: {  	_ = 	snop  }
0x8c: {  	[tilespmem:s21], [sflag:$0x2] =	stream.indirect.gather [hbm4b:s6+s11], $0x40, s20, s11, $0xb8;
	[tilespmem:$0xC600] =	vst v63  }
0x8d: {  	_ = 	snop  }
0x8e: {  	[tilespmem:s23], [sflag:$0x2] =	stream.indirect.gather [hbm4b:s7+s11], $0x10, s22, s11, $0xb8;
	[tilespmem:$0xC600] =	vst v63  }
0x8f: {  	_ = 	snop  }
0x90: {  	[tilespmem:s25], [sflag:$0x2] =	stream.indirect.gather [hbm4b:s9+s11], $0x10, s24, s11, $0xb8;
	[tilespmem:$0xC600] =	vst v63  }
0x91: {  	_ = 	snop  }
0x92: {  	[tilespmem:s28], [sflag:$0x2] =	stream.indirect.gather [hbm4b:s6+s11], $0x40, s26, s11, $0xb8;
	[tilespmem:$0xC600] =	vst v63  }
0x93: {  	_ = 	snop  }
0x94: {  	[tilespmem:s30], [sflag:$0x2] =	stream.indirect.gather [hbm4b:s7+s11], $0x10, s29, s11, $0xb8;
	[tilespmem:$0xC600] =	vst v63  }
0x95: {  	_ = 	snop  }
0x96: {  	[tilespmem:s16], [sflag:$0x2] =	stream.indirect.gather [hbm4b:s9+s11], $0x10, s31, s11, $0xb8;
	[tilespmem:$0xC600] =	vst v63  }
0x97: {  	_ =	swait.ge [sflag:s10], $0x2000  }
0x98: {  	[sflag:s10] =	ssyncset.done $0x0  }
0x99: {  	[sflag:s10] =	ssyncadd.s32 $0xFFFFE000  }
0x9a: {  	_ =	swait.ge [sflag:s10], $0x800  }
0x9b: {  	[sflag:s10] =	ssyncset.done $0x0  }
0x9c: {  	[sflag:s10] =	ssyncadd.s32 $0xFFFFF800  }
0x9d: {  	_ =	swait.ge [sflag:s10], $0x800  }
0x9e: {  	[sflag:s10] =	ssyncset.done $0x0  }
0x9f: {  	[sflag:s10] =	ssyncadd.s32 $0xFFFFF800  }
0xa0: {  	_ =	swait.ge [sflag:s10], $0x2000  }
0xa1: {  	[sflag:s10] =	ssyncset.done $0x0  }
0xa2: {  	[sflag:s10] =	ssyncadd.s32 $0xFFFFE000  }
0xa3: {  	_ =	swait.ge [sflag:s10], $0x800  }
0xa4: {  	[sflag:s10] =	ssyncset.done $0x0  }
0xa5: {  	[sflag:s10] =	ssyncadd.s32 $0xFFFFF800  }
0xa6: {  	_ =	swait.ge [sflag:s10], $0x800  }
0xa7: {  	[sflag:s10] =	ssyncset.done $0x0  }
0xa8: {  	[sflag:s10] =	ssyncadd.s32 $0xFFFFF800  }
0xa9: {  	_ =	swait.ge [sflag:s10], $0x2000  }
0xaa: {  	[sflag:s10] =	ssyncset.done $0x0  }
0xab: {  	[sflag:s10] =	ssyncadd.s32 $0xFFFFE000  }
0xac: {  	_ =	swait.ge [sflag:s10], $0x800  }
0xad: {  	[sflag:s10] =	ssyncset.done $0x0  }
0xae: {  	[sflag:s10] =	ssyncadd.s32 $0xFFFFF800  }
0xaf: {  	_ =	swait.ge [sflag:s10], $0x800  }
0xb0: {  	[sflag:s10] =	ssyncset.done $0x0  }
0xb1: {  	[sflag:s10] =	ssyncadd.s32 $0xFFFFF800  }
0xb2: {  	_ =	swait.ge [sflag:s10], $0x2000  }
0xb3: {  	[sflag:s10] =	ssyncset.done $0x0  }
0xb4: {  	[sflag:s10] =	ssyncadd.s32 $0xFFFFE000  }
0xb5: {  	_ =	swait.ge [sflag:s10], $0x800  }
0xb6: {  	[sflag:s10] =	ssyncset.done $0x0  }
0xb7: {  	[sflag:s10] =	ssyncadd.s32 $0xFFFFF800  }
0xb8: {  	_ =	swait.ge [sflag:s10], $0x800  }
0xb9: {  	[sflag:s10] =	ssyncset.done $0x0  }
0xba: {  	s1 =	rddreg [dreg:$0x8];
	[sflag:s10] =	ssyncadd.s32 $0xFFFFF800  }
0xbb: {  	[hbm4b:s1+s2] =	stream.linear.scatter [tilespmem:s4], [sflag:$0x3], $0x8000, $0x38;
	[tilespmem:$0xC600] =	vst v63  }
0xbc: {  	s15 =	rddreg [dreg:$0x9]  }
0xbd: {  	[hbm4b:s15+s2] =	stream.linear.scatter [tilespmem:s3], [sflag:$0x3], $0x2000, $0x38;
	[tilespmem:$0xC600] =	vst v63  }
0xbe: {  	s1 =	rddreg [dreg:$0xa]  }
0xbf: {  	[hbm4b:s1+s2] =	stream.linear.scatter [tilespmem:s5], [sflag:$0x3], $0x2000, $0x38;
	[tilespmem:$0xC600] =	vst v63  }
0xc0: {  	_ =	swait.ge [sflag:s8], $0x8000  }
0xc1: {  	[sflag:s8] =	ssyncset.done $0x0  }
0xc2: {  	p1 =	sne.s32 s0, $0x1;
	[sflag:s8] =	ssyncadd.s32 $0xFFFF8000  }
.Ltmp2:
0xc3: {  	_ =	swait.ge [sflag:s8], $0x2000;
	(pc) =	sbr.rel @p1 .LBB2_4-.Ltmp2, $4  }
0xc4: {  	[sflag:s8] =	ssyncset.done $0x0  }
0xc5: {  	[sflag:s8] =	ssyncadd.s32 $0xFFFFE000  }
0xc6: {  	_ =	swait.ge [sflag:s8], $0x2000  }
0xc7: {  	s0 =	sadd.s32 $0xFFFFFFFF, s0;
	s1 =	rddreg [dreg:$0x5];
	[sflag:s8] =	ssyncset.done $0x0  }
0xc8: {  	s31 =	simm.s32 $0x580  }
0xc9: {  	s30 =	simm.s32 $0x9E00;
	s29 =	simm.s32 $0x380;
	s28 =	simm.s32 $0x6600  }
0xca: {  	s26 =	simm.s32 $0x180;
	s25 =	simm.s32 $0xB600;
	s24 =	simm.s32 $0x500  }
0xcb: {  	s23 =	simm.s32 $0x9600;
	s22 =	simm.s32 $0x300;
	s21 =	simm.s32 $0x4600  }
0xcc: {  	s20 =	simm.s32 $0x100;
	s19 =	simm.s32 $0xAE00;
	s18 =	simm.s32 $0x480  }
0xcd: {  	s17 =	simm.s32 $0x8E00;
	s16 =	simm.s32 $0x280;
	s15 =	rddreg [dreg:$0x4]  }
.LBB2_6:
0xce: {  	[sflag:s8] =	ssyncadd.s32 @p0 $0xFFFFE000  }
0xcf: {  	[tilespmem:s2], [sflag:$0x1] =	stream.linear.gather [hbm4b:s1+s2], $0x200, $0x38;
	[tilespmem:$0xC600] =	vst v63  }
0xd0: {  	s0 =	rddreg [dreg:$0x6]  }
0xd1: {  	[tilespmem:s13], [sflag:$0x1] =	stream.linear.gather [hbm4b:s0+s2], $0x200, $0x38;
	[tilespmem:$0xC600] =	vst v63  }
0xd2: {  	s1 =	rddreg [dreg:$0x7]  }
0xd3: {  	[tilespmem:s12], [sflag:$0x1] =	stream.linear.gather [hbm4b:s1+s2], $0x200, $0x38;
	[tilespmem:$0xC600] =	vst v63  }
0xd4: {  	_ =	swait.ge [sflag:s14], $0x200  }
0xd5: {  	[sflag:s14] =	ssyncset.done $0x0  }
0xd6: {  	[sflag:s14] =	ssyncadd.s32 $0xFFFFFE00  }
0xd7: {  	_ =	swait.ge [sflag:s14], $0x200  }
0xd8: {  	[sflag:s14] =	ssyncset.done $0x0  }
0xd9: {  	[sflag:s14] =	ssyncadd.s32 $0xFFFFFE00  }
0xda: {  	_ =	swait.ge [sflag:s14], $0x200  }
0xdb: {  	[sflag:s14] =	ssyncset.done $0x0  }
0xdc: {  	[sflag:s14] =	ssyncadd.s32 $0xFFFFFE00  }
0xdd: {  	[tilespmem:s4], [sflag:$0x2] =	stream.indirect.gather [hbm4b:s6+s11], $0x40, s2, s11, $0xb8;
	[tilespmem:$0xC600] =	vst v63  }
0xde: {  	_ = 	snop  }
0xdf: {  	[tilespmem:s3], [sflag:$0x2] =	stream.indirect.gather [hbm4b:s7+s11], $0x10, s13, s11, $0xb8;
	[tilespmem:$0xC600] =	vst v63  }
0xe0: {  	_ = 	snop  }
0xe1: {  	[tilespmem:s5], [sflag:$0x2] =	stream.indirect.gather [hbm4b:s9+s11], $0x10, s12, s11, $0xb8;
	[tilespmem:$0xC600] =	vst v63  }
0xe2: {  	s14 =	rddreg [dreg:$0xb]  }
0xe3: {  	[tilespmem:s14], [sflag:$0x2] =	stream.indirect.gather [hbm4b:s6+s11], $0x40, s11, s11, $0xb8;
	[tilespmem:$0xC600] =	vst v63  }
0xe4: {  	_ = 	snop  }
0xe5: {  	[tilespmem:s17], [sflag:$0x2] =	stream.indirect.gather [hbm4b:s7+s11], $0x10, s16, s11, $0xb8;
	[tilespmem:$0xC600] =	vst v63  }
0xe6: {  	_ = 	snop  }
0xe7: {  	[tilespmem:s19], [sflag:$0x2] =	stream.indirect.gather [hbm4b:s9+s11], $0x10, s18, s11, $0xb8;
	[tilespmem:$0xC600] =	vst v63  }
0xe8: {  	_ = 	snop  }
0xe9: {  	[tilespmem:s21], [sflag:$0x2] =	stream.indirect.gather [hbm4b:s6+s11], $0x40, s20, s11, $0xb8;
	[tilespmem:$0xC600] =	vst v63  }
0xea: {  	_ = 	snop  }
0xeb: {  	[tilespmem:s23], [sflag:$0x2] =	stream.indirect.gather [hbm4b:s7+s11], $0x10, s22, s11, $0xb8;
	[tilespmem:$0xC600] =	vst v63  }
0xec: {  	_ = 	snop  }
0xed: {  	[tilespmem:s25], [sflag:$0x2] =	stream.indirect.gather [hbm4b:s9+s11], $0x10, s24, s11, $0xb8;
	[tilespmem:$0xC600] =	vst v63  }
0xee: {  	_ = 	snop  }
0xef: {  	[tilespmem:s28], [sflag:$0x2] =	stream.indirect.gather [hbm4b:s6+s11], $0x40, s26, s11, $0xb8;
	[tilespmem:$0xC600] =	vst v63  }
0xf0: {  	_ = 	snop  }
0xf1: {  	[tilespmem:s30], [sflag:$0x2] =	stream.indirect.gather [hbm4b:s7+s11], $0x10, s29, s11, $0xb8;
	[tilespmem:$0xC600] =	vst v63  }
0xf2: {  	s26 =	simm.s32 $0xBE00  }
0xf3: {  	[tilespmem:s26], [sflag:$0x2] =	stream.indirect.gather [hbm4b:s9+s11], $0x10, s31, s11, $0xb8;
	[tilespmem:$0xC600] =	vst v63  }
0xf4: {  	_ =	swait.ge [sflag:s10], $0x2000  }
0xf5: {  	[sflag:s10] =	ssyncset.done $0x0  }
0xf6: {  	[sflag:s10] =	ssyncadd.s32 $0xFFFFE000  }
0xf7: {  	_ =	swait.ge [sflag:s10], $0x800  }
0xf8: {  	[sflag:s10] =	ssyncset.done $0x0  }
0xf9: {  	[sflag:s10] =	ssyncadd.s32 $0xFFFFF800  }
0xfa: {  	_ =	swait.ge [sflag:s10], $0x800  }
0xfb: {  	[sflag:s10] =	ssyncset.done $0x0  }
0xfc: {  	[sflag:s10] =	ssyncadd.s32 $0xFFFFF800  }
0xfd: {  	_ =	swait.ge [sflag:s10], $0x2000  }
0xfe: {  	[sflag:s10] =	ssyncset.done $0x0  }
0xff: {  	[sflag:s10] =	ssyncadd.s32 $0xFFFFE000  }
0x100: {  	_ =	swait.ge [sflag:s10], $0x800  }
0x101: {  	[sflag:s10] =	ssyncset.done $0x0  }
0x102: {  	[sflag:s10] =	ssyncadd.s32 $0xFFFFF800  }
0x103: {  	_ =	swait.ge [sflag:s10], $0x800  }
0x104: {  	[sflag:s10] =	ssyncset.done $0x0  }
0x105: {  	[sflag:s10] =	ssyncadd.s32 $0xFFFFF800  }
0x106: {  	_ =	swait.ge [sflag:s10], $0x2000  }
0x107: {  	[sflag:s10] =	ssyncset.done $0x0  }
0x108: {  	[sflag:s10] =	ssyncadd.s32 $0xFFFFE000  }
0x109: {  	_ =	swait.ge [sflag:s10], $0x800  }
0x10a: {  	[sflag:s10] =	ssyncset.done $0x0  }
0x10b: {  	[sflag:s10] =	ssyncadd.s32 $0xFFFFF800  }
0x10c: {  	_ =	swait.ge [sflag:s10], $0x800  }
0x10d: {  	[sflag:s10] =	ssyncset.done $0x0  }
0x10e: {  	[sflag:s10] =	ssyncadd.s32 $0xFFFFF800  }
0x10f: {  	_ =	swait.ge [sflag:s10], $0x2000  }
0x110: {  	[sflag:s10] =	ssyncset.done $0x0  }
0x111: {  	[sflag:s10] =	ssyncadd.s32 $0xFFFFE000  }
0x112: {  	_ =	swait.ge [sflag:s10], $0x800  }
0x113: {  	[sflag:s10] =	ssyncset.done $0x0  }
0x114: {  	[sflag:s10] =	ssyncadd.s32 $0xFFFFF800  }
0x115: {  	_ =	swait.ge [sflag:s10], $0x800  }
0x116: {  	[sflag:s10] =	ssyncset.done $0x0  }
0x117: {  	s28 =	rddreg [dreg:$0x8];
	[sflag:s10] =	ssyncadd.s32 $0xFFFFF800  }
0x118: {  	[hbm4b:s28+s2] =	stream.linear.scatter [tilespmem:s4], [sflag:$0x3], $0x8000, $0x38;
	[tilespmem:$0xC600] =	vst v63  }
0x119: {  	s29 =	rddreg [dreg:$0x9]  }
0x11a: {  	[hbm4b:s29+s2] =	stream.linear.scatter [tilespmem:s3], [sflag:$0x3], $0x2000, $0x38;
	[tilespmem:$0xC600] =	vst v63  }
0x11b: {  	s30 =	rddreg [dreg:$0xa]  }
0x11c: {  	[hbm4b:s30+s2] =	stream.linear.scatter [tilespmem:s5], [sflag:$0x3], $0x2000, $0x38;
	[tilespmem:$0xC600] =	vst v63  }
0x11d: {  	_ =	swait.ge [sflag:s8], $0x8000  }
0x11e: {  	[sflag:s8] =	ssyncset.done $0x0  }
0x11f: {  	[sflag:s8] =	ssyncadd.s32 $0xFFFF8000  }
0x120: {  	_ =	swait.ge [sflag:s8], $0x2000  }
0x121: {  	[sflag:s8] =	ssyncset.done $0x0  }
0x122: {  	[sflag:s8] =	ssyncadd.s32 $0xFFFFE000  }
0x123: {  	_ =	swait.ge [sflag:s8], $0x2000  }
0x124: {  	[sflag:s8] =	ssyncset.done $0x0  }
0x125: {  	[sflag:s8] =	ssyncadd.s32 $0xFFFFE000  }
0x126: {  	_ =	sfence.sel $0x180000  }
0x127: {  	s31 =	stileid.u32;
	[bflag:$0x0] =	sbarrier.arrive $0xFFFF  }
0x128: {  	p0 =	sne.s32 s31, $0x0;
	_ =	strace $0x90000047  }
0x129: {  	s0 =	sadd.s32 @!p0 $0x100000, s15;
	[bflag:$0x2] =	sbarrier.arrive $0xFFFF  }
0x12a: {  	[sflag:s0] =	ssyncadd.tile.s32 @!p0 $0x1;
	_ =	shalt  }
.LBB2_1:
0x12b: {  	s31 =	simm.s32 $0x580  }
.Ltmp3:
0x12c: {  	s30 =	simm.s32 $0x9E00;
	s29 =	simm.s32 $0x380;
	(pc) =	sbr.rel .LBB2_6-.Ltmp3, $4  }
0x12d: {  	s28 =	simm.s32 $0x6600;
	s26 =	simm.s32 $0x180;
	s25 =	simm.s32 $0xB600  }
0x12e: {  	s24 =	simm.s32 $0x500;
	s23 =	simm.s32 $0x9600;
	s22 =	simm.s32 $0x300  }
0x12f: {  	s21 =	simm.s32 $0x4600;
	s20 =	simm.s32 $0x100;
	s19 =	simm.s32 $0xAE00  }
0x130: {  	s18 =	simm.s32 $0x480;
	s17 =	simm.s32 $0x8E00;
	s16 =	simm.s32 $0x280  }
.LBB2_3:
0x131: {  	s31 =	simm.s32 $0x580;
	s30 =	simm.s32 $0x9E00  }
.Ltmp4:
0x132: {  	s29 =	simm.s32 $0x380;
	s28 =	simm.s32 $0x6600;
	(pc) =	sbr.rel .LBB2_6-.Ltmp4, $4  }
0x133: {  	s26 =	simm.s32 $0x180;
	s25 =	simm.s32 $0xB600;
	s24 =	simm.s32 $0x500  }
0x134: {  	s23 =	simm.s32 $0x9600;
	s22 =	simm.s32 $0x300;
	s21 =	simm.s32 $0x4600  }
0x135: {  	s20 =	simm.s32 $0x100;
	s19 =	simm.s32 $0xAE00;
	s18 =	simm.s32 $0x480  }
0x136: {  	s17 =	simm.s32 $0x8E00;
	s16 =	simm.s32 $0x280;
	s15 =	rddreg [dreg:$0x4]  }
.Lfunc_end2:
_tile_overlayer_lowered:
.L_overlay_start_2:
0x137: {  	(tag) =	ssettag $0x2  }
0x138: {  	s0 =	rddreg [dreg:$0x0];
	s2 =	stileid.u32  }
0x139: {  	s1 =	rddreg [dreg:$0x1];
	p0 =	sne.s32 s2, $0x0  }
0x13a: {  	s3 =	rddreg [dreg:$0x2];
	[bflag:$0x3] =	sbarrier.arrive $0xFFFF;
	s2 =	simm.s32 @!p0 $0x1C04  }
0x13b: {  	[timem:s3], [sflag:s2] =	dma.local @!p0 [hbm:s0], s1  }
0x13c: {  	s0 =	simm.s32 @!p0 $0x4  }
0x13d: {  	_ =	swait.ge @!p0 [sflag:s0], s1  }
0x13e: {  	s1 =	ssub.s32 @!p0 $0x0, s1;
	[sflag:s0] =	ssyncset.done @!p0 $0x0  }
0x13f: {  	[sflag:s0] =	ssyncadd.s32 @!p0 s1  }
0x140: {  	[bflag:$0x3] =	sbarrier.arrive $0xFFFF  }
0x141: {  	_ =	shalt  }

// kernel: kernel.8.cloned.1.call-start
scs
__scs_entry_jumppad:
0x0: {  	(pc) =	sbr.rel $0x88, $3  }
0x1: {  	(tag) =	ssettag $0x0;
	lr =	simm.s32 $0x1  }
0x2: {  	[smem:$0x3F97] =	sst lr;
	_ =	strace $0xD0000000  }
0x3: {  	_ = 	snop  }
0x4: {  	_ = 	snop  }
0x5: {  	_ = 	snop  }
0x6: {  	_ = 	snop  }
0x7: {  	_ = 	snop  }
__scs_overlays_trampoline_lowered:
0x8: {  	[smem:$0x3FA6] =	sst s0  }
0x9: {  	[smem:$0x3FA7] =	sst s1  }
0xa: {  	[smem:$0x3FA8] =	sst s2  }
0xb: {  	[smem:$0x3FA9] =	sst s3  }
0xc: {  	[smem:$0x3FAA] =	sst s4  }
0xd: {  	[smem:$0x3FAB] =	sst s5  }
0xe: {  	[smem:$0x3FAC] =	sst s6  }
0xf: {  	[smem:$0x3FAD] =	sst s7  }
0x10: {  	[smem:$0x3FAE] =	sst s8  }
0x11: {  	[smem:$0x3FAF] =	sst s9;
	s0 =	simm.s32 @!p0 $0x0  }
0x12: {  	s1 =	sld [smem:$0x3F95];
	s0 =	simm.s32 @p0 $0x1  }
0x13: {  	[smem:$0x3FB0] =	sst s0;
	s0 =	simm.s32 @!p1 $0x0  }
0x14: {  	s2 =	sld [smem:$0x3F94];
	s0 =	simm.s32 @p1 $0x1  }
0x15: {  	[smem:$0x3FB1] =	sst s0;
	s0 =	simm.s32 @!p2 $0x0  }
0x16: {  	s3 =	sld [smem:$0x3FDB];
	s0 =	simm.s32 @p2 $0x1  }
0x17: {  	s4 =	simm.s32 $0x1BF5;
	[smem:$0x3FB3] =	sst s0  }
0x18: {  	s0 =	sld [smem:$0x3F96];
	_ =	swait.ge [sflag:s4], $0x0  }
0x19: {  	s7 =	sld [smem:$0x3F97]  }
0x1a: {  	s8 =	sadd.s32 $0xFFFFE003, lr  }
0x1b: {  	s9 =	sadd.s32 $0xFFFFFEF7, lr;
	s5 =	simm.s32 $0xFFFFFFFF;
	p2 =	slt.u32 s8, $0xFFFFF086  }
0x1c: {  	p1 =	slt.u32 s9, $0xF7A;
	s5 =	simm.s32 @!p2 $0x0  }
0x1d: {  	s5 =	simm.s32 @p1 $0x1;
	p0 =	seq.s32 s7, s2  }
0x1e: {  	s7 =	smul.u32 @!p0 $0xF7A, s2;
	p2 =	seq.s32 @!p0 s5, $0x0  }
0x1f: {  	s9 =	smul.u32 $0xF7A, s1;
	s8 =	simm.s32 @!p0 $0x1BF5;
	p2 =	por !p2, p0  }
0x20: {  	[sflag:s8] =	ssyncset.s32 @!p0 $0xFFFFF086;
	s6 =	sadd.s32 @!p0 s3, s7;
	s7 =	simm.s32 @!p0 $0x108  }
0x21: {  	s3 =	sadd.s32 s3, s9;
	s6 =	sadd.s32 @!p0 $0x88, s6;
	s7 =	simm.s32 @p2 $0x1082  }
0x22: {  	[simem:s7], [sflag:s8] =	dma.local @!p0 [hbm:s6], $0xF7A  }
0x23: {  	s9 =	sor.u32 $0xD0000000, s2;
	s6 =	simm.s32 $0x108;
	_ =	swait.ge @!p0 [sflag:s8], $0x0  }
0x24: {  	s3 =	sadd.s32 $0x88, s3;
	s6 =	simm.s32 @!p1 $0x1082;
	[sflag:s4] =	ssyncset.s32 $0xFFFFF086  }
0x25: {  	[simem:s6], [sflag:s4] =	dma.local [hbm:s3], $0xF7A  }
0x26: {  	[smem:$0x3F97] =	sst s1;
	(tag) =	ssettag s2;
	_ =	strace s9  }
0x27: {  	s1 =	sld [smem:$0x3FA7]  }
0x28: {  	s2 =	sld [smem:$0x3FA8]  }
0x29: {  	s4 =	sld [smem:$0x3FAA]  }
0x2a: {  	p0 =	seq.s32 s5, $0x0;
	s5 =	sld [smem:$0x3FAB]  }
0x2b: {  	s6 =	sld [smem:$0x3FAC]  }
0x2c: {  	s7 =	sld [smem:$0x3FAD]  }
0x2d: {  	s3 =	simm.s32 $0x108;
	s8 =	sld [smem:$0x3FAE]  }
0x2e: {  	s3 =	simm.s32 @!p0 $0x1082;
	s9 =	sld [smem:$0x3FAF]  }
0x2f: {  	lr =	sadd.s32 s0, s3;
	s0 =	sld [smem:$0x3FA6]  }
0x30: {  	s3 =	sld [smem:$0x3FA9]  }
0x31: {  	[smem:$0x3FB2] =	sst s10  }
0x32: {  	s10 =	sld [smem:$0x3FB0];
	_ =	sdelay $0x3  }
0x33: {  	p0 =	seq.s32 s10, $0x1;
	s10 =	sld [smem:$0x3FB2];
	_ =	sdelay $0x3  }
0x34: {  	[smem:$0x3FB2] =	sst s10  }
0x35: {  	s10 =	sld [smem:$0x3FB1];
	_ =	sdelay $0x3  }
0x36: {  	p1 =	seq.s32 s10, $0x1;
	s10 =	sld [smem:$0x3FB2];
	_ =	sdelay $0x3  }
0x37: {  	[smem:$0x3FB2] =	sst s10  }
0x38: {  	s10 =	sld [smem:$0x3FB3]  }
0x39: {  	_ = 	snop;
	(pc) =	sbr.ind lr, $3  }
0x3a: {  	_ = 	snop  }
0x3b: {  	_ = 	snop  }
0x3c: {  	p2 =	seq.s32 s10, $0x1;
	s10 =	sld [smem:$0x3FB2]  }
0x3d: {  	_ =	shalt  }
0x3e: {  	_ =	shalt  }
0x3f: {  	_ =	shalt  }
0x40: {  	_ =	shalt  }
0x41: {  	_ =	shalt  }
0x42: {  	_ =	shalt  }
0x43: {  	_ =	shalt  }
0x44: {  	_ =	shalt  }
0x45: {  	_ =	shalt  }
0x46: {  	_ =	shalt  }
0x47: {  	_ =	shalt  }
0x48: {  	_ =	shalt  }
0x49: {  	_ =	shalt  }
0x4a: {  	_ =	shalt  }
0x4b: {  	_ =	shalt  }
0x4c: {  	_ =	shalt  }
0x4d: {  	_ =	shalt  }
0x4e: {  	_ =	shalt  }
0x4f: {  	_ =	shalt  }
0x50: {  	_ =	shalt  }
0x51: {  	_ =	shalt  }
0x52: {  	_ =	shalt  }
0x53: {  	_ =	shalt  }
0x54: {  	_ =	shalt  }
0x55: {  	_ =	shalt  }
0x56: {  	_ =	shalt  }
0x57: {  	_ =	shalt  }
0x58: {  	_ =	shalt  }
0x59: {  	_ =	shalt  }
0x5a: {  	_ =	shalt  }
0x5b: {  	_ =	shalt  }
0x5c: {  	_ =	shalt  }
0x5d: {  	_ =	shalt  }
0x5e: {  	_ =	shalt  }
0x5f: {  	_ =	shalt  }
0x60: {  	_ =	shalt  }
0x61: {  	_ =	shalt  }
0x62: {  	_ =	shalt  }
0x63: {  	_ =	shalt  }
0x64: {  	_ =	shalt  }
0x65: {  	_ =	shalt  }
0x66: {  	_ =	shalt  }
0x67: {  	_ =	shalt  }
0x68: {  	_ =	shalt  }
0x69: {  	_ =	shalt  }
0x6a: {  	_ =	shalt  }
0x6b: {  	_ =	shalt  }
0x6c: {  	_ =	shalt  }
0x6d: {  	_ =	shalt  }
0x6e: {  	_ =	shalt  }
0x6f: {  	_ =	shalt  }
0x70: {  	_ =	shalt  }
0x71: {  	_ =	shalt  }
0x72: {  	_ =	shalt  }
0x73: {  	_ =	shalt  }
0x74: {  	_ =	shalt  }
0x75: {  	_ =	shalt  }
0x76: {  	_ =	shalt  }
0x77: {  	_ =	shalt  }
0x78: {  	_ =	shalt  }
0x79: {  	_ =	shalt  }
0x7a: {  	_ =	shalt  }
0x7b: {  	_ =	shalt  }
0x7c: {  	_ =	shalt  }
0x7d: {  	_ =	shalt  }
0x7e: {  	_ =	shalt  }
0x7f: {  	_ =	shalt  }
0x80: {  	_ =	shalt  }
0x81: {  	_ =	shalt  }
0x82: {  	_ =	shalt  }
0x83: {  	_ =	shalt  }
0x84: {  	_ =	shalt  }
0x85: {  	_ =	shalt  }
0x86: {  	_ =	shalt  }
0x87: {  	_ =	shalt  }
.Lfunc_end0:
.L_simem_size_0:
called_computation.1_lowered:
.L_overlay_start_0:
0x88: {  	s2 =	sld [smem:$0x3FD9]  }
0x89: {  	s3 =	sld [smem:$0x3FFE];
	_ =	sdelay $0x1  }
0x8a: {  	s1 =	srdreg.scid  }
0x8b: {  	s0 =	sand.u32 $0x1, s1  }
0x8c: {  	s17 =	sshll.u32 s0, $0xA;
	s2 =	sadd.s32 s3, s2  }
0x8d: {  	s2 =	sadd.s32 s2, s17  }
0x8e: {  	[smem:$0x3FBE] =	sst s2  }
0x8f: {  	_ = 	snop  }
0x90: {  	s18 =	sld [smem:$0x3FD0];
	(tm) =	ssettm $0x1  }
0x91: {  	s19 =	sld [smem:$0x3FFB];
	_ =	sdelay $0x3  }
0x92: {  	_ =	strace s19  }
0x93: {  	s2 =	sld [smem:$0x3FFC];
	_ =	sdelay $0x3  }
0x94: {  	_ =	strace s2  }
0x95: {  	s2 =	sld [smem:$0x3FFD];
	_ =	sdelay $0x3  }
0x96: {  	_ =	strace s2  }
0x97: {  	_ =	strace $0x8FFFFFFF  }
0x98: {  	s20 =	sld [smem:$0x3FDB];
	_ =	sdelay $0x1  }
0x99: {  	s4 =	simm.s32 $_scs_section_size  }
0x9a: {  	s5 =	simm.s32 $_size__tile_overlayer_lowered;
	s6 =	simm.s32 $_tile_overlayer_lowered  }
0x9b: {  	s7 =	simm.s32 $0x1BFF;
	s21 =	sshll.u32 s6, $0x1;
	s4 =	sadd.s32 s4, s20  }
0x9c: {  	s22 =	simm.s32 $0x0;
	s5 =	sshll.u32 s5, $0x1;
	s6 =	sadd.s32 s21, s4  }
0x9d: {  	[timem:s22], [sflag:s7] =	dma.local [hbm:s6], s5  }
0x9e: {  	_ =	swait.ge [sflag:s7], s5  }
0x9f: {  	s5 =	ssub.s32 $0x0, s5;
	[sflag:s7] =	ssyncset.done $0x0  }
0xa0: {  	[sflag:s7] =	ssyncadd.s32 s5;
	_ =	sdelay $0x1  }
0xa1: {  	s23 =	simm.s32 $0x1B8B  }
0xa2: {  	_ =	swait.ge [sflag:s23], $0x1  }
0xa3: {  	[sflag:s23] =	ssyncset.done $0x0  }
0xa4: {  	[sflag:s23] =	ssyncadd.s32 $0xFFFFFFFF  }
0xa5: {  	s5 =	sld [smem:$0x0]  }
0xa6: {  	s6 =	sand.u32 $0xFFFFFFFE, s1  }
0xa7: {  	p0 =	sne.s32 s1, s6  }
0xa8: {  	s6 =	sshll.u32 @p0 s6, $0xE  }
0xa9: {  	s6 =	sadd.s32 @p0 $0x11B8D, s6;
	s7 =	sshll.u32 @p0 s5, $0x11  }
0xaa: {  	s6 =	sor.u32 @p0 s7, s6  }
0xab: {  	[sflag:s6] =	ssyncadd.remote.s32 @p0 $0x1;
	_ =	sdelay $0x1  }
0xac: {  	s6 =	simm.s32 @p0 $0x1B8D  }
0xad: {  	_ =	swait.eq @p0 [sflag:s6], $0x1  }
0xae: {  	[sflag:s6] =	ssyncadd.s32 @p0 $0xFFFFFFFF  }
0xaf: {  	s7 =	sshll.u32 @!p0 s1, $0xE  }
0xb0: {  	s7 =	sor.u32 @!p0 $0x4000, s7;
	s6 =	simm.s32 @!p0 $0x1B8D  }
0xb1: {  	s5 =	sshll.u32 @!p0 s5, $0x11;
	s7 =	sadd.s32 @!p0 $0x11B8D, s7;
	_ =	swait.eq @!p0 [sflag:s6], $0x1  }
0xb2: {  	s5 =	sor.u32 @!p0 s5, s7;
	[sflag:s6] =	ssyncadd.s32 @!p0 $0xFFFFFFFF  }
0xb3: {  	s25 =	simm.s32 $0x1B8E;
	s24 =	sld [smem:$0x3FFE];
	[sflag:s5] =	ssyncadd.remote.s32 @!p0 $0x1  }
0xb4: {  	s26 =	simm.s32 $execute0_lowered;
	[smem:$0x3FD2] =	sst s25  }
0xb5: {  	s6 =	sshll.u32 s26, $0x1;
	_ =	strace $0x80000049;
	[dreg:$0x1] =	wrdreg $0xFFFFFFFF  }
0xb6: {  	s28 =	simm.s32 $_size_execute0_lowered;
	s4 =	sadd.s32 s4, s6;
	[dreg:$0x0] =	wrdreg $0x0  }
0xb7: {  	s6 =	sshll.u32 s28, $0x1;
	[dreg:$0x2] =	wrdreg s4  }
0xb8: {  	[dreg:$0x3] =	wrdreg s6  }
0xb9: {  	[dreg:$0x4] =	wrdreg $0xC0  }
0xba: {  	_ =	task [dreg:s22], $0x5FFFF  }
0xbb: {  	[dreg:$0x1] =	wrdreg $0xFFFFFFFF  }
0xbc: {  	[dreg:$0x0] =	wrdreg $0x60  }
0xbd: {  	[dreg:$0x2] =	wrdreg s24  }
0xbe: {  	[dreg:$0x3] =	wrdreg s18  }
0xbf: {  	[dreg:$0x4] =	wrdreg $0xA  }
0xc0: {  	_ =	task.clear_ibuf [dreg:s22], $0x5FFFF;
	_ =	strace $0x90000049  }
0xc1: {  	s29 =	simm.s32 $0xA;
	_ =	strace $0x8000004B  }
0xc2: {  	_ =	swait.ge [sflag:s29], $0x1  }
0xc3: {  	[sflag:s29] =	ssyncadd.s32 $0xFFFFFFFF  }
0xc4: {  	_ =	strace $0x9000004B  }
0xc5: {  	_ =	sfence  }
0xc6: {  	s30 =	sld [smem:$0x0];
	_ =	sdelay $0x2  }
0xc7: {  	s31 =	sshll.u32 s1, $0xD;
	s1 =	sshrl.u32 s1, $0x2  }
0xc8: {  	s4 =	sand.u32 $0x4000, s31;
	s1 =	sadd.s32 s1, s30  }
0xc9: {  	s0 =	sor.u32 s4, s0;
	s1 =	sshll.u32 s1, $0x11  }
0xca: {  	s0 =	sor.u32 s1, s0  }
0xcb: {  	s0 =	sadd.s32 $0x8F2B, s0  }
0xcc: {  	[sflag:s0] =	ssyncadd.remote.s32 $0x1  }
0xcd: {  	_ =	sfence.sel $0xFFFF  }
0xce: {  	[dreg:$0x0] =	wrdreg $0xFFFFFFFF;
	(pc) =	sbr.abs _section_cstart, $3  }
0xcf: {  	[dreg:$0x1] =	wrdreg $0xFFFFFFFF  }
0xd0: {  	_ =	task.clear_ibuf [dreg:s22], $0x2FFFF;
	_ =	strace $0x9FFFFFFF  }
0xd1: {  	(tm) =	ssettm $0x7FFFFFFF  }
tec
execute0_lowered:
.L_overlay_start_1:
0x0: {  	(tag) =	ssettag $0x1  }
0x1: {  	s0 =	srdreg.scid;
	s1 =	rddreg [dreg:$0x0]  }
0x2: {  	s2 =	stileid.u32;
	s5 =	rddreg [dreg:$0x1];
	s8 =	simm.s32 $0x80  }
0x3: {  	s9 =	simm.s32 $0x2800;
	s10 =	simm.s32 $0x4800;
	s11 =	simm.s32 $0x40  }
0x4: {  	s12 =	simm.s32 $0x100;
	s13 =	simm.s32 $0x6800;
	s14 =	simm.s32 $0x140  }
0x5: {  	s15 =	simm.s32 $0x7800;
	s16 =	simm.s32 $0x1C0;
	s17 =	simm.s32 $0x9800  }
0x6: {  	s18 =	simm.s32 $0x240;
	s19 =	simm.s32 $0xB800;
	s20 =	simm.s32 $0x2  }
0x7: {  	s21 =	simm.s32 $0xC800;
	s22 =	simm.s32 $0x3;
	s23 =	simm.s32 $0xCC00  }
0x8: {  	s24 =	simm.s32 $0x4;
	s0 =	sand.u32 $0x1, s0;
	s2 =	sshll.u32 s2, $0x1  }
0x9: {  	s25 =	simm.s32 $0x5;
	s26 =	simm.s32 $0x0;
	s4 =	sor.u32 s0, s2  }
.Ltmp0:
0xa: {  	s2 =	simm.s32 $0x0;
	s0 =	ssub.s32 $0x2, s0;
	(pc) =	sbr.rel .LBB2_1-.Ltmp0, $4  }
0xb: {  	s3 =	smul.u32 $0x500, s4;
	[smem:$0x7FF] =	sst s2;
	s31 =	sshrl.u32 s0, $0x1  }
0xc: {  	s7 =	sshll.u32 s4, $0xC;
	_ =	strace $0x8000004A;
	s0 =	ssub.s32 s0, s31  }
0xd: {  	s5 =	sadd.s32 s5, s7;
	s7 =	simm.s32 $0x1;
	s6 =	sadd.s32 s3, s1  }
0xe: {  	s3 =	sadd.s32 $0x1B8E00, s1;
	s4 =	sadd.s32 $0x32400, s6;
	s6 =	smax.u32 s0, $0x1  }
.LBB2_8:
0xf: {  	s26 =	sadd.s32 $0x1, s26  }
0x10: {  	_ =	swait.ge [sflag:s24], $0x400;
	p0 =	sne.s32 s26, s6  }
.Ltmp1:
0x11: {  	[sflag:s24] =	ssyncset.done $0x0;
	(pc) =	sbr.rel @!p0 .LBB2_9-.Ltmp1, $4  }
0x12: {  	[sflag:s24] =	ssyncadd.s32 $0xFFFFFC00  }
0x13: {  	_ =	swait.ge [sflag:s25], $0x400  }
0x14: {  	[sflag:s25] =	ssyncset.done $0x0  }
0x15: {  	[sflag:s25] =	ssyncadd.s32 $0xFFFFFC00  }
.LBB2_1:
0x16: {  	[tilespmem:s2], [sflag:$0x1] =	stream.linear.gather [hbm4b:s4+s2], $0x2800, $0x38;
	[tilespmem:$0xD000] =	vst v63  }
0x17: {  	_ =	swait.ge [sflag:s7], $0x2800  }
0x18: {  	[sflag:s7] =	ssyncset.done $0x0  }
0x19: {  	[sflag:s7] =	ssyncadd.s32 $0xFFFFD800  }
0x1a: {  	[tilespmem:s9], [sflag:$0x2] =	stream.indirect.gather [hbm4b:s3+s8], $0x40, s2, s8, $0xb8;
	[tilespmem:$0xD000] =	vst v63  }
0x1b: {  	_ = 	snop  }
0x1c: {  	[tilespmem:s10], [sflag:$0x2] =	stream.indirect.gather [hbm4b:s3+s8], $0x40, s8, s8, $0xb8;
	[tilespmem:$0xD000] =	vst v63  }
0x1d: {  	_ = 	snop  }
0x1e: {  	[tilespmem:s13], [sflag:$0x2] =	stream.indirect.gather [hbm4b:s3+s11], $0x40, s12, s11, $0xb8;
	[tilespmem:$0xD000] =	vst v63  }
0x1f: {  	_ = 	snop  }
0x20: {  	[tilespmem:s15], [sflag:$0x3] =	stream.indirect.gather [hbm4b:s3+s8], $0x40, s14, s8, $0xb8;
	[tilespmem:$0xD000] =	vst v63  }
0x21: {  	_ = 	snop  }
0x22: {  	[tilespmem:s17], [sflag:$0x3] =	stream.indirect.gather [hbm4b:s3+s8], $0x40, s16, s8, $0xb8;
	[tilespmem:$0xD000] =	vst v63  }
0x23: {  	s28 =	simm.s32 $0x0  }
0x24: {  	[tilespmem:s19], [sflag:$0x3] =	stream.indirect.gather [hbm4b:s3+s11], $0x40, s18, s11, $0xb8;
	[tilespmem:$0xD000] =	vst v63  }
.LBB2_2:
0x25: {  	_ =	swait.ge [sflag:s20], $0x2000  }
0x26: {  	[sflag:s20] =	ssyncset.done $0x0  }
0x27: {  	[sflag:s20] =	ssyncadd.s32 $0xFFFFE000  }
0x28: {  	_ =	swait.ge [sflag:s20], $0x2000  }
0x29: {  	[sflag:s20] =	ssyncset.done $0x0  }
0x2a: {  	[sflag:s20] =	ssyncadd.s32 $0xFFFFE000  }
0x2b: {  	_ =	swait.ge [sflag:s20], $0x1000  }
0x2c: {  	p0 =	seq.s32 s28, $0x0;
	[sflag:s20] =	ssyncset.done $0x0  }
0x2d: {  	s0 =	simm.s32 @!p0 $0x4;
	[sflag:s20] =	ssyncadd.s32 $0xFFFFF000  }
0x2e: {  	_ =	swait.ge @!p0 [sflag:s0], $0x400  }
0x2f: {  	[sflag:s0] =	ssyncset.done @!p0 $0x0  }
0x30: {  	s29 =	simm.s32 $0x2A80;
	[sflag:s0] =	ssyncadd.s32 @!p0 $0xFFFFFC00  }
0x31: {  	v0 =	vld [tilespmem:s29+$0xFFFFFDC0]  }
0x32: {  	v1 =	vld [tilespmem:s29+$0xFFFFFD80];
	_ =	sdelay $0x1  }
0x33: {  	v2 =	vld [tilespmem:s29+$0xFFFFFE00];
	_ =	sdelay $0x1  }
0x34: {  	v3 =	vld [tilespmem:s29+$0xFFFFFE40]  }
0x35: {  	v0 =	vadd.f32 v0, v1  }
0x36: {  	v1 =	vld [tilespmem:s29+$0xFFFFFE80]  }
0x37: {  	v0 =	vadd.f32 v2, v0  }
0x38: {  	v2 =	vld [tilespmem:s29+$0xFFFFFEC0]  }
0x39: {  	v0 =	vadd.f32 v3, v0  }
0x3a: {  	v3 =	vld [tilespmem:s29+$0xFFFFFF00]  }
0x3b: {  	v0 =	vadd.f32 v1, v0  }
0x3c: {  	v1 =	vld [tilespmem:s29+$0xFFFFFF40]  }
0x3d: {  	v0 =	vadd.f32 v2, v0  }
0x3e: {  	v2 =	vld [tilespmem:s29+$0xFFFFFF80]  }
0x3f: {  	v0 =	vadd.f32 v3, v0  }
0x40: {  	v3 =	vld [tilespmem:s29+$0xFFFFFFC0]  }
0x41: {  	v0 =	vadd.f32 v1, v0  }
0x42: {  	v1 =	vld [tilespmem:s29+$0x0]  }
0x43: {  	v0 =	vadd.f32 v2, v0  }
0x44: {  	v2 =	vld [tilespmem:s29+$0x40]  }
0x45: {  	v0 =	vadd.f32 v3, v0  }
0x46: {  	v3 =	vld [tilespmem:s29+$0x80]  }
0x47: {  	v0 =	vadd.f32 v1, v0  }
0x48: {  	v1 =	vld [tilespmem:s29+$0xC0]  }
0x49: {  	v0 =	vadd.f32 v2, v0  }
0x4a: {  	v2 =	vld [tilespmem:s29+$0x100]  }
0x4b: {  	v0 =	vadd.f32 v3, v0  }
0x4c: {  	v3 =	vld [tilespmem:s29+$0x140]  }
0x4d: {  	v0 =	vadd.f32 v1, v0  }
0x4e: {  	v1 =	vld [tilespmem:s29+$0x180]  }
0x4f: {  	v0 =	vadd.f32 v2, v0  }
0x50: {  	v2 =	vld [tilespmem:s29+$0x1C0]  }
0x51: {  	v0 =	vadd.f32 v3, v0  }
0x52: {  	v3 =	vld [tilespmem:s29+$0x200]  }
0x53: {  	v0 =	vadd.f32 v1, v0  }
0x54: {  	v1 =	vld [tilespmem:s29+$0x240]  }
0x55: {  	v0 =	vadd.f32 v2, v0;
	_ =	sdelay $0x1  }
0x56: {  	v0 =	vadd.f32 v3, v0;
	_ =	sdelay $0x1  }
0x57: {  	v0 =	vadd.f32 v1, v0;
	_ =	sdelay $0x1  }
0x58: {  	v0 =	vmul.f32 $5.000000070e-02, v0  }
0x59: {  	s30 =	simm.s32 $0x0  }
0x5a: {  	[tilespmem:s30+$0xC800] =	vst v0  }
0x5b: {  	v0 =	vld [tilespmem:s29+$0xFFFFFD90]  }
0x5c: {  	v1 =	vld [tilespmem:s29+$0xFFFFFDD0];
	_ =	sdelay $0x1  }
0x5d: {  	v2 =	vld [tilespmem:s29+$0xFFFFFE10];
	_ =	sdelay $0x1  }
0x5e: {  	v3 =	vld [tilespmem:s29+$0xFFFFFE50]  }
0x5f: {  	v0 =	vadd.f32 v1, v0  }
0x60: {  	v1 =	vld [tilespmem:s29+$0xFFFFFE90]  }
0x61: {  	v0 =	vadd.f32 v2, v0  }
0x62: {  	v2 =	vld [tilespmem:s29+$0xFFFFFED0]  }
0x63: {  	v0 =	vadd.f32 v3, v0  }
0x64: {  	v3 =	vld [tilespmem:s29+$0xFFFFFF10]  }
0x65: {  	v0 =	vadd.f32 v1, v0  }
0x66: {  	v1 =	vld [tilespmem:s29+$0xFFFFFF50]  }
0x67: {  	v0 =	vadd.f32 v2, v0  }
0x68: {  	v2 =	vld [tilespmem:s29+$0xFFFFFF90]  }
0x69: {  	v0 =	vadd.f32 v3, v0  }
0x6a: {  	v3 =	vld [tilespmem:s29+$0xFFFFFFD0]  }
0x6b: {  	v0 =	vadd.f32 v1, v0  }
0x6c: {  	v1 =	vld [tilespmem:s29+$0x10]  }
0x6d: {  	v0 =	vadd.f32 v2, v0  }
0x6e: {  	v2 =	vld [tilespmem:s29+$0x50]  }
0x6f: {  	v0 =	vadd.f32 v3, v0  }
0x70: {  	v3 =	vld [tilespmem:s29+$0x90]  }
0x71: {  	v0 =	vadd.f32 v1, v0  }
0x72: {  	v1 =	vld [tilespmem:s29+$0xD0]  }
0x73: {  	v0 =	vadd.f32 v2, v0  }
0x74: {  	v2 =	vld [tilespmem:s29+$0x110]  }
0x75: {  	v0 =	vadd.f32 v3, v0  }
0x76: {  	v3 =	vld [tilespmem:s29+$0x150]  }
0x77: {  	v0 =	vadd.f32 v1, v0  }
0x78: {  	v1 =	vld [tilespmem:s29+$0x190]  }
0x79: {  	v0 =	vadd.f32 v2, v0  }
0x7a: {  	v2 =	vld [tilespmem:s29+$0x1D0]  }
0x7b: {  	v0 =	vadd.f32 v3, v0  }
0x7c: {  	v3 =	vld [tilespmem:s29+$0x210]  }
0x7d: {  	v0 =	vadd.f32 v1, v0  }
0x7e: {  	v1 =	vld [tilespmem:s29+$0x250]  }
0x7f: {  	v0 =	vadd.f32 v2, v0;
	_ =	sdelay $0x1  }
0x80: {  	v0 =	vadd.f32 v3, v0;
	_ =	sdelay $0x1  }
0x81: {  	v0 =	vadd.f32 v1, v0;
	_ =	sdelay $0x1  }
0x82: {  	v0 =	vmul.f32 $5.000000070e-02, v0;
	_ =	sdelay $0x1  }
0x83: {  	[tilespmem:s30+$0xC810] =	vst v0  }
0x84: {  	v0 =	vld [tilespmem:s29+$0xFFFFFDA0]  }
0x85: {  	v1 =	vld [tilespmem:s29+$0xFFFFFDE0];
	_ =	sdelay $0x1  }
0x86: {  	v2 =	vld [tilespmem:s29+$0xFFFFFE20];
	_ =	sdelay $0x1  }
0x87: {  	v3 =	vld [tilespmem:s29+$0xFFFFFE60]  }
0x88: {  	v0 =	vadd.f32 v1, v0  }
0x89: {  	v1 =	vld [tilespmem:s29+$0xFFFFFEA0]  }
0x8a: {  	v0 =	vadd.f32 v2, v0  }
0x8b: {  	v2 =	vld [tilespmem:s29+$0xFFFFFEE0]  }
0x8c: {  	v0 =	vadd.f32 v3, v0  }
0x8d: {  	v3 =	vld [tilespmem:s29+$0xFFFFFF20]  }
0x8e: {  	v0 =	vadd.f32 v1, v0  }
0x8f: {  	v1 =	vld [tilespmem:s29+$0xFFFFFF60]  }
0x90: {  	v0 =	vadd.f32 v2, v0  }
0x91: {  	v2 =	vld [tilespmem:s29+$0xFFFFFFA0]  }
0x92: {  	v0 =	vadd.f32 v3, v0  }
0x93: {  	v3 =	vld [tilespmem:s29+$0xFFFFFFE0]  }
0x94: {  	v0 =	vadd.f32 v1, v0  }
0x95: {  	v1 =	vld [tilespmem:s29+$0x20]  }
0x96: {  	v0 =	vadd.f32 v2, v0  }
0x97: {  	v2 =	vld [tilespmem:s29+$0x60]  }
0x98: {  	v0 =	vadd.f32 v3, v0  }
0x99: {  	v3 =	vld [tilespmem:s29+$0xA0]  }
0x9a: {  	v0 =	vadd.f32 v1, v0  }
0x9b: {  	v1 =	vld [tilespmem:s29+$0xE0]  }
0x9c: {  	v0 =	vadd.f32 v2, v0  }
0x9d: {  	v2 =	vld [tilespmem:s29+$0x120]  }
0x9e: {  	v0 =	vadd.f32 v3, v0  }
0x9f: {  	v3 =	vld [tilespmem:s29+$0x160]  }
0xa0: {  	v0 =	vadd.f32 v1, v0  }
0xa1: {  	v1 =	vld [tilespmem:s29+$0x1A0]  }
0xa2: {  	v0 =	vadd.f32 v2, v0  }
0xa3: {  	v2 =	vld [tilespmem:s29+$0x1E0]  }
0xa4: {  	v0 =	vadd.f32 v3, v0  }
0xa5: {  	v3 =	vld [tilespmem:s29+$0x220]  }
0xa6: {  	v0 =	vadd.f32 v1, v0  }
0xa7: {  	v1 =	vld [tilespmem:s29+$0x260]  }
0xa8: {  	v0 =	vadd.f32 v2, v0;
	_ =	sdelay $0x1  }
0xa9: {  	v0 =	vadd.f32 v3, v0;
	_ =	sdelay $0x1  }
0xaa: {  	v0 =	vadd.f32 v1, v0;
	_ =	sdelay $0x1  }
0xab: {  	v0 =	vmul.f32 $5.000000070e-02, v0;
	_ =	sdelay $0x1  }
0xac: {  	[tilespmem:s30+$0xC820] =	vst v0  }
0xad: {  	v0 =	vld [tilespmem:s29+$0xFFFFFDB0]  }
0xae: {  	v1 =	vld [tilespmem:s29+$0xFFFFFDF0];
	_ =	sdelay $0x1  }
0xaf: {  	v2 =	vld [tilespmem:s29+$0xFFFFFE30];
	_ =	sdelay $0x1  }
0xb0: {  	v3 =	vld [tilespmem:s29+$0xFFFFFE70]  }
0xb1: {  	v0 =	vadd.f32 v1, v0  }
0xb2: {  	v1 =	vld [tilespmem:s29+$0xFFFFFEB0]  }
0xb3: {  	v0 =	vadd.f32 v2, v0  }
0xb4: {  	v2 =	vld [tilespmem:s29+$0xFFFFFEF0]  }
0xb5: {  	v0 =	vadd.f32 v3, v0  }
0xb6: {  	v3 =	vld [tilespmem:s29+$0xFFFFFF30]  }
0xb7: {  	v0 =	vadd.f32 v1, v0  }
0xb8: {  	v1 =	vld [tilespmem:s29+$0xFFFFFF70]  }
0xb9: {  	v0 =	vadd.f32 v2, v0  }
0xba: {  	v2 =	vld [tilespmem:s29+$0xFFFFFFB0]  }
0xbb: {  	v0 =	vadd.f32 v3, v0  }
0xbc: {  	v3 =	vld [tilespmem:s29+$0xFFFFFFF0]  }
0xbd: {  	v0 =	vadd.f32 v1, v0  }
0xbe: {  	v1 =	vld [tilespmem:s29+$0x30]  }
0xbf: {  	v0 =	vadd.f32 v2, v0  }
0xc0: {  	v2 =	vld [tilespmem:s29+$0x70]  }
0xc1: {  	v0 =	vadd.f32 v3, v0  }
0xc2: {  	v3 =	vld [tilespmem:s29+$0xB0]  }
0xc3: {  	v0 =	vadd.f32 v1, v0  }
0xc4: {  	v1 =	vld [tilespmem:s29+$0xF0]  }
0xc5: {  	v0 =	vadd.f32 v2, v0  }
0xc6: {  	v2 =	vld [tilespmem:s29+$0x130]  }
0xc7: {  	v0 =	vadd.f32 v3, v0  }
0xc8: {  	v3 =	vld [tilespmem:s29+$0x170]  }
0xc9: {  	v0 =	vadd.f32 v1, v0  }
0xca: {  	v1 =	vld [tilespmem:s29+$0x1B0]  }
0xcb: {  	v0 =	vadd.f32 v2, v0  }
0xcc: {  	v2 =	vld [tilespmem:s29+$0x1F0]  }
0xcd: {  	v0 =	vadd.f32 v3, v0;
	_ =	sdelay $0x1  }
0xce: {  	v3 =	vld [tilespmem:s29+$0x230];
	v0 =	vadd.f32 v1, v0;
	_ =	sdelay $0x1  }
0xcf: {  	v1 =	vadd.f32 v2, v0;
	v0 =	vld [tilespmem:s29+$0x270];
	_ =	sdelay $0x2  }
0xd0: {  	s1 =	simm.s32 $0x100;
	v1 =	vadd.f32 v3, v1  }
.LBB2_3:
0xd1: {  	p1 =	sne.s32 s1, $0xF00  }
0xd2: {  	s29 =	sadd.s32 $0x500, s29;
	s0 =	smov.u32 s1;
	s1 =	sadd.s32 $0x100, s1;
	v0 =	vadd.f32 v0, v1  }
0xd3: {  	_ = 	snop  }
0xd4: {  	v0 =	vmul.f32 $5.000000070e-02, v0;
	_ =	sdelay $0x1  }
0xd5: {  	[tilespmem:s30+$0xC830] =	vst v0  }
0xd6: {  	v0 =	vld [tilespmem:s29+$0xFFFFFDC0]  }
0xd7: {  	v1 =	vld [tilespmem:s29+$0xFFFFFD80];
	_ =	sdelay $0x1  }
0xd8: {  	v2 =	vld [tilespmem:s29+$0xFFFFFE00];
	_ =	sdelay $0x1  }
0xd9: {  	v3 =	vld [tilespmem:s29+$0xFFFFFE40]  }
0xda: {  	v0 =	vadd.f32 v0, v1  }
0xdb: {  	v1 =	vld [tilespmem:s29+$0xFFFFFE80]  }
0xdc: {  	v0 =	vadd.f32 v2, v0  }
0xdd: {  	v2 =	vld [tilespmem:s29+$0xFFFFFEC0]  }
0xde: {  	v0 =	vadd.f32 v3, v0  }
0xdf: {  	v3 =	vld [tilespmem:s29+$0xFFFFFF00]  }
0xe0: {  	v0 =	vadd.f32 v1, v0  }
0xe1: {  	v1 =	vld [tilespmem:s29+$0xFFFFFF40]  }
0xe2: {  	v0 =	vadd.f32 v2, v0  }
0xe3: {  	v2 =	vld [tilespmem:s29+$0xFFFFFF80]  }
0xe4: {  	v0 =	vadd.f32 v3, v0  }
0xe5: {  	v3 =	vld [tilespmem:s29+$0xFFFFFFC0]  }
0xe6: {  	v0 =	vadd.f32 v1, v0  }
0xe7: {  	v1 =	vld [tilespmem:s29+$0x0]  }
0xe8: {  	v0 =	vadd.f32 v2, v0  }
0xe9: {  	v2 =	vld [tilespmem:s29+$0x40]  }
0xea: {  	v0 =	vadd.f32 v3, v0  }
0xeb: {  	v3 =	vld [tilespmem:s29+$0x80]  }
0xec: {  	v0 =	vadd.f32 v1, v0  }
0xed: {  	v1 =	vld [tilespmem:s29+$0xC0]  }
0xee: {  	v0 =	vadd.f32 v2, v0  }
0xef: {  	v2 =	vld [tilespmem:s29+$0x100]  }
0xf0: {  	v0 =	vadd.f32 v3, v0  }
0xf1: {  	v3 =	vld [tilespmem:s29+$0x140]  }
0xf2: {  	v0 =	vadd.f32 v1, v0  }
0xf3: {  	v1 =	vld [tilespmem:s29+$0x180]  }
0xf4: {  	v0 =	vadd.f32 v2, v0  }
0xf5: {  	v2 =	vld [tilespmem:s29+$0x1C0]  }
0xf6: {  	v0 =	vadd.f32 v3, v0  }
0xf7: {  	v3 =	vld [tilespmem:s29+$0x200]  }
0xf8: {  	v0 =	vadd.f32 v1, v0  }
0xf9: {  	v1 =	vld [tilespmem:s29+$0x240]  }
0xfa: {  	v0 =	vadd.f32 v2, v0;
	_ =	sdelay $0x1  }
0xfb: {  	v0 =	vadd.f32 v3, v0;
	_ =	sdelay $0x1  }
0xfc: {  	v0 =	vadd.f32 v1, v0;
	_ =	sdelay $0x1  }
0xfd: {  	v0 =	vmul.f32 $5.000000070e-02, v0  }
0xfe: {  	s30 =	sshra.s32 s0, $0x2  }
0xff: {  	[tilespmem:s30+$0xC800] =	vst v0  }
0x100: {  	v0 =	vld [tilespmem:s29+$0xFFFFFD90]  }
0x101: {  	v1 =	vld [tilespmem:s29+$0xFFFFFDD0];
	_ =	sdelay $0x1  }
0x102: {  	v2 =	vld [tilespmem:s29+$0xFFFFFE10];
	_ =	sdelay $0x1  }
0x103: {  	v3 =	vld [tilespmem:s29+$0xFFFFFE50]  }
0x104: {  	v0 =	vadd.f32 v1, v0  }
0x105: {  	v1 =	vld [tilespmem:s29+$0xFFFFFE90]  }
0x106: {  	v0 =	vadd.f32 v2, v0  }
0x107: {  	v2 =	vld [tilespmem:s29+$0xFFFFFED0]  }
0x108: {  	v0 =	vadd.f32 v3, v0  }
0x109: {  	v3 =	vld [tilespmem:s29+$0xFFFFFF10]  }
0x10a: {  	v0 =	vadd.f32 v1, v0  }
0x10b: {  	v1 =	vld [tilespmem:s29+$0xFFFFFF50]  }
0x10c: {  	v0 =	vadd.f32 v2, v0  }
0x10d: {  	v2 =	vld [tilespmem:s29+$0xFFFFFF90]  }
0x10e: {  	v0 =	vadd.f32 v3, v0  }
0x10f: {  	v3 =	vld [tilespmem:s29+$0xFFFFFFD0]  }
0x110: {  	v0 =	vadd.f32 v1, v0  }
0x111: {  	v1 =	vld [tilespmem:s29+$0x10]  }
0x112: {  	v0 =	vadd.f32 v2, v0  }
0x113: {  	v2 =	vld [tilespmem:s29+$0x50]  }
0x114: {  	v0 =	vadd.f32 v3, v0  }
0x115: {  	v3 =	vld [tilespmem:s29+$0x90]  }
0x116: {  	v0 =	vadd.f32 v1, v0  }
0x117: {  	v1 =	vld [tilespmem:s29+$0xD0]  }
0x118: {  	v0 =	vadd.f32 v2, v0  }
0x119: {  	v2 =	vld [tilespmem:s29+$0x110]  }
0x11a: {  	v0 =	vadd.f32 v3, v0  }
0x11b: {  	v3 =	vld [tilespmem:s29+$0x150]  }
0x11c: {  	v0 =	vadd.f32 v1, v0  }
0x11d: {  	v1 =	vld [tilespmem:s29+$0x190]  }
0x11e: {  	v0 =	vadd.f32 v2, v0  }
0x11f: {  	v2 =	vld [tilespmem:s29+$0x1D0]  }
0x120: {  	v0 =	vadd.f32 v3, v0  }
0x121: {  	v3 =	vld [tilespmem:s29+$0x210]  }
0x122: {  	v0 =	vadd.f32 v1, v0  }
0x123: {  	v1 =	vld [tilespmem:s29+$0x250]  }
0x124: {  	v0 =	vadd.f32 v2, v0;
	_ =	sdelay $0x1  }
0x125: {  	v0 =	vadd.f32 v3, v0;
	_ =	sdelay $0x1  }
0x126: {  	v0 =	vadd.f32 v1, v0;
	_ =	sdelay $0x1  }
0x127: {  	v0 =	vmul.f32 $5.000000070e-02, v0;
	_ =	sdelay $0x1  }
0x128: {  	[tilespmem:s30+$0xC810] =	vst v0  }
0x129: {  	v0 =	vld [tilespmem:s29+$0xFFFFFDA0]  }
0x12a: {  	v1 =	vld [tilespmem:s29+$0xFFFFFDE0];
	_ =	sdelay $0x1  }
0x12b: {  	v2 =	vld [tilespmem:s29+$0xFFFFFE20];
	_ =	sdelay $0x1  }
0x12c: {  	v3 =	vld [tilespmem:s29+$0xFFFFFE60]  }
0x12d: {  	v0 =	vadd.f32 v1, v0  }
0x12e: {  	v1 =	vld [tilespmem:s29+$0xFFFFFEA0]  }
0x12f: {  	v0 =	vadd.f32 v2, v0  }
0x130: {  	v2 =	vld [tilespmem:s29+$0xFFFFFEE0]  }
0x131: {  	v0 =	vadd.f32 v3, v0  }
0x132: {  	v3 =	vld [tilespmem:s29+$0xFFFFFF20]  }
0x133: {  	v0 =	vadd.f32 v1, v0  }
0x134: {  	v1 =	vld [tilespmem:s29+$0xFFFFFF60]  }
0x135: {  	v0 =	vadd.f32 v2, v0  }
0x136: {  	v2 =	vld [tilespmem:s29+$0xFFFFFFA0]  }
0x137: {  	v0 =	vadd.f32 v3, v0  }
0x138: {  	v3 =	vld [tilespmem:s29+$0xFFFFFFE0]  }
0x139: {  	v0 =	vadd.f32 v1, v0  }
0x13a: {  	v1 =	vld [tilespmem:s29+$0x20]  }
0x13b: {  	v0 =	vadd.f32 v2, v0  }
0x13c: {  	v2 =	vld [tilespmem:s29+$0x60]  }
0x13d: {  	v0 =	vadd.f32 v3, v0  }
0x13e: {  	v3 =	vld [tilespmem:s29+$0xA0]  }
0x13f: {  	v0 =	vadd.f32 v1, v0  }
0x140: {  	v1 =	vld [tilespmem:s29+$0xE0]  }
0x141: {  	v0 =	vadd.f32 v2, v0  }
0x142: {  	v2 =	vld [tilespmem:s29+$0x120]  }
0x143: {  	v0 =	vadd.f32 v3, v0  }
0x144: {  	v3 =	vld [tilespmem:s29+$0x160]  }
0x145: {  	v0 =	vadd.f32 v1, v0  }
0x146: {  	v1 =	vld [tilespmem:s29+$0x1A0]  }
0x147: {  	v0 =	vadd.f32 v2, v0  }
0x148: {  	v2 =	vld [tilespmem:s29+$0x1E0]  }
0x149: {  	v0 =	vadd.f32 v3, v0  }
0x14a: {  	v3 =	vld [tilespmem:s29+$0x220]  }
0x14b: {  	v0 =	vadd.f32 v1, v0  }
0x14c: {  	v1 =	vld [tilespmem:s29+$0x260]  }
0x14d: {  	v0 =	vadd.f32 v2, v0;
	_ =	sdelay $0x1  }
0x14e: {  	v0 =	vadd.f32 v3, v0;
	_ =	sdelay $0x1  }
0x14f: {  	v0 =	vadd.f32 v1, v0;
	_ =	sdelay $0x1  }
0x150: {  	v0 =	vmul.f32 $5.000000070e-02, v0;
	_ =	sdelay $0x1  }
0x151: {  	[tilespmem:s30+$0xC820] =	vst v0  }
0x152: {  	v0 =	vld [tilespmem:s29+$0xFFFFFDB0]  }
0x153: {  	v1 =	vld [tilespmem:s29+$0xFFFFFDF0]  }
0x154: {  	v2 =	vld [tilespmem:s29+$0xFFFFFE30]  }
0x155: {  	v3 =	vld [tilespmem:s29+$0xFFFFFE70]  }
0x156: {  	v4 =	vld [tilespmem:s29+$0xFFFFFEB0]  }
0x157: {  	v5 =	vld [tilespmem:s29+$0xFFFFFEF0]  }
0x158: {  	v0 =	vadd.f32 v1, v0;
	v1 =	vld [tilespmem:s29+$0xFFFFFF30]  }
0x159: {  	v6 =	vld [tilespmem:s29+$0xFFFFFF70]  }
0x15a: {  	v0 =	vadd.f32 v2, v0;
	v2 =	vld [tilespmem:s29+$0xFFFFFFB0]  }
0x15b: {  	v7 =	vld [tilespmem:s29+$0xFFFFFFF0]  }
0x15c: {  	v0 =	vadd.f32 v3, v0;
	v3 =	vld [tilespmem:s29+$0x30]  }
0x15d: {  	v8 =	vld [tilespmem:s29+$0x70]  }
0x15e: {  	v0 =	vadd.f32 v4, v0;
	v4 =	vld [tilespmem:s29+$0xB0]  }
0x15f: {  	v9 =	vld [tilespmem:s29+$0xF0]  }
0x160: {  	v0 =	vadd.f32 v5, v0;
	v5 =	vld [tilespmem:s29+$0x130]  }
0x161: {  	v10 =	vld [tilespmem:s29+$0x170]  }
0x162: {  	v0 =	vadd.f32 v1, v0;
	v1 =	vld [tilespmem:s29+$0x1B0]  }
0x163: {  	v11 =	vld [tilespmem:s29+$0x1F0]  }
0x164: {  	v6 =	vadd.f32 v6, v0;
	v12 =	vld [tilespmem:s29+$0x230]  }
0x165: {  	v0 =	vld [tilespmem:s29+$0x270]  }
0x166: {  	v2 =	vadd.f32 v2, v6;
	_ =	sdelay $0x1  }
0x167: {  	v2 =	vadd.f32 v7, v2;
	_ =	sdelay $0x1  }
0x168: {  	v2 =	vadd.f32 v3, v2;
	_ =	sdelay $0x1  }
0x169: {  	v2 =	vadd.f32 v8, v2;
	_ =	sdelay $0x1  }
0x16a: {  	v2 =	vadd.f32 v4, v2;
	_ =	sdelay $0x1  }
0x16b: {  	v2 =	vadd.f32 v9, v2;
	_ =	sdelay $0x1  }
0x16c: {  	v2 =	vadd.f32 v5, v2;
	_ =	sdelay $0x1  }
0x16d: {  	v2 =	vadd.f32 v10, v2;
	_ =	sdelay $0x1  }
.Ltmp2:
0x16e: {  	v1 =	vadd.f32 v1, v2;
	(pc) =	sbr.rel @p1 .LBB2_3-.Ltmp2, $3  }
0x16f: {  	_ = 	snop  }
0x170: {  	v1 =	vadd.f32 v11, v1;
	_ =	sdelay $0x1  }
0x171: {  	v1 =	vadd.f32 v12, v1  }
0x172: {  	_ = 	snop  }
0x173: {  	v0 =	vadd.f32 v0, v1  }
0x174: {  	s0 =	sshll.u32 s28, $0x8;
	p1 =	seq.s32 s28, $0xF  }
0x175: {  	s29 =	sadd.s32 s0, s5;
	s0 =	smul.u32 @!p1 $0xA00, s28;
	v0 =	vmul.f32 $5.000000070e-02, v0;
	_ =	sdelay $0x1  }
0x176: {  	s0 =	sshra.s32 @!p1 s0, $0x2;
	[tilespmem:s30+$0xC830] =	vst v0  }
0x177: {  	[hbm4b:s29+s2] =	stream.linear.scatter [tilespmem:s21], [sflag:$0x4], $0x400, $0x38;
	[tilespmem:$0xD000] =	vst v63  }
0x178: {  	s31 =	simm.s32 @!p1 $0x2800;
	s1 =	sadd.s32 @!p1 $0x280, s0;
	s30 =	simm.s32 @!p1 $0x80  }
0x179: {  	[tilespmem:s31], [sflag:$0x2] =	stream.indirect.gather @!p1 [hbm4b:s3+s30], $0x40, s1, s30, $0xb8;
	[tilespmem:$0xD000] =	vst v63  }
0x17a: {  	s1 =	sadd.s32 @!p1 $0x300, s0;
	s31 =	simm.s32 @!p1 $0x4800  }
0x17b: {  	[tilespmem:s31], [sflag:$0x2] =	stream.indirect.gather @!p1 [hbm4b:s3+s30], $0x40, s1, s30, $0xb8;
	[tilespmem:$0xD000] =	vst v63  }
0x17c: {  	s0 =	sadd.s32 @!p1 $0x380, s0;
	s1 =	simm.s32 @!p1 $0x40;
	s30 =	simm.s32 @!p1 $0x6800  }
0x17d: {  	[tilespmem:s30], [sflag:$0x2] =	stream.indirect.gather @!p1 [hbm4b:s3+s1], $0x40, s0, s1, $0xb8;
	[tilespmem:$0xD000] =	vst v63  }
0x17e: {  	_ =	swait.ge [sflag:s22], $0x2000  }
0x17f: {  	[sflag:s22] =	ssyncset.done $0x0  }
0x180: {  	[sflag:s22] =	ssyncadd.s32 $0xFFFFE000  }
0x181: {  	_ =	swait.ge [sflag:s22], $0x2000  }
0x182: {  	[sflag:s22] =	ssyncset.done $0x0  }
0x183: {  	[sflag:s22] =	ssyncadd.s32 $0xFFFFE000  }
0x184: {  	_ =	swait.ge [sflag:s22], $0x1000  }
0x185: {  	[sflag:s22] =	ssyncset.done $0x0  }
0x186: {  	s0 =	simm.s32 @!p0 $0x5;
	[sflag:s22] =	ssyncadd.s32 $0xFFFFF000  }
0x187: {  	_ =	swait.ge @!p0 [sflag:s0], $0x400  }
0x188: {  	[sflag:s0] =	ssyncset.done @!p0 $0x0  }
0x189: {  	s1 =	simm.s32 $0x0;
	[sflag:s0] =	ssyncadd.s32 @!p0 $0xFFFFFC00  }
0x18a: {  	v0 =	vld [tilespmem:s1+$0x7800]  }
0x18b: {  	v1 =	vld [tilespmem:s1+$0x7840];
	_ =	sdelay $0x1  }
0x18c: {  	v2 =	vld [tilespmem:s1+$0x7880];
	_ =	sdelay $0x1  }
0x18d: {  	v3 =	vld [tilespmem:s1+$0x78C0]  }
0x18e: {  	v0 =	vadd.f32 v1, v0  }
0x18f: {  	v1 =	vld [tilespmem:s1+$0x7900]  }
0x190: {  	v0 =	vadd.f32 v2, v0  }
0x191: {  	v2 =	vld [tilespmem:s1+$0x7940]  }
0x192: {  	v0 =	vadd.f32 v3, v0  }
0x193: {  	v3 =	vld [tilespmem:s1+$0x7980]  }
0x194: {  	v0 =	vadd.f32 v1, v0  }
0x195: {  	v1 =	vld [tilespmem:s1+$0x79C0]  }
0x196: {  	v0 =	vadd.f32 v2, v0  }
0x197: {  	v2 =	vld [tilespmem:s1+$0x7A00]  }
0x198: {  	v0 =	vadd.f32 v3, v0  }
0x199: {  	v3 =	vld [tilespmem:s1+$0x7A40]  }
0x19a: {  	v0 =	vadd.f32 v1, v0  }
0x19b: {  	v1 =	vld [tilespmem:s1+$0x7A80]  }
0x19c: {  	v0 =	vadd.f32 v2, v0  }
0x19d: {  	v2 =	vld [tilespmem:s1+$0x7AC0]  }
0x19e: {  	v0 =	vadd.f32 v3, v0  }
0x19f: {  	v3 =	vld [tilespmem:s1+$0x7B00]  }
0x1a0: {  	v0 =	vadd.f32 v1, v0  }
0x1a1: {  	v1 =	vld [tilespmem:s1+$0x7B40]  }
0x1a2: {  	v0 =	vadd.f32 v2, v0  }
0x1a3: {  	v2 =	vld [tilespmem:s1+$0x7B80]  }
0x1a4: {  	v0 =	vadd.f32 v3, v0  }
0x1a5: {  	v3 =	vld [tilespmem:s1+$0x7BC0]  }
0x1a6: {  	v0 =	vadd.f32 v1, v0  }
0x1a7: {  	v1 =	vld [tilespmem:s1+$0x7C00]  }
0x1a8: {  	v0 =	vadd.f32 v2, v0  }
0x1a9: {  	v2 =	vld [tilespmem:s1+$0x7C40]  }
0x1aa: {  	v0 =	vadd.f32 v3, v0  }
0x1ab: {  	v3 =	vld [tilespmem:s1+$0x7C80]  }
0x1ac: {  	v0 =	vadd.f32 v1, v0  }
0x1ad: {  	v1 =	vld [tilespmem:s1+$0x7CC0]  }
0x1ae: {  	v0 =	vadd.f32 v2, v0;
	_ =	sdelay $0x1  }
0x1af: {  	v0 =	vadd.f32 v3, v0;
	_ =	sdelay $0x1  }
0x1b0: {  	v0 =	vadd.f32 v1, v0;
	_ =	sdelay $0x1  }
0x1b1: {  	v0 =	vmul.f32 $5.000000070e-02, v0  }
0x1b2: {  	s30 =	simm.s32 $0xCC30  }
0x1b3: {  	[tilespmem:s30+$0xFFFFFFD0] =	vst v0  }
0x1b4: {  	v0 =	vld [tilespmem:s1+$0x7810]  }
0x1b5: {  	v1 =	vld [tilespmem:s1+$0x7850];
	_ =	sdelay $0x1  }
0x1b6: {  	v2 =	vld [tilespmem:s1+$0x7890];
	_ =	sdelay $0x1  }
0x1b7: {  	v3 =	vld [tilespmem:s1+$0x78D0]  }
0x1b8: {  	v0 =	vadd.f32 v1, v0  }
0x1b9: {  	v1 =	vld [tilespmem:s1+$0x7910]  }
0x1ba: {  	v0 =	vadd.f32 v2, v0  }
0x1bb: {  	v2 =	vld [tilespmem:s1+$0x7950]  }
0x1bc: {  	v0 =	vadd.f32 v3, v0  }
0x1bd: {  	v3 =	vld [tilespmem:s1+$0x7990]  }
0x1be: {  	v0 =	vadd.f32 v1, v0  }
0x1bf: {  	v1 =	vld [tilespmem:s1+$0x79D0]  }
0x1c0: {  	v0 =	vadd.f32 v2, v0  }
0x1c1: {  	v2 =	vld [tilespmem:s1+$0x7A10]  }
0x1c2: {  	v0 =	vadd.f32 v3, v0  }
0x1c3: {  	v3 =	vld [tilespmem:s1+$0x7A50]  }
0x1c4: {  	v0 =	vadd.f32 v1, v0  }
0x1c5: {  	v1 =	vld [tilespmem:s1+$0x7A90]  }
0x1c6: {  	v0 =	vadd.f32 v2, v0  }
0x1c7: {  	v2 =	vld [tilespmem:s1+$0x7AD0]  }
0x1c8: {  	v0 =	vadd.f32 v3, v0  }
0x1c9: {  	v3 =	vld [tilespmem:s1+$0x7B10]  }
0x1ca: {  	v0 =	vadd.f32 v1, v0  }
0x1cb: {  	v1 =	vld [tilespmem:s1+$0x7B50]  }
0x1cc: {  	v0 =	vadd.f32 v2, v0  }
0x1cd: {  	v2 =	vld [tilespmem:s1+$0x7B90]  }
0x1ce: {  	v0 =	vadd.f32 v3, v0  }
0x1cf: {  	v3 =	vld [tilespmem:s1+$0x7BD0]  }
0x1d0: {  	v0 =	vadd.f32 v1, v0  }
0x1d1: {  	v1 =	vld [tilespmem:s1+$0x7C10]  }
0x1d2: {  	v0 =	vadd.f32 v2, v0  }
0x1d3: {  	v2 =	vld [tilespmem:s1+$0x7C50]  }
0x1d4: {  	v0 =	vadd.f32 v3, v0  }
0x1d5: {  	v3 =	vld [tilespmem:s1+$0x7C90]  }
0x1d6: {  	v0 =	vadd.f32 v1, v0  }
0x1d7: {  	v1 =	vld [tilespmem:s1+$0x7CD0]  }
0x1d8: {  	v0 =	vadd.f32 v2, v0;
	_ =	sdelay $0x1  }
0x1d9: {  	v0 =	vadd.f32 v3, v0;
	_ =	sdelay $0x1  }
0x1da: {  	v0 =	vadd.f32 v1, v0;
	_ =	sdelay $0x1  }
0x1db: {  	v0 =	vmul.f32 $5.000000070e-02, v0;
	_ =	sdelay $0x1  }
0x1dc: {  	[tilespmem:s30+$0xFFFFFFE0] =	vst v0  }
0x1dd: {  	v0 =	vld [tilespmem:s1+$0x7820]  }
0x1de: {  	v1 =	vld [tilespmem:s1+$0x7860];
	_ =	sdelay $0x1  }
0x1df: {  	v2 =	vld [tilespmem:s1+$0x78A0];
	_ =	sdelay $0x1  }
0x1e0: {  	v3 =	vld [tilespmem:s1+$0x78E0]  }
0x1e1: {  	v0 =	vadd.f32 v1, v0  }
0x1e2: {  	v1 =	vld [tilespmem:s1+$0x7920]  }
0x1e3: {  	v0 =	vadd.f32 v2, v0  }
0x1e4: {  	v2 =	vld [tilespmem:s1+$0x7960]  }
0x1e5: {  	v0 =	vadd.f32 v3, v0  }
0x1e6: {  	v3 =	vld [tilespmem:s1+$0x79A0]  }
0x1e7: {  	v0 =	vadd.f32 v1, v0  }
0x1e8: {  	v1 =	vld [tilespmem:s1+$0x79E0]  }
0x1e9: {  	v0 =	vadd.f32 v2, v0  }
0x1ea: {  	v2 =	vld [tilespmem:s1+$0x7A20]  }
0x1eb: {  	v0 =	vadd.f32 v3, v0  }
0x1ec: {  	v3 =	vld [tilespmem:s1+$0x7A60]  }
0x1ed: {  	v0 =	vadd.f32 v1, v0  }
0x1ee: {  	v1 =	vld [tilespmem:s1+$0x7AA0]  }
0x1ef: {  	v0 =	vadd.f32 v2, v0  }
0x1f0: {  	v2 =	vld [tilespmem:s1+$0x7AE0]  }
0x1f1: {  	v0 =	vadd.f32 v3, v0  }
0x1f2: {  	v3 =	vld [tilespmem:s1+$0x7B20]  }
0x1f3: {  	v0 =	vadd.f32 v1, v0  }
0x1f4: {  	v1 =	vld [tilespmem:s1+$0x7B60]  }
0x1f5: {  	v0 =	vadd.f32 v2, v0  }
0x1f6: {  	v2 =	vld [tilespmem:s1+$0x7BA0]  }
0x1f7: {  	v0 =	vadd.f32 v3, v0  }
0x1f8: {  	v3 =	vld [tilespmem:s1+$0x7BE0]  }
0x1f9: {  	v0 =	vadd.f32 v1, v0  }
0x1fa: {  	v1 =	vld [tilespmem:s1+$0x7C20]  }
0x1fb: {  	v0 =	vadd.f32 v2, v0  }
0x1fc: {  	v2 =	vld [tilespmem:s1+$0x7C60]  }
0x1fd: {  	v0 =	vadd.f32 v3, v0  }
0x1fe: {  	v3 =	vld [tilespmem:s1+$0x7CA0]  }
0x1ff: {  	v0 =	vadd.f32 v1, v0  }
0x200: {  	v1 =	vld [tilespmem:s1+$0x7CE0]  }
0x201: {  	v0 =	vadd.f32 v2, v0;
	_ =	sdelay $0x1  }
0x202: {  	v0 =	vadd.f32 v3, v0;
	_ =	sdelay $0x1  }
0x203: {  	v0 =	vadd.f32 v1, v0;
	_ =	sdelay $0x1  }
0x204: {  	v0 =	vmul.f32 $5.000000070e-02, v0;
	_ =	sdelay $0x1  }
0x205: {  	[tilespmem:s30+$0xFFFFFFF0] =	vst v0  }
0x206: {  	v0 =	vld [tilespmem:s1+$0x7830]  }
0x207: {  	v1 =	vld [tilespmem:s1+$0x7870];
	_ =	sdelay $0x1  }
0x208: {  	v2 =	vld [tilespmem:s1+$0x78B0];
	_ =	sdelay $0x1  }
0x209: {  	v3 =	vld [tilespmem:s1+$0x78F0]  }
0x20a: {  	v0 =	vadd.f32 v1, v0  }
0x20b: {  	v1 =	vld [tilespmem:s1+$0x7930]  }
0x20c: {  	v0 =	vadd.f32 v2, v0  }
0x20d: {  	v2 =	vld [tilespmem:s1+$0x7970]  }
0x20e: {  	v0 =	vadd.f32 v3, v0  }
0x20f: {  	v3 =	vld [tilespmem:s1+$0x79B0]  }
0x210: {  	v0 =	vadd.f32 v1, v0  }
0x211: {  	v1 =	vld [tilespmem:s1+$0x79F0]  }
0x212: {  	v0 =	vadd.f32 v2, v0  }
0x213: {  	v2 =	vld [tilespmem:s1+$0x7A30]  }
0x214: {  	v0 =	vadd.f32 v3, v0  }
0x215: {  	v3 =	vld [tilespmem:s1+$0x7A70]  }
0x216: {  	v0 =	vadd.f32 v1, v0  }
0x217: {  	v1 =	vld [tilespmem:s1+$0x7AB0]  }
0x218: {  	v0 =	vadd.f32 v2, v0  }
0x219: {  	v2 =	vld [tilespmem:s1+$0x7AF0]  }
0x21a: {  	v0 =	vadd.f32 v3, v0  }
0x21b: {  	v3 =	vld [tilespmem:s1+$0x7B30]  }
0x21c: {  	v0 =	vadd.f32 v1, v0  }
0x21d: {  	v1 =	vld [tilespmem:s1+$0x7B70]  }
0x21e: {  	v0 =	vadd.f32 v2, v0  }
0x21f: {  	v2 =	vld [tilespmem:s1+$0x7BB0]  }
0x220: {  	v0 =	vadd.f32 v3, v0  }
0x221: {  	v3 =	vld [tilespmem:s1+$0x7BF0]  }
0x222: {  	v0 =	vadd.f32 v1, v0  }
0x223: {  	v1 =	vld [tilespmem:s1+$0x7C30]  }
0x224: {  	v0 =	vadd.f32 v2, v0  }
0x225: {  	v2 =	vld [tilespmem:s1+$0x7C70]  }
0x226: {  	v0 =	vadd.f32 v3, v0  }
0x227: {  	v3 =	vld [tilespmem:s1+$0x7CB0]  }
0x228: {  	v0 =	vadd.f32 v1, v0;
	_ =	sdelay $0x1  }
0x229: {  	v1 =	vadd.f32 v2, v0;
	v0 =	vld [tilespmem:s1+$0x7CF0];
	_ =	sdelay $0x1  }
0x22a: {  	s31 =	simm.s32 $0x1400;
	s1 =	simm.s32 $0xCC30;
	v1 =	vadd.f32 v3, v1  }
.LBB2_5:
0x22b: {  	p0 =	sne.s32 s31, $0x12C00  }
0x22c: {  	s30 =	sadd.s32 $0x40, s30;
	s0 =	smov.u32 s31;
	s31 =	sadd.s32 $0x1400, s31  }
0x22d: {  	v0 =	vadd.f32 v0, v1;
	_ =	sdelay $0x1  }
0x22e: {  	v0 =	vmul.f32 $5.000000070e-02, v0  }
0x22f: {  	s0 =	sshra.s32 s0, $0x2  }
0x230: {  	[tilespmem:s1+$0x0] =	vst v0;
	s1 =	smov.u32 s30  }
0x231: {  	v0 =	vld [tilespmem:s0+$0x7800]  }
0x232: {  	v1 =	vld [tilespmem:s0+$0x7840];
	_ =	sdelay $0x1  }
0x233: {  	v2 =	vld [tilespmem:s0+$0x7880];
	_ =	sdelay $0x1  }
0x234: {  	v3 =	vld [tilespmem:s0+$0x78C0]  }
0x235: {  	v0 =	vadd.f32 v1, v0  }
0x236: {  	v1 =	vld [tilespmem:s0+$0x7900]  }
0x237: {  	v0 =	vadd.f32 v2, v0  }
0x238: {  	v2 =	vld [tilespmem:s0+$0x7940]  }
0x239: {  	v0 =	vadd.f32 v3, v0  }
0x23a: {  	v3 =	vld [tilespmem:s0+$0x7980]  }
0x23b: {  	v0 =	vadd.f32 v1, v0  }
0x23c: {  	v1 =	vld [tilespmem:s0+$0x79C0]  }
0x23d: {  	v0 =	vadd.f32 v2, v0  }
0x23e: {  	v2 =	vld [tilespmem:s0+$0x7A00]  }
0x23f: {  	v0 =	vadd.f32 v3, v0  }
0x240: {  	v3 =	vld [tilespmem:s0+$0x7A40]  }
0x241: {  	v0 =	vadd.f32 v1, v0  }
0x242: {  	v1 =	vld [tilespmem:s0+$0x7A80]  }
0x243: {  	v0 =	vadd.f32 v2, v0  }
0x244: {  	v2 =	vld [tilespmem:s0+$0x7AC0]  }
0x245: {  	v0 =	vadd.f32 v3, v0  }
0x246: {  	v3 =	vld [tilespmem:s0+$0x7B00]  }
0x247: {  	v0 =	vadd.f32 v1, v0  }
0x248: {  	v1 =	vld [tilespmem:s0+$0x7B40]  }
0x249: {  	v0 =	vadd.f32 v2, v0  }
0x24a: {  	v2 =	vld [tilespmem:s0+$0x7B80]  }
0x24b: {  	v0 =	vadd.f32 v3, v0  }
0x24c: {  	v3 =	vld [tilespmem:s0+$0x7BC0]  }
0x24d: {  	v0 =	vadd.f32 v1, v0  }
0x24e: {  	v1 =	vld [tilespmem:s0+$0x7C00]  }
0x24f: {  	v0 =	vadd.f32 v2, v0  }
0x250: {  	v2 =	vld [tilespmem:s0+$0x7C40]  }
0x251: {  	v0 =	vadd.f32 v3, v0  }
0x252: {  	v3 =	vld [tilespmem:s0+$0x7C80]  }
0x253: {  	v0 =	vadd.f32 v1, v0  }
0x254: {  	v1 =	vld [tilespmem:s0+$0x7CC0]  }
0x255: {  	v0 =	vadd.f32 v2, v0;
	_ =	sdelay $0x1  }
0x256: {  	v0 =	vadd.f32 v3, v0;
	_ =	sdelay $0x1  }
0x257: {  	v0 =	vadd.f32 v1, v0;
	_ =	sdelay $0x1  }
0x258: {  	v0 =	vmul.f32 $5.000000070e-02, v0;
	_ =	sdelay $0x1  }
0x259: {  	[tilespmem:s30+$0xFFFFFFD0] =	vst v0  }
0x25a: {  	v0 =	vld [tilespmem:s0+$0x7810]  }
0x25b: {  	v1 =	vld [tilespmem:s0+$0x7850];
	_ =	sdelay $0x1  }
0x25c: {  	v2 =	vld [tilespmem:s0+$0x7890];
	_ =	sdelay $0x1  }
0x25d: {  	v3 =	vld [tilespmem:s0+$0x78D0]  }
0x25e: {  	v0 =	vadd.f32 v1, v0  }
0x25f: {  	v1 =	vld [tilespmem:s0+$0x7910]  }
0x260: {  	v0 =	vadd.f32 v2, v0  }
0x261: {  	v2 =	vld [tilespmem:s0+$0x7950]  }
0x262: {  	v0 =	vadd.f32 v3, v0  }
0x263: {  	v3 =	vld [tilespmem:s0+$0x7990]  }
0x264: {  	v0 =	vadd.f32 v1, v0  }
0x265: {  	v1 =	vld [tilespmem:s0+$0x79D0]  }
0x266: {  	v0 =	vadd.f32 v2, v0  }
0x267: {  	v2 =	vld [tilespmem:s0+$0x7A10]  }
0x268: {  	v0 =	vadd.f32 v3, v0  }
0x269: {  	v3 =	vld [tilespmem:s0+$0x7A50]  }
0x26a: {  	v0 =	vadd.f32 v1, v0  }
0x26b: {  	v1 =	vld [tilespmem:s0+$0x7A90]  }
0x26c: {  	v0 =	vadd.f32 v2, v0  }
0x26d: {  	v2 =	vld [tilespmem:s0+$0x7AD0]  }
0x26e: {  	v0 =	vadd.f32 v3, v0  }
0x26f: {  	v3 =	vld [tilespmem:s0+$0x7B10]  }
0x270: {  	v0 =	vadd.f32 v1, v0  }
0x271: {  	v1 =	vld [tilespmem:s0+$0x7B50]  }
0x272: {  	v0 =	vadd.f32 v2, v0  }
0x273: {  	v2 =	vld [tilespmem:s0+$0x7B90]  }
0x274: {  	v0 =	vadd.f32 v3, v0  }
0x275: {  	v3 =	vld [tilespmem:s0+$0x7BD0]  }
0x276: {  	v0 =	vadd.f32 v1, v0  }
0x277: {  	v1 =	vld [tilespmem:s0+$0x7C10]  }
0x278: {  	v0 =	vadd.f32 v2, v0  }
0x279: {  	v2 =	vld [tilespmem:s0+$0x7C50]  }
0x27a: {  	v0 =	vadd.f32 v3, v0  }
0x27b: {  	v3 =	vld [tilespmem:s0+$0x7C90]  }
0x27c: {  	v0 =	vadd.f32 v1, v0  }
0x27d: {  	v1 =	vld [tilespmem:s0+$0x7CD0]  }
0x27e: {  	v0 =	vadd.f32 v2, v0;
	_ =	sdelay $0x1  }
0x27f: {  	v0 =	vadd.f32 v3, v0;
	_ =	sdelay $0x1  }
0x280: {  	v0 =	vadd.f32 v1, v0;
	_ =	sdelay $0x1  }
0x281: {  	v0 =	vmul.f32 $5.000000070e-02, v0;
	_ =	sdelay $0x1  }
0x282: {  	[tilespmem:s30+$0xFFFFFFE0] =	vst v0  }
0x283: {  	v0 =	vld [tilespmem:s0+$0x7820]  }
0x284: {  	v1 =	vld [tilespmem:s0+$0x7860];
	_ =	sdelay $0x1  }
0x285: {  	v2 =	vld [tilespmem:s0+$0x78A0];
	_ =	sdelay $0x1  }
0x286: {  	v3 =	vld [tilespmem:s0+$0x78E0]  }
0x287: {  	v0 =	vadd.f32 v1, v0  }
0x288: {  	v1 =	vld [tilespmem:s0+$0x7920]  }
0x289: {  	v0 =	vadd.f32 v2, v0  }
0x28a: {  	v2 =	vld [tilespmem:s0+$0x7960]  }
0x28b: {  	v0 =	vadd.f32 v3, v0  }
0x28c: {  	v3 =	vld [tilespmem:s0+$0x79A0]  }
0x28d: {  	v0 =	vadd.f32 v1, v0  }
0x28e: {  	v1 =	vld [tilespmem:s0+$0x79E0]  }
0x28f: {  	v0 =	vadd.f32 v2, v0  }
0x290: {  	v2 =	vld [tilespmem:s0+$0x7A20]  }
0x291: {  	v0 =	vadd.f32 v3, v0  }
0x292: {  	v3 =	vld [tilespmem:s0+$0x7A60]  }
0x293: {  	v0 =	vadd.f32 v1, v0  }
0x294: {  	v1 =	vld [tilespmem:s0+$0x7AA0]  }
0x295: {  	v0 =	vadd.f32 v2, v0  }
0x296: {  	v2 =	vld [tilespmem:s0+$0x7AE0]  }
0x297: {  	v0 =	vadd.f32 v3, v0  }
0x298: {  	v3 =	vld [tilespmem:s0+$0x7B20]  }
0x299: {  	v0 =	vadd.f32 v1, v0  }
0x29a: {  	v1 =	vld [tilespmem:s0+$0x7B60]  }
0x29b: {  	v0 =	vadd.f32 v2, v0  }
0x29c: {  	v2 =	vld [tilespmem:s0+$0x7BA0]  }
0x29d: {  	v0 =	vadd.f32 v3, v0  }
0x29e: {  	v3 =	vld [tilespmem:s0+$0x7BE0]  }
0x29f: {  	v0 =	vadd.f32 v1, v0  }
0x2a0: {  	v1 =	vld [tilespmem:s0+$0x7C20]  }
0x2a1: {  	v0 =	vadd.f32 v2, v0  }
0x2a2: {  	v2 =	vld [tilespmem:s0+$0x7C60]  }
0x2a3: {  	v0 =	vadd.f32 v3, v0  }
0x2a4: {  	v3 =	vld [tilespmem:s0+$0x7CA0]  }
0x2a5: {  	v0 =	vadd.f32 v1, v0  }
0x2a6: {  	v1 =	vld [tilespmem:s0+$0x7CE0]  }
0x2a7: {  	v0 =	vadd.f32 v2, v0;
	_ =	sdelay $0x1  }
0x2a8: {  	v0 =	vadd.f32 v3, v0;
	_ =	sdelay $0x1  }
0x2a9: {  	v0 =	vadd.f32 v1, v0;
	_ =	sdelay $0x1  }
0x2aa: {  	v0 =	vmul.f32 $5.000000070e-02, v0;
	_ =	sdelay $0x1  }
0x2ab: {  	[tilespmem:s30+$0xFFFFFFF0] =	vst v0  }
0x2ac: {  	v0 =	vld [tilespmem:s0+$0x7830]  }
0x2ad: {  	v1 =	vld [tilespmem:s0+$0x7870]  }
0x2ae: {  	v2 =	vld [tilespmem:s0+$0x78B0]  }
0x2af: {  	v3 =	vld [tilespmem:s0+$0x78F0]  }
0x2b0: {  	v4 =	vld [tilespmem:s0+$0x7930]  }
0x2b1: {  	v5 =	vld [tilespmem:s0+$0x7970]  }
0x2b2: {  	v0 =	vadd.f32 v1, v0;
	v1 =	vld [tilespmem:s0+$0x79B0]  }
0x2b3: {  	v6 =	vld [tilespmem:s0+$0x79F0]  }
0x2b4: {  	v0 =	vadd.f32 v2, v0;
	v2 =	vld [tilespmem:s0+$0x7A30]  }
0x2b5: {  	v7 =	vld [tilespmem:s0+$0x7A70]  }
0x2b6: {  	v0 =	vadd.f32 v3, v0;
	v3 =	vld [tilespmem:s0+$0x7AB0]  }
0x2b7: {  	v8 =	vld [tilespmem:s0+$0x7AF0]  }
0x2b8: {  	v0 =	vadd.f32 v4, v0;
	v4 =	vld [tilespmem:s0+$0x7B30]  }
0x2b9: {  	v9 =	vld [tilespmem:s0+$0x7B70]  }
0x2ba: {  	v0 =	vadd.f32 v5, v0;
	v5 =	vld [tilespmem:s0+$0x7BB0]  }
0x2bb: {  	v10 =	vld [tilespmem:s0+$0x7BF0]  }
0x2bc: {  	v0 =	vadd.f32 v1, v0;
	v1 =	vld [tilespmem:s0+$0x7C30]  }
0x2bd: {  	v11 =	vld [tilespmem:s0+$0x7C70]  }
0x2be: {  	v6 =	vadd.f32 v6, v0;
	v12 =	vld [tilespmem:s0+$0x7CB0]  }
0x2bf: {  	v0 =	vld [tilespmem:s0+$0x7CF0]  }
0x2c0: {  	v2 =	vadd.f32 v2, v6;
	_ =	sdelay $0x1  }
0x2c1: {  	v2 =	vadd.f32 v7, v2;
	_ =	sdelay $0x1  }
0x2c2: {  	v2 =	vadd.f32 v3, v2;
	_ =	sdelay $0x1  }
0x2c3: {  	v2 =	vadd.f32 v8, v2;
	_ =	sdelay $0x1  }
0x2c4: {  	v2 =	vadd.f32 v4, v2;
	_ =	sdelay $0x1  }
0x2c5: {  	v2 =	vadd.f32 v9, v2;
	_ =	sdelay $0x1  }
0x2c6: {  	v2 =	vadd.f32 v5, v2;
	_ =	sdelay $0x1  }
0x2c7: {  	v2 =	vadd.f32 v10, v2;
	_ =	sdelay $0x1  }
.Ltmp3:
0x2c8: {  	v1 =	vadd.f32 v1, v2;
	(pc) =	sbr.rel @p0 .LBB2_5-.Ltmp3, $3  }
0x2c9: {  	_ = 	snop  }
0x2ca: {  	v1 =	vadd.f32 v11, v1;
	_ =	sdelay $0x1  }
0x2cb: {  	v1 =	vadd.f32 v12, v1  }
0x2cc: {  	_ = 	snop  }
0x2cd: {  	v0 =	vadd.f32 v0, v1  }
.Ltmp4:
0x2ce: {  	_ = 	snop;
	(pc) =	sbr.rel @p1 .LBB2_8-.Ltmp4, $3  }
0x2cf: {  	v0 =	vmul.f32 $5.000000070e-02, v0;
	_ =	sdelay $0x1  }
0x2d0: {  	s0 =	sadd.s32 $0x80, s29;
	[tilespmem:s1+$0x0] =	vst v0  }
0x2d1: {  	[hbm4b:s0+s2] =	stream.linear.scatter [tilespmem:s23], [sflag:$0x5], $0x400, $0x38;
	[tilespmem:$0xD000] =	vst v63  }
0x2d2: {  	s0 =	smul.u32 $0xA00, s28;
	_ =	sdelay $0x1  }
0x2d3: {  	s0 =	sshra.s32 s0, $0x2  }
0x2d4: {  	s1 =	sadd.s32 $0x3C0, s0  }
0x2d5: {  	[tilespmem:s15], [sflag:$0x3] =	stream.indirect.gather [hbm4b:s3+s8], $0x40, s1, s8, $0xb8;
	[tilespmem:$0xD000] =	vst v63  }
.Ltmp5:
0x2d6: {  	_ = 	snop;
	(pc) =	sbr.rel .LBB2_2-.Ltmp5, $4  }
0x2d7: {  	s31 =	sadd.s32 $0x440, s0  }
0x2d8: {  	[tilespmem:s17], [sflag:$0x3] =	stream.indirect.gather [hbm4b:s3+s8], $0x40, s31, s8, $0xb8;
	[tilespmem:$0xD000] =	vst v63  }
0x2d9: {  	s28 =	sadd.s32 $0x1, s28;
	s0 =	sadd.s32 $0x4C0, s0  }
0x2da: {  	[tilespmem:s19], [sflag:$0x3] =	stream.indirect.gather [hbm4b:s3+s11], $0x40, s0, s11, $0xb8;
	[tilespmem:$0xD000] =	vst v63  }
.LBB2_9:
0x2db: {  	_ =	sfence.sel $0x180000  }
0x2dc: {  	[bflag:$0x0] =	sbarrier.arrive $0xFFFF  }
0x2dd: {  	_ =	strace $0x9000004A  }
0x2de: {  	s0 =	stileid.u32;
	[bflag:$0x2] =	sbarrier.arrive $0xFFFF  }
0x2df: {  	p0 =	sne.s32 s0, $0x0;
	s0 =	rddreg [dreg:$0x2]  }
0x2e0: {  	s0 =	sadd.s32 @!p0 $0x100000, s0  }
0x2e1: {  	[sflag:s0] =	ssyncadd.tile.s32 @!p0 $0x1;
	_ =	shalt  }
.Lfunc_end2:
_tile_overlayer_lowered:
.L_overlay_start_2:
0x2e2: {  	(tag) =	ssettag $0x2  }
0x2e3: {  	s0 =	rddreg [dreg:$0x0];
	s2 =	stileid.u32  }
0x2e4: {  	s1 =	rddreg [dreg:$0x1];
	p0 =	sne.s32 s2, $0x0  }
0x2e5: {  	s3 =	rddreg [dreg:$0x2];
	[bflag:$0x3] =	sbarrier.arrive $0xFFFF;
	s2 =	simm.s32 @!p0 $0x1C06  }
0x2e6: {  	[timem:s3], [sflag:s2] =	dma.local @!p0 [hbm:s0], s1  }
0x2e7: {  	s0 =	simm.s32 @!p0 $0x6  }
0x2e8: {  	_ =	swait.ge @!p0 [sflag:s0], s1  }
0x2e9: {  	s1 =	ssub.s32 @!p0 $0x0, s1;
	[sflag:s0] =	ssyncset.done @!p0 $0x0  }
0x2ea: {  	[sflag:s0] =	ssyncadd.s32 @!p0 s1  }
0x2eb: {  	[bflag:$0x3] =	sbarrier.arrive $0xFFFF  }
0x2ec: {  	_ =	shalt  }

</sc_bundles>
